<compile_context>
chip_gen: v7x
topology: tpu7x:2x2x1
jax: 0.10.2.dev20260603
libtpu: 0.0.44.dev20260713+nightly
codegen_flags: <defaults>
</compile_context>

<pallas_src>
import functools

import jax
import jax.numpy as jnp
from jax import lax
from jax.experimental import pallas as pl
from jax.experimental.pallas import tpu as pltpu
from jax.experimental.pallas import tpu_sc as plsc

_NUM_CORES = 2
_NUM_SUBCORES = 16
_NW = _NUM_CORES * _NUM_SUBCORES
_L = 16


def _repack_split(n_tok, rows_blk=1024):
    n_blk = -(-(n_tok // 2) // rows_blk)
    return n_blk * rows_blk, n_blk


def _repack_table(tok_t, *, n_tok, d, rows_blk=1024):
    hp, n_blk = _repack_split(n_tok, rows_blk)
    max_blk = n_tok // rows_blk

    def body(lo_ref, hi_ref, out_ref):
        out_ref[:, 0:d] = jnp.transpose(lo_ref[...], (1, 0))
        out_ref[:, d:2 * d] = jnp.transpose(hi_ref[...], (1, 0))

    return pl.pallas_call(
        body,
        grid=(n_blk,),
        in_specs=[
            pl.BlockSpec((d, rows_blk), lambda i: (0, i)),
            pl.BlockSpec(
                (d, rows_blk),
                lambda i, n=n_blk, m=max_blk: (0, jnp.minimum(i + n, m))),
        ],
        out_specs=pl.BlockSpec((rows_blk, 2 * d), lambda i: (i, 0)),
        out_shape=jax.ShapeDtypeStruct((hp, 2 * d), jnp.float32),
    )(tok_t, tok_t)


@functools.partial(jax.jit, static_argnames=("batch", "seq_len", "d", "hp"))
def _emb_lookup(idx_flat, tok128, pos_table, *, batch, seq_len, d, hp):
    seqs_per_w = batch // _NW
    n_pairs = seqs_per_w // 2
    d_vregs = d // _L
    idx_vregs = -(-seq_len // _L)
    n_gather = idx_vregs * _L

    mesh = plsc.VectorSubcoreMesh(core_axis_name="c", subcore_axis_name="s")

    @functools.partial(
        pl.kernel,
        mesh=mesh,
        out_type=jax.ShapeDtypeStruct((batch, seq_len, d), jnp.float32),
        scratch_types=[
            pltpu.VMEM((n_gather + _L,), jnp.int32),
            pltpu.VMEM((n_gather + _L,), jnp.int32),
            pltpu.VMEM((n_gather,), jnp.int32),
            pltpu.VMEM((n_gather,), jnp.int32),
            pltpu.VMEM((n_gather, 2 * d), jnp.float32),
            pltpu.VMEM((n_gather, 2 * d), jnp.float32),
            pltpu.VMEM((seq_len, d), jnp.float32),
            pltpu.VMEM((seq_len, d), jnp.float32),
            pltpu.VMEM((seq_len, d), jnp.float32),
            pltpu.SemaphoreType.DMA,
            pltpu.SemaphoreType.DMA,
            pltpu.SemaphoreType.DMA,
            pltpu.SemaphoreType.DMA,
        ],
    )
    def body(idx_hbm, tok_hbm, pos_hbm, out_hbm,
             raw_a, raw_b, gl_a, gl_b, gb_a, gb_b, sb_a, sb_b, pos_v,
             gsem_a, gsem_b, ssem_a, ssem_b):
        cid = lax.axis_index("c")
        sid = lax.axis_index("s")
        wid = sid * _NUM_CORES + cid
        base_seq = wid * seqs_per_w

        pltpu.sync_copy(pos_hbm, pos_v)

        def start_gather(q, raw_r, gl_r, gb_r, gsem):
            tok0 = (base_seq + q) * seq_len
            pltpu.sync_copy(idx_hbm.at[pl.ds(tok0, seq_len)],
                            raw_r.at[pl.ds(0, seq_len)])
            for k in range(idx_vregs):
                sl = pl.ds(k * _L, _L)
                raw = raw_r[sl]
                g = jnp.where(raw >= hp, raw - hp, raw)
                gl_r[sl] = jnp.minimum(jnp.maximum(g, 0), hp - 1)
            pltpu.async_copy(tok_hbm.at[gl_r], gb_r, gsem)

        def wait_gather(gl_r, gb_r, gsem):
            pltpu.make_async_copy(tok_hbm.at[gl_r], gb_r, gsem).wait()

        def select_add(raw_r, gb_r, sb_r):
            def jj_body(jj, carry):
                pair_raw = raw_r[pl.ds(2 * jj, _L)]
                for half in range(2):
                    s = 2 * jj + half
                    p = (pair_raw[half] >= hp).astype(jnp.int32) * d
                    for c in range(d_vregs):
                        sl = pl.ds(c * _L, _L)
                        sb_r[s, sl] = (gb_r[s, pl.ds(p + c * _L, _L)]
                                       + pos_v[s, sl])
                return carry
            lax.fori_loop(0, seq_len // 2, jj_body, 0, unroll=4)

        def start_store(q, sb_r, ssem):
            pltpu.async_copy(sb_r, out_hbm.at[base_seq + q], ssem)

        def wait_store(q, sb_r, ssem):
            pltpu.make_async_copy(
                sb_r, out_hbm.at[base_seq + q], ssem).wait()

        start_gather(0, raw_a, gl_a, gb_a, gsem_a)

        def pair_body(h, carry):
            qa = 2 * h
            qb = 2 * h + 1

            start_gather(qb, raw_b, gl_b, gb_b, gsem_b)

            wait_gather(gl_a, gb_a, gsem_a)

            @pl.when(h > 0)
            def _():
                wait_store(qa - 2, sb_a, ssem_a)
            select_add(raw_a, gb_a, sb_a)
            start_store(qa, sb_a, ssem_a)

            @pl.when(h + 1 < n_pairs)
            def _():
                start_gather(qa + 2, raw_a, gl_a, gb_a, gsem_a)

            wait_gather(gl_b, gb_b, gsem_b)

            @pl.when(h > 0)
            def _():
                wait_store(qb - 2, sb_b, ssem_b)
            select_add(raw_b, gb_b, sb_b)
            start_store(qb, sb_b, ssem_b)
            return carry

        lax.fori_loop(0, n_pairs, pair_body, 0)

        wait_store(seqs_per_w - 2, sb_a, ssem_a)
        wait_store(seqs_per_w - 1, sb_b, ssem_b)

    return body(idx_flat, tok128, pos_table)


def kernel(inputs, token_table, pos_table):
    b, s = inputs.shape
    n_tok, d = token_table.shape
    idx_flat = inputs.reshape(-1).astype(jnp.int32)
    hp, _ = _repack_split(n_tok)
    tok128 = _repack_table(token_table.T, n_tok=n_tok, d=d)
    return _emb_lookup(idx_flat, tok128, pos_table,
                       batch=b, seq_len=s, d=d, hp=hp)

# --- scband reference (transcript-rebuilt; emitter-appended) ---
"""Pipeline reference for scband-position-embedding-70068096467554 (READ-ONLY COPY).

The authoritative reference and input builder live on the scoring server;
editing this copy changes nothing except your own understanding.
"""

import jax, jax.numpy as jnp
import numpy as np

NUM_WORD = 1000000
MXLEN = 200
LATENT_DIM = 64
BATCH = 4096
SEQ_LEN = 200


def setup_inputs(seed: int = 0) -> dict:
    key = jax.random.key(seed)
    k1, k2, k3 = jax.random.split(key, 3)
    inputs = jax.random.randint(k1, (BATCH, SEQ_LEN), 0, NUM_WORD, dtype=jnp.int64 if jax.config.jax_enable_x64 else jnp.int32)
    token_table = jax.random.normal(k2, (NUM_WORD, LATENT_DIM), dtype=jnp.float32) * 0.02
    pos_table = jax.random.normal(k3, (MXLEN, LATENT_DIM), dtype=jnp.float32) * 0.02
    return {"inputs": inputs, "token_table": token_table, "pos_table": pos_table}


def reference(inputs, token_table, pos_table):
    # token embedding lookup: gather rows of token_table by inputs
    embedded_token = jnp.take(token_table, inputs, axis=0)  # [B, S, D]
    # positional embedding: positions = range(seq_length)
    seq_length = inputs.shape[-1]
    positions = jnp.arange(0, seq_length, 1)
    embedded_pos = jnp.take(pos_table, positions, axis=0)  # [S, D]
    return embedded_token + embedded_pos[None, :, :]

if __name__ == "__main__":
    import jax
    _d = setup_inputs()
    print(jax.jit(kernel)(*tuple(_d.values())))

</pallas_src>

<mosaic_0001>
#map = affine_map<(d0, d1) -> (0)>
#map1 = affine_map<(d0, d1) -> (0, 0)>
#map2 = affine_map<(d0, d1) -> (0, 0, 0)>
module attributes {stable_mosaic.version = 14 : i64} {
  func.func @body(%arg0: i32, %arg1: i32, %arg2: memref<819200xi32, #tpu.memory_space<hbm>>, %arg3: memref<500736x128xf32, #tpu.memory_space<hbm>>, %arg4: memref<200x64xf32, #tpu.memory_space<hbm>>, %arg5: memref<4096x200x64xf32, #tpu.memory_space<hbm>>, %arg6: memref<224xi32, #tpu.memory_space<vmem>>, %arg7: memref<224xi32, #tpu.memory_space<vmem>>, %arg8: memref<208xi32, #tpu.memory_space<vmem>>, %arg9: memref<208xi32, #tpu.memory_space<vmem>>, %arg10: memref<208x128xf32, #tpu.memory_space<vmem>>, %arg11: memref<208x128xf32, #tpu.memory_space<vmem>>, %arg12: memref<200x64xf32, #tpu.memory_space<vmem>>, %arg13: memref<200x64xf32, #tpu.memory_space<vmem>>, %arg14: memref<200x64xf32, #tpu.memory_space<vmem>>, %arg15: memref<!tpu.dma_semaphore, #tpu.memory_space<semaphore_mem>>, %arg16: memref<!tpu.dma_semaphore, #tpu.memory_space<semaphore_mem>>, %arg17: memref<!tpu.dma_semaphore, #tpu.memory_space<semaphore_mem>>, %arg18: memref<!tpu.dma_semaphore, #tpu.memory_space<semaphore_mem>>) attributes {dimension_semantics = [#tpu.dimension_semantics<core_parallel>, #tpu.dimension_semantics<subcore_parallel>], iteration_bounds = array<i64: 2, 16>, scalar_prefetch = 0 : i64, scratch_operands = 13 : i64, tpu.core_type = #tpu.core_type<sc_vector_subcore>, window_params = [{transform_indices = #map}, {transform_indices = #map1}, {transform_indices = #map1}, {transform_indices = #map2}]} {
    %mul3A = arith.constant 2 : i32
    %mul3A_0 = arith.muli %arg1, %mul3A : i32
    %add3A = arith.addi %mul3A_0, %arg0 : i32
    %mul3A_1 = arith.constant 128 : i32
    %mul3A_2 = arith.muli %add3A, %mul3A_1 : i32
    "tpu.region"() ({
      %run_scoped3A = tpu.sem_alloc : memref<!tpu.dma_semaphore, #tpu.memory_space<semaphore_mem>>
      tpu.enqueue_dma source(%arg4 : memref<200x64xf32, #tpu.memory_space<hbm>>) target(%arg14 : memref<200x64xf32, #tpu.memory_space<vmem>>) target_semaphore(%run_scoped3A : memref<!tpu.dma_semaphore, #tpu.memory_space<semaphore_mem>>)
      tpu.wait_dma2 semaphore(%run_scoped3A : memref<!tpu.dma_semaphore, #tpu.memory_space<semaphore_mem>>) src(%arg4 : memref<200x64xf32, #tpu.memory_space<hbm>>) dst(%arg14 : memref<200x64xf32, #tpu.memory_space<vmem>>)
      tpu.yield
    }) : () -> ()
    %add3A_3 = arith.constant 0 : i32
    %add3A_4 = arith.addi %mul3A_2, %add3A_3 : i32
    %mul3A_5 = arith.constant 200 : i32
    %mul3A_6 = arith.muli %add3A_4, %mul3A_5 : i32
    "tpu.region"() ({
      %run_scoped3A = tpu.sem_alloc : memref<!tpu.dma_semaphore, #tpu.memory_space<semaphore_mem>>
      %dma_start3A_286 = arith.constant 0 : i32
      %dma_start3A_287 = tpu.memref_slice %arg6[%dma_start3A_286] : memref<224xi32, #tpu.memory_space<vmem>> -> memref<200xi32, #tpu.memory_space<vmem>>
      %dma_start3A_288 = tpu.memref_slice %arg2[%mul3A_6] : memref<819200xi32, #tpu.memory_space<hbm>> -> memref<200xi32, #tpu.memory_space<hbm>>
      %dma_start3A_289 = arith.constant 0 : i32
      %dma_start3A_290 = tpu.memref_slice %arg6[%dma_start3A_289] : memref<224xi32, #tpu.memory_space<vmem>> -> memref<200xi32, #tpu.memory_space<vmem>>
      %dma_start3A_291 = tpu.memref_slice %arg2[%mul3A_6] : memref<819200xi32, #tpu.memory_space<hbm>> -> memref<200xi32, #tpu.memory_space<hbm>>
      tpu.enqueue_dma source(%dma_start3A_291 : memref<200xi32, #tpu.memory_space<hbm>>) target(%dma_start3A_290 : memref<200xi32, #tpu.memory_space<vmem>>) target_semaphore(%run_scoped3A : memref<!tpu.dma_semaphore, #tpu.memory_space<semaphore_mem>>)
      %dma_wait3A_292 = arith.constant 0 : i32
      %dma_wait3A_293 = tpu.memref_slice %arg6[%dma_wait3A_292] : memref<224xi32, #tpu.memory_space<vmem>> -> memref<200xi32, #tpu.memory_space<vmem>>
      %dma_wait3A_294 = tpu.memref_slice %arg2[%mul3A_6] : memref<819200xi32, #tpu.memory_space<hbm>> -> memref<200xi32, #tpu.memory_space<hbm>>
      %dma_wait3A_295 = arith.constant 0 : i32
      %dma_wait3A_296 = tpu.memref_slice %arg6[%dma_wait3A_295] : memref<224xi32, #tpu.memory_space<vmem>> -> memref<200xi32, #tpu.memory_space<vmem>>
      %dma_wait3A_297 = tpu.memref_slice %arg2[%mul3A_6] : memref<819200xi32, #tpu.memory_space<hbm>> -> memref<200xi32, #tpu.memory_space<hbm>>
      tpu.wait_dma2 semaphore(%run_scoped3A : memref<!tpu.dma_semaphore, #tpu.memory_space<semaphore_mem>>) src(%dma_wait3A_297 : memref<200xi32, #tpu.memory_space<hbm>>) dst(%dma_wait3A_296 : memref<200xi32, #tpu.memory_space<vmem>>)
      tpu.yield
    }) : () -> ()
    %get3A = arith.constant 0 : index
    %get3A_7 = tpu.vector_load %arg6[%get3A] {strides = array<i32>} : memref<224xi32, #tpu.memory_space<vmem>>, vector<16xi32>,
    %get3A_8 = vector.shape_cast %get3A_7 : vector<16xi32> to vector<16xi32>
    %ge3A = arith.constant 500736 : i32
    %ge3A_9 = vector.broadcast %ge3A : i32 to vector<16xi32>
    %ge3A_10 = arith.cmpi sge, %get3A_8, %ge3A_9 : vector<16xi32>
    %sub3A = arith.constant 500736 : i32
    %sub3A_11 = vector.broadcast %sub3A : i32 to vector<16xi32>
    %sub3A_12 = arith.subi %get3A_8, %sub3A_11 : vector<16xi32>
    %select_n3A = arith.select %ge3A_10, %sub3A_12, %get3A_8 : vector<16xi1>, vector<16xi32>
    %max3A = arith.constant 0 : i32
    %max3A_13 = vector.broadcast %max3A : i32 to vector<16xi32>
    %max3A_14 = arith.maxsi %select_n3A, %max3A_13 : vector<16xi32>
    %min3A = arith.constant 500735 : i32
    %min3A_15 = vector.broadcast %min3A : i32 to vector<16xi32>
    %min3A_16 = arith.minsi %max3A_14, %min3A_15 : vector<16xi32>
    %swap3A = arith.constant 0 : index
    %swap3A_17 = tpu.vector_load %arg8[%swap3A] {strides = array<i32>} : memref<208xi32, #tpu.memory_space<vmem>>, vector<16xi32>,
    %swap3A_18 = vector.shape_cast %swap3A_17 : vector<16xi32> to vector<16xi32>
    %swap3A_19 = vector.shape_cast %min3A_16 : vector<16xi32> to vector<16xi32>
    tpu.vector_store %arg8[%swap3A], %swap3A_19 {strides = array<i32>} : memref<208xi32, #tpu.memory_space<vmem>>, vector<16xi32>,
    %get3A_20 = arith.constant 16 : index
    %get3A_21 = tpu.vector_load %arg6[%get3A_20] {strides = array<i32>} : memref<224xi32, #tpu.memory_space<vmem>>, vector<16xi32>,
    %get3A_22 = vector.shape_cast %get3A_21 : vector<16xi32> to vector<16xi32>
    %ge3A_23 = arith.constant 500736 : i32
    %ge3A_24 = vector.broadcast %ge3A_23 : i32 to vector<16xi32>
    %ge3A_25 = arith.cmpi sge, %get3A_22, %ge3A_24 : vector<16xi32>
    %sub3A_26 = arith.constant 500736 : i32
    %sub3A_27 = vector.broadcast %sub3A_26 : i32 to vector<16xi32>
    %sub3A_28 = arith.subi %get3A_22, %sub3A_27 : vector<16xi32>
    %select_n3A_29 = arith.select %ge3A_25, %sub3A_28, %get3A_22 : vector<16xi1>, vector<16xi32>
    %max3A_30 = arith.constant 0 : i32
    %max3A_31 = vector.broadcast %max3A_30 : i32 to vector<16xi32>
    %max3A_32 = arith.maxsi %select_n3A_29, %max3A_31 : vector<16xi32>
    %min3A_33 = arith.constant 500735 : i32
    %min3A_34 = vector.broadcast %min3A_33 : i32 to vector<16xi32>
    %min3A_35 = arith.minsi %max3A_32, %min3A_34 : vector<16xi32>
    %swap3A_36 = arith.constant 16 : index
    %swap3A_37 = tpu.vector_load %arg8[%swap3A_36] {strides = array<i32>} : memref<208xi32, #tpu.memory_space<vmem>>, vector<16xi32>,
    %swap3A_38 = vector.shape_cast %swap3A_37 : vector<16xi32> to vector<16xi32>
    %swap3A_39 = vector.shape_cast %min3A_35 : vector<16xi32> to vector<16xi32>
    tpu.vector_store %arg8[%swap3A_36], %swap3A_39 {strides = array<i32>} : memref<208xi32, #tpu.memory_space<vmem>>, vector<16xi32>,
    %get3A_40 = arith.constant 32 : index
    %get3A_41 = tpu.vector_load %arg6[%get3A_40] {strides = array<i32>} : memref<224xi32, #tpu.memory_space<vmem>>, vector<16xi32>,
    %get3A_42 = vector.shape_cast %get3A_41 : vector<16xi32> to vector<16xi32>
    %ge3A_43 = arith.constant 500736 : i32
    %ge3A_44 = vector.broadcast %ge3A_43 : i32 to vector<16xi32>
    %ge3A_45 = arith.cmpi sge, %get3A_42, %ge3A_44 : vector<16xi32>
    %sub3A_46 = arith.constant 500736 : i32
    %sub3A_47 = vector.broadcast %sub3A_46 : i32 to vector<16xi32>
    %sub3A_48 = arith.subi %get3A_42, %sub3A_47 : vector<16xi32>
    %select_n3A_49 = arith.select %ge3A_45, %sub3A_48, %get3A_42 : vector<16xi1>, vector<16xi32>
    %max3A_50 = arith.constant 0 : i32
    %max3A_51 = vector.broadcast %max3A_50 : i32 to vector<16xi32>
    %max3A_52 = arith.maxsi %select_n3A_49, %max3A_51 : vector<16xi32>
    %min3A_53 = arith.constant 500735 : i32
    %min3A_54 = vector.broadcast %min3A_53 : i32 to vector<16xi32>
    %min3A_55 = arith.minsi %max3A_52, %min3A_54 : vector<16xi32>
    %swap3A_56 = arith.constant 32 : index
    %swap3A_57 = tpu.vector_load %arg8[%swap3A_56] {strides = array<i32>} : memref<208xi32, #tpu.memory_space<vmem>>, vector<16xi32>,
    %swap3A_58 = vector.shape_cast %swap3A_57 : vector<16xi32> to vector<16xi32>
    %swap3A_59 = vector.shape_cast %min3A_55 : vector<16xi32> to vector<16xi32>
    tpu.vector_store %arg8[%swap3A_56], %swap3A_59 {strides = array<i32>} : memref<208xi32, #tpu.memory_space<vmem>>, vector<16xi32>,
    %get3A_60 = arith.constant 48 : index
    %get3A_61 = tpu.vector_load %arg6[%get3A_60] {strides = array<i32>} : memref<224xi32, #tpu.memory_space<vmem>>, vector<16xi32>,
    %get3A_62 = vector.shape_cast %get3A_61 : vector<16xi32> to vector<16xi32>
    %ge3A_63 = arith.constant 500736 : i32
    %ge3A_64 = vector.broadcast %ge3A_63 : i32 to vector<16xi32>
    %ge3A_65 = arith.cmpi sge, %get3A_62, %ge3A_64 : vector<16xi32>
    %sub3A_66 = arith.constant 500736 : i32
    %sub3A_67 = vector.broadcast %sub3A_66 : i32 to vector<16xi32>
    %sub3A_68 = arith.subi %get3A_62, %sub3A_67 : vector<16xi32>
    %select_n3A_69 = arith.select %ge3A_65, %sub3A_68, %get3A_62 : vector<16xi1>, vector<16xi32>
    %max3A_70 = arith.constant 0 : i32
    %max3A_71 = vector.broadcast %max3A_70 : i32 to vector<16xi32>
    %max3A_72 = arith.maxsi %select_n3A_69, %max3A_71 : vector<16xi32>
    %min3A_73 = arith.constant 500735 : i32
    %min3A_74 = vector.broadcast %min3A_73 : i32 to vector<16xi32>
    %min3A_75 = arith.minsi %max3A_72, %min3A_74 : vector<16xi32>
    %swap3A_76 = arith.constant 48 : index
    %swap3A_77 = tpu.vector_load %arg8[%swap3A_76] {strides = array<i32>} : memref<208xi32, #tpu.memory_space<vmem>>, vector<16xi32>,
    %swap3A_78 = vector.shape_cast %swap3A_77 : vector<16xi32> to vector<16xi32>
    %swap3A_79 = vector.shape_cast %min3A_75 : vector<16xi32> to vector<16xi32>
    tpu.vector_store %arg8[%swap3A_76], %swap3A_79 {strides = array<i32>} : memref<208xi32, #tpu.memory_space<vmem>>, vector<16xi32>,
    %get3A_80 = arith.constant 64 : index
    %get3A_81 = tpu.vector_load %arg6[%get3A_80] {strides = array<i32>} : memref<224xi32, #tpu.memory_space<vmem>>, vector<16xi32>,
    %get3A_82 = vector.shape_cast %get3A_81 : vector<16xi32> to vector<16xi32>
    %ge3A_83 = arith.constant 500736 : i32
    %ge3A_84 = vector.broadcast %ge3A_83 : i32 to vector<16xi32>
    %ge3A_85 = arith.cmpi sge, %get3A_82, %ge3A_84 : vector<16xi32>
    %sub3A_86 = arith.constant 500736 : i32
    %sub3A_87 = vector.broadcast %sub3A_86 : i32 to vector<16xi32>
    %sub3A_88 = arith.subi %get3A_82, %sub3A_87 : vector<16xi32>
    %select_n3A_89 = arith.select %ge3A_85, %sub3A_88, %get3A_82 : vector<16xi1>, vector<16xi32>
    %max3A_90 = arith.constant 0 : i32
    %max3A_91 = vector.broadcast %max3A_90 : i32 to vector<16xi32>
    %max3A_92 = arith.maxsi %select_n3A_89, %max3A_91 : vector<16xi32>
    %min3A_93 = arith.constant 500735 : i32
    %min3A_94 = vector.broadcast %min3A_93 : i32 to vector<16xi32>
    %min3A_95 = arith.minsi %max3A_92, %min3A_94 : vector<16xi32>
    %swap3A_96 = arith.constant 64 : index
    %swap3A_97 = tpu.vector_load %arg8[%swap3A_96] {strides = array<i32>} : memref<208xi32, #tpu.memory_space<vmem>>, vector<16xi32>,
    %swap3A_98 = vector.shape_cast %swap3A_97 : vector<16xi32> to vector<16xi32>
    %swap3A_99 = vector.shape_cast %min3A_95 : vector<16xi32> to vector<16xi32>
    tpu.vector_store %arg8[%swap3A_96], %swap3A_99 {strides = array<i32>} : memref<208xi32, #tpu.memory_space<vmem>>, vector<16xi32>,
    %get3A_100 = arith.constant 80 : index
    %get3A_101 = tpu.vector_load %arg6[%get3A_100] {strides = array<i32>} : memref<224xi32, #tpu.memory_space<vmem>>, vector<16xi32>,
    %get3A_102 = vector.shape_cast %get3A_101 : vector<16xi32> to vector<16xi32>
    %ge3A_103 = arith.constant 500736 : i32
    %ge3A_104 = vector.broadcast %ge3A_103 : i32 to vector<16xi32>
    %ge3A_105 = arith.cmpi sge, %get3A_102, %ge3A_104 : vector<16xi32>
    %sub3A_106 = arith.constant 500736 : i32
    %sub3A_107 = vector.broadcast %sub3A_106 : i32 to vector<16xi32>
    %sub3A_108 = arith.subi %get3A_102, %sub3A_107 : vector<16xi32>
    %select_n3A_109 = arith.select %ge3A_105, %sub3A_108, %get3A_102 : vector<16xi1>, vector<16xi32>
    %max3A_110 = arith.constant 0 : i32
    %max3A_111 = vector.broadcast %max3A_110 : i32 to vector<16xi32>
    %max3A_112 = arith.maxsi %select_n3A_109, %max3A_111 : vector<16xi32>
    %min3A_113 = arith.constant 500735 : i32
    %min3A_114 = vector.broadcast %min3A_113 : i32 to vector<16xi32>
    %min3A_115 = arith.minsi %max3A_112, %min3A_114 : vector<16xi32>
    %swap3A_116 = arith.constant 80 : index
    %swap3A_117 = tpu.vector_load %arg8[%swap3A_116] {strides = array<i32>} : memref<208xi32, #tpu.memory_space<vmem>>, vector<16xi32>,
    %swap3A_118 = vector.shape_cast %swap3A_117 : vector<16xi32> to vector<16xi32>
    %swap3A_119 = vector.shape_cast %min3A_115 : vector<16xi32> to vector<16xi32>
    tpu.vector_store %arg8[%swap3A_116], %swap3A_119 {strides = array<i32>} : memref<208xi32, #tpu.memory_space<vmem>>, vector<16xi32>,
    %get3A_120 = arith.constant 96 : index
    %get3A_121 = tpu.vector_load %arg6[%get3A_120] {strides = array<i32>} : memref<224xi32, #tpu.memory_space<vmem>>, vector<16xi32>,
    %get3A_122 = vector.shape_cast %get3A_121 : vector<16xi32> to vector<16xi32>
    %ge3A_123 = arith.constant 500736 : i32
    %ge3A_124 = vector.broadcast %ge3A_123 : i32 to vector<16xi32>
    %ge3A_125 = arith.cmpi sge, %get3A_122, %ge3A_124 : vector<16xi32>
    %sub3A_126 = arith.constant 500736 : i32
    %sub3A_127 = vector.broadcast %sub3A_126 : i32 to vector<16xi32>
    %sub3A_128 = arith.subi %get3A_122, %sub3A_127 : vector<16xi32>
    %select_n3A_129 = arith.select %ge3A_125, %sub3A_128, %get3A_122 : vector<16xi1>, vector<16xi32>
    %max3A_130 = arith.constant 0 : i32
    %max3A_131 = vector.broadcast %max3A_130 : i32 to vector<16xi32>
    %max3A_132 = arith.maxsi %select_n3A_129, %max3A_131 : vector<16xi32>
    %min3A_133 = arith.constant 500735 : i32
    %min3A_134 = vector.broadcast %min3A_133 : i32 to vector<16xi32>
    %min3A_135 = arith.minsi %max3A_132, %min3A_134 : vector<16xi32>
    %swap3A_136 = arith.constant 96 : index
    %swap3A_137 = tpu.vector_load %arg8[%swap3A_136] {strides = array<i32>} : memref<208xi32, #tpu.memory_space<vmem>>, vector<16xi32>,
    %swap3A_138 = vector.shape_cast %swap3A_137 : vector<16xi32> to vector<16xi32>
    %swap3A_139 = vector.shape_cast %min3A_135 : vector<16xi32> to vector<16xi32>
    tpu.vector_store %arg8[%swap3A_136], %swap3A_139 {strides = array<i32>} : memref<208xi32, #tpu.memory_space<vmem>>, vector<16xi32>,
    %get3A_140 = arith.constant 112 : index
    %get3A_141 = tpu.vector_load %arg6[%get3A_140] {strides = array<i32>} : memref<224xi32, #tpu.memory_space<vmem>>, vector<16xi32>,
    %get3A_142 = vector.shape_cast %get3A_141 : vector<16xi32> to vector<16xi32>
    %ge3A_143 = arith.constant 500736 : i32
    %ge3A_144 = vector.broadcast %ge3A_143 : i32 to vector<16xi32>
    %ge3A_145 = arith.cmpi sge, %get3A_142, %ge3A_144 : vector<16xi32>
    %sub3A_146 = arith.constant 500736 : i32
    %sub3A_147 = vector.broadcast %sub3A_146 : i32 to vector<16xi32>
    %sub3A_148 = arith.subi %get3A_142, %sub3A_147 : vector<16xi32>
    %select_n3A_149 = arith.select %ge3A_145, %sub3A_148, %get3A_142 : vector<16xi1>, vector<16xi32>
    %max3A_150 = arith.constant 0 : i32
    %max3A_151 = vector.broadcast %max3A_150 : i32 to vector<16xi32>
    %max3A_152 = arith.maxsi %select_n3A_149, %max3A_151 : vector<16xi32>
    %min3A_153 = arith.constant 500735 : i32
    %min3A_154 = vector.broadcast %min3A_153 : i32 to vector<16xi32>
    %min3A_155 = arith.minsi %max3A_152, %min3A_154 : vector<16xi32>
    %swap3A_156 = arith.constant 112 : index
    %swap3A_157 = tpu.vector_load %arg8[%swap3A_156] {strides = array<i32>} : memref<208xi32, #tpu.memory_space<vmem>>, vector<16xi32>,
    %swap3A_158 = vector.shape_cast %swap3A_157 : vector<16xi32> to vector<16xi32>
    %swap3A_159 = vector.shape_cast %min3A_155 : vector<16xi32> to vector<16xi32>
    tpu.vector_store %arg8[%swap3A_156], %swap3A_159 {strides = array<i32>} : memref<208xi32, #tpu.memory_space<vmem>>, vector<16xi32>,
    %get3A_160 = arith.constant 128 : index
    %get3A_161 = tpu.vector_load %arg6[%get3A_160] {strides = array<i32>} : memref<224xi32, #tpu.memory_space<vmem>>, vector<16xi32>,
    %get3A_162 = vector.shape_cast %get3A_161 : vector<16xi32> to vector<16xi32>
    %ge3A_163 = arith.constant 500736 : i32
    %ge3A_164 = vector.broadcast %ge3A_163 : i32 to vector<16xi32>
    %ge3A_165 = arith.cmpi sge, %get3A_162, %ge3A_164 : vector<16xi32>
    %sub3A_166 = arith.constant 500736 : i32
    %sub3A_167 = vector.broadcast %sub3A_166 : i32 to vector<16xi32>
    %sub3A_168 = arith.subi %get3A_162, %sub3A_167 : vector<16xi32>
    %select_n3A_169 = arith.select %ge3A_165, %sub3A_168, %get3A_162 : vector<16xi1>, vector<16xi32>
    %max3A_170 = arith.constant 0 : i32
    %max3A_171 = vector.broadcast %max3A_170 : i32 to vector<16xi32>
    %max3A_172 = arith.maxsi %select_n3A_169, %max3A_171 : vector<16xi32>
    %min3A_173 = arith.constant 500735 : i32
    %min3A_174 = vector.broadcast %min3A_173 : i32 to vector<16xi32>
    %min3A_175 = arith.minsi %max3A_172, %min3A_174 : vector<16xi32>
    %swap3A_176 = arith.constant 128 : index
    %swap3A_177 = tpu.vector_load %arg8[%swap3A_176] {strides = array<i32>} : memref<208xi32, #tpu.memory_space<vmem>>, vector<16xi32>,
    %swap3A_178 = vector.shape_cast %swap3A_177 : vector<16xi32> to vector<16xi32>
    %swap3A_179 = vector.shape_cast %min3A_175 : vector<16xi32> to vector<16xi32>
    tpu.vector_store %arg8[%swap3A_176], %swap3A_179 {strides = array<i32>} : memref<208xi32, #tpu.memory_space<vmem>>, vector<16xi32>,
    %get3A_180 = arith.constant 144 : index
    %get3A_181 = tpu.vector_load %arg6[%get3A_180] {strides = array<i32>} : memref<224xi32, #tpu.memory_space<vmem>>, vector<16xi32>,
    %get3A_182 = vector.shape_cast %get3A_181 : vector<16xi32> to vector<16xi32>
    %ge3A_183 = arith.constant 500736 : i32
    %ge3A_184 = vector.broadcast %ge3A_183 : i32 to vector<16xi32>
    %ge3A_185 = arith.cmpi sge, %get3A_182, %ge3A_184 : vector<16xi32>
    %sub3A_186 = arith.constant 500736 : i32
    %sub3A_187 = vector.broadcast %sub3A_186 : i32 to vector<16xi32>
    %sub3A_188 = arith.subi %get3A_182, %sub3A_187 : vector<16xi32>
    %select_n3A_189 = arith.select %ge3A_185, %sub3A_188, %get3A_182 : vector<16xi1>, vector<16xi32>
    %max3A_190 = arith.constant 0 : i32
    %max3A_191 = vector.broadcast %max3A_190 : i32 to vector<16xi32>
    %max3A_192 = arith.maxsi %select_n3A_189, %max3A_191 : vector<16xi32>
    %min3A_193 = arith.constant 500735 : i32
    %min3A_194 = vector.broadcast %min3A_193 : i32 to vector<16xi32>
    %min3A_195 = arith.minsi %max3A_192, %min3A_194 : vector<16xi32>
    %swap3A_196 = arith.constant 144 : index
    %swap3A_197 = tpu.vector_load %arg8[%swap3A_196] {strides = array<i32>} : memref<208xi32, #tpu.memory_space<vmem>>, vector<16xi32>,
    %swap3A_198 = vector.shape_cast %swap3A_197 : vector<16xi32> to vector<16xi32>
    %swap3A_199 = vector.shape_cast %min3A_195 : vector<16xi32> to vector<16xi32>
    tpu.vector_store %arg8[%swap3A_196], %swap3A_199 {strides = array<i32>} : memref<208xi32, #tpu.memory_space<vmem>>, vector<16xi32>,
    %get3A_200 = arith.constant 160 : index
    %get3A_201 = tpu.vector_load %arg6[%get3A_200] {strides = array<i32>} : memref<224xi32, #tpu.memory_space<vmem>>, vector<16xi32>,
    %get3A_202 = vector.shape_cast %get3A_201 : vector<16xi32> to vector<16xi32>
    %ge3A_203 = arith.constant 500736 : i32
    %ge3A_204 = vector.broadcast %ge3A_203 : i32 to vector<16xi32>
    %ge3A_205 = arith.cmpi sge, %get3A_202, %ge3A_204 : vector<16xi32>
    %sub3A_206 = arith.constant 500736 : i32
    %sub3A_207 = vector.broadcast %sub3A_206 : i32 to vector<16xi32>
    %sub3A_208 = arith.subi %get3A_202, %sub3A_207 : vector<16xi32>
    %select_n3A_209 = arith.select %ge3A_205, %sub3A_208, %get3A_202 : vector<16xi1>, vector<16xi32>
    %max3A_210 = arith.constant 0 : i32
    %max3A_211 = vector.broadcast %max3A_210 : i32 to vector<16xi32>
    %max3A_212 = arith.maxsi %select_n3A_209, %max3A_211 : vector<16xi32>
    %min3A_213 = arith.constant 500735 : i32
    %min3A_214 = vector.broadcast %min3A_213 : i32 to vector<16xi32>
    %min3A_215 = arith.minsi %max3A_212, %min3A_214 : vector<16xi32>
    %swap3A_216 = arith.constant 160 : index
    %swap3A_217 = tpu.vector_load %arg8[%swap3A_216] {strides = array<i32>} : memref<208xi32, #tpu.memory_space<vmem>>, vector<16xi32>,
    %swap3A_218 = vector.shape_cast %swap3A_217 : vector<16xi32> to vector<16xi32>
    %swap3A_219 = vector.shape_cast %min3A_215 : vector<16xi32> to vector<16xi32>
    tpu.vector_store %arg8[%swap3A_216], %swap3A_219 {strides = array<i32>} : memref<208xi32, #tpu.memory_space<vmem>>, vector<16xi32>,
    %get3A_220 = arith.constant 176 : index
    %get3A_221 = tpu.vector_load %arg6[%get3A_220] {strides = array<i32>} : memref<224xi32, #tpu.memory_space<vmem>>, vector<16xi32>,
    %get3A_222 = vector.shape_cast %get3A_221 : vector<16xi32> to vector<16xi32>
    %ge3A_223 = arith.constant 500736 : i32
    %ge3A_224 = vector.broadcast %ge3A_223 : i32 to vector<16xi32>
    %ge3A_225 = arith.cmpi sge, %get3A_222, %ge3A_224 : vector<16xi32>
    %sub3A_226 = arith.constant 500736 : i32
    %sub3A_227 = vector.broadcast %sub3A_226 : i32 to vector<16xi32>
    %sub3A_228 = arith.subi %get3A_222, %sub3A_227 : vector<16xi32>
    %select_n3A_229 = arith.select %ge3A_225, %sub3A_228, %get3A_222 : vector<16xi1>, vector<16xi32>
    %max3A_230 = arith.constant 0 : i32
    %max3A_231 = vector.broadcast %max3A_230 : i32 to vector<16xi32>
    %max3A_232 = arith.maxsi %select_n3A_229, %max3A_231 : vector<16xi32>
    %min3A_233 = arith.constant 500735 : i32
    %min3A_234 = vector.broadcast %min3A_233 : i32 to vector<16xi32>
    %min3A_235 = arith.minsi %max3A_232, %min3A_234 : vector<16xi32>
    %swap3A_236 = arith.constant 176 : index
    %swap3A_237 = tpu.vector_load %arg8[%swap3A_236] {strides = array<i32>} : memref<208xi32, #tpu.memory_space<vmem>>, vector<16xi32>,
    %swap3A_238 = vector.shape_cast %swap3A_237 : vector<16xi32> to vector<16xi32>
    %swap3A_239 = vector.shape_cast %min3A_235 : vector<16xi32> to vector<16xi32>
    tpu.vector_store %arg8[%swap3A_236], %swap3A_239 {strides = array<i32>} : memref<208xi32, #tpu.memory_space<vmem>>, vector<16xi32>,
    %get3A_240 = arith.constant 192 : index
    %get3A_241 = tpu.vector_load %arg6[%get3A_240] {strides = array<i32>} : memref<224xi32, #tpu.memory_space<vmem>>, vector<16xi32>,
    %get3A_242 = vector.shape_cast %get3A_241 : vector<16xi32> to vector<16xi32>
    %ge3A_243 = arith.constant 500736 : i32
    %ge3A_244 = vector.broadcast %ge3A_243 : i32 to vector<16xi32>
    %ge3A_245 = arith.cmpi sge, %get3A_242, %ge3A_244 : vector<16xi32>
    %sub3A_246 = arith.constant 500736 : i32
    %sub3A_247 = vector.broadcast %sub3A_246 : i32 to vector<16xi32>
    %sub3A_248 = arith.subi %get3A_242, %sub3A_247 : vector<16xi32>
    %select_n3A_249 = arith.select %ge3A_245, %sub3A_248, %get3A_242 : vector<16xi1>, vector<16xi32>
    %max3A_250 = arith.constant 0 : i32
    %max3A_251 = vector.broadcast %max3A_250 : i32 to vector<16xi32>
    %max3A_252 = arith.maxsi %select_n3A_249, %max3A_251 : vector<16xi32>
    %min3A_253 = arith.constant 500735 : i32
    %min3A_254 = vector.broadcast %min3A_253 : i32 to vector<16xi32>
    %min3A_255 = arith.minsi %max3A_252, %min3A_254 : vector<16xi32>
    %swap3A_256 = arith.constant 192 : index
    %swap3A_257 = tpu.vector_load %arg8[%swap3A_256] {strides = array<i32>} : memref<208xi32, #tpu.memory_space<vmem>>, vector<16xi32>,
    %swap3A_258 = vector.shape_cast %swap3A_257 : vector<16xi32> to vector<16xi32>
    %swap3A_259 = vector.shape_cast %min3A_255 : vector<16xi32> to vector<16xi32>
    tpu.vector_store %arg8[%swap3A_256], %swap3A_259 {strides = array<i32>} : memref<208xi32, #tpu.memory_space<vmem>>, vector<16xi32>,
    %dma_start3A = arith.constant 0 : i32
    %dma_start3A_260 = arith.constant 0 : i32
    %dma_start3A_261 = tpu.memref_slice %arg3[%dma_start3A, %dma_start3A_260] : memref<500736x128xf32, #tpu.memory_space<hbm>> -> memref<500736x128xf32, #tpu.memory_space<hbm>>
    tpu.enqueue_indirect_dma source(%dma_start3A_261 : memref<500736x128xf32, #tpu.memory_space<hbm>>) target(%arg10 : memref<208x128xf32, #tpu.memory_space<vmem>>) offsets(%arg8 : memref<208xi32, #tpu.memory_space<vmem>>) semaphore(%arg15 : memref<!tpu.dma_semaphore, #tpu.memory_space<semaphore_mem>>)
    %scan3A = arith.constant 0 : i32
    %scan3A_262 = arith.constant 0 : i32
    %scan3A_263 = arith.constant 64 : i32
    %scan3A_264 = arith.addi %scan3A_262, %scan3A_263 : i32
    %scan3A_265 = arith.constant 1 : i32
    scf.for %scan3A_286 = %scan3A_262 to %scan3A_264 step %scan3A_265  : i32 {
      %mul3A_287 = arith.constant 2 : i32
      %mul3A_288 = arith.muli %mul3A_287, %scan3A_286 : i32
      %mul3A_289 = arith.constant 2 : i32
      %mul3A_290 = arith.muli %mul3A_289, %scan3A_286 : i32
      %add3A_291 = arith.constant 1 : i32
      %add3A_292 = arith.addi %mul3A_290, %add3A_291 : i32
      %add3A_293 = arith.addi %mul3A_2, %add3A_292 : i32
      %mul3A_294 = arith.constant 200 : i32
      %mul3A_295 = arith.muli %add3A_293, %mul3A_294 : i32
      "tpu.region"() ({
        %run_scoped3A = tpu.sem_alloc : memref<!tpu.dma_semaphore, #tpu.memory_space<semaphore_mem>>
        %dma_start3A_608 = arith.constant 0 : i32
        %dma_start3A_609 = tpu.memref_slice %arg7[%dma_start3A_608] : memref<224xi32, #tpu.memory_space<vmem>> -> memref<200xi32, #tpu.memory_space<vmem>>
        %dma_start3A_610 = tpu.memref_slice %arg2[%mul3A_295] : memref<819200xi32, #tpu.memory_space<hbm>> -> memref<200xi32, #tpu.memory_space<hbm>>
        %dma_start3A_611 = arith.constant 0 : i32
        %dma_start3A_612 = tpu.memref_slice %arg7[%dma_start3A_611] : memref<224xi32, #tpu.memory_space<vmem>> -> memref<200xi32, #tpu.memory_space<vmem>>
        %dma_start3A_613 = tpu.memref_slice %arg2[%mul3A_295] : memref<819200xi32, #tpu.memory_space<hbm>> -> memref<200xi32, #tpu.memory_space<hbm>>
        tpu.enqueue_dma source(%dma_start3A_613 : memref<200xi32, #tpu.memory_space<hbm>>) target(%dma_start3A_612 : memref<200xi32, #tpu.memory_space<vmem>>) target_semaphore(%run_scoped3A : memref<!tpu.dma_semaphore, #tpu.memory_space<semaphore_mem>>)
        %dma_wait3A_614 = arith.constant 0 : i32
        %dma_wait3A_615 = tpu.memref_slice %arg7[%dma_wait3A_614] : memref<224xi32, #tpu.memory_space<vmem>> -> memref<200xi32, #tpu.memory_space<vmem>>
        %dma_wait3A_616 = tpu.memref_slice %arg2[%mul3A_295] : memref<819200xi32, #tpu.memory_space<hbm>> -> memref<200xi32, #tpu.memory_space<hbm>>
        %dma_wait3A_617 = arith.constant 0 : i32
        %dma_wait3A_618 = tpu.memref_slice %arg7[%dma_wait3A_617] : memref<224xi32, #tpu.memory_space<vmem>> -> memref<200xi32, #tpu.memory_space<vmem>>
        %dma_wait3A_619 = tpu.memref_slice %arg2[%mul3A_295] : memref<819200xi32, #tpu.memory_space<hbm>> -> memref<200xi32, #tpu.memory_space<hbm>>
        tpu.wait_dma2 semaphore(%run_scoped3A : memref<!tpu.dma_semaphore, #tpu.memory_space<semaphore_mem>>) src(%dma_wait3A_619 : memref<200xi32, #tpu.memory_space<hbm>>) dst(%dma_wait3A_618 : memref<200xi32, #tpu.memory_space<vmem>>)
        tpu.yield
      }) : () -> ()
      %get3A_296 = arith.constant 0 : index
      %get3A_297 = tpu.vector_load %arg7[%get3A_296] {strides = array<i32>} : memref<224xi32, #tpu.memory_space<vmem>>, vector<16xi32>,
      %get3A_298 = vector.shape_cast %get3A_297 : vector<16xi32> to vector<16xi32>
      %ge3A_299 = arith.constant 500736 : i32
      %ge3A_300 = vector.broadcast %ge3A_299 : i32 to vector<16xi32>
      %ge3A_301 = arith.cmpi sge, %get3A_298, %ge3A_300 : vector<16xi32>
      %sub3A_302 = arith.constant 500736 : i32
      %sub3A_303 = vector.broadcast %sub3A_302 : i32 to vector<16xi32>
      %sub3A_304 = arith.subi %get3A_298, %sub3A_303 : vector<16xi32>
      %select_n3A_305 = arith.select %ge3A_301, %sub3A_304, %get3A_298 : vector<16xi1>, vector<16xi32>
      %max3A_306 = arith.constant 0 : i32
      %max3A_307 = vector.broadcast %max3A_306 : i32 to vector<16xi32>
      %max3A_308 = arith.maxsi %select_n3A_305, %max3A_307 : vector<16xi32>
      %min3A_309 = arith.constant 500735 : i32
      %min3A_310 = vector.broadcast %min3A_309 : i32 to vector<16xi32>
      %min3A_311 = arith.minsi %max3A_308, %min3A_310 : vector<16xi32>
      %swap3A_312 = arith.constant 0 : index
      %swap3A_313 = tpu.vector_load %arg9[%swap3A_312] {strides = array<i32>} : memref<208xi32, #tpu.memory_space<vmem>>, vector<16xi32>,
      %swap3A_314 = vector.shape_cast %swap3A_313 : vector<16xi32> to vector<16xi32>
      %swap3A_315 = vector.shape_cast %min3A_311 : vector<16xi32> to vector<16xi32>
      tpu.vector_store %arg9[%swap3A_312], %swap3A_315 {strides = array<i32>} : memref<208xi32, #tpu.memory_space<vmem>>, vector<16xi32>,
      %get3A_316 = arith.constant 16 : index
      %get3A_317 = tpu.vector_load %arg7[%get3A_316] {strides = array<i32>} : memref<224xi32, #tpu.memory_space<vmem>>, vector<16xi32>,
      %get3A_318 = vector.shape_cast %get3A_317 : vector<16xi32> to vector<16xi32>
      %ge3A_319 = arith.constant 500736 : i32
      %ge3A_320 = vector.broadcast %ge3A_319 : i32 to vector<16xi32>
      %ge3A_321 = arith.cmpi sge, %get3A_318, %ge3A_320 : vector<16xi32>
      %sub3A_322 = arith.constant 500736 : i32
      %sub3A_323 = vector.broadcast %sub3A_322 : i32 to vector<16xi32>
      %sub3A_324 = arith.subi %get3A_318, %sub3A_323 : vector<16xi32>
      %select_n3A_325 = arith.select %ge3A_321, %sub3A_324, %get3A_318 : vector<16xi1>, vector<16xi32>
      %max3A_326 = arith.constant 0 : i32
      %max3A_327 = vector.broadcast %max3A_326 : i32 to vector<16xi32>
      %max3A_328 = arith.maxsi %select_n3A_325, %max3A_327 : vector<16xi32>
      %min3A_329 = arith.constant 500735 : i32
      %min3A_330 = vector.broadcast %min3A_329 : i32 to vector<16xi32>
      %min3A_331 = arith.minsi %max3A_328, %min3A_330 : vector<16xi32>
      %swap3A_332 = arith.constant 16 : index
      %swap3A_333 = tpu.vector_load %arg9[%swap3A_332] {strides = array<i32>} : memref<208xi32, #tpu.memory_space<vmem>>, vector<16xi32>,
      %swap3A_334 = vector.shape_cast %swap3A_333 : vector<16xi32> to vector<16xi32>
      %swap3A_335 = vector.shape_cast %min3A_331 : vector<16xi32> to vector<16xi32>
      tpu.vector_store %arg9[%swap3A_332], %swap3A_335 {strides = array<i32>} : memref<208xi32, #tpu.memory_space<vmem>>, vector<16xi32>,
      %get3A_336 = arith.constant 32 : index
      %get3A_337 = tpu.vector_load %arg7[%get3A_336] {strides = array<i32>} : memref<224xi32, #tpu.memory_space<vmem>>, vector<16xi32>,
      %get3A_338 = vector.shape_cast %get3A_337 : vector<16xi32> to vector<16xi32>
      %ge3A_339 = arith.constant 500736 : i32
      %ge3A_340 = vector.broadcast %ge3A_339 : i32 to vector<16xi32>
      %ge3A_341 = arith.cmpi sge, %get3A_338, %ge3A_340 : vector<16xi32>
      %sub3A_342 = arith.constant 500736 : i32
      %sub3A_343 = vector.broadcast %sub3A_342 : i32 to vector<16xi32>
      %sub3A_344 = arith.subi %get3A_338, %sub3A_343 : vector<16xi32>
      %select_n3A_345 = arith.select %ge3A_341, %sub3A_344, %get3A_338 : vector<16xi1>, vector<16xi32>
      %max3A_346 = arith.constant 0 : i32
      %max3A_347 = vector.broadcast %max3A_346 : i32 to vector<16xi32>
      %max3A_348 = arith.maxsi %select_n3A_345, %max3A_347 : vector<16xi32>
      %min3A_349 = arith.constant 500735 : i32
      %min3A_350 = vector.broadcast %min3A_349 : i32 to vector<16xi32>
      %min3A_351 = arith.minsi %max3A_348, %min3A_350 : vector<16xi32>
      %swap3A_352 = arith.constant 32 : index
      %swap3A_353 = tpu.vector_load %arg9[%swap3A_352] {strides = array<i32>} : memref<208xi32, #tpu.memory_space<vmem>>, vector<16xi32>,
      %swap3A_354 = vector.shape_cast %swap3A_353 : vector<16xi32> to vector<16xi32>
      %swap3A_355 = vector.shape_cast %min3A_351 : vector<16xi32> to vector<16xi32>
      tpu.vector_store %arg9[%swap3A_352], %swap3A_355 {strides = array<i32>} : memref<208xi32, #tpu.memory_space<vmem>>, vector<16xi32>,
      %get3A_356 = arith.constant 48 : index
      %get3A_357 = tpu.vector_load %arg7[%get3A_356] {strides = array<i32>} : memref<224xi32, #tpu.memory_space<vmem>>, vector<16xi32>,
      %get3A_358 = vector.shape_cast %get3A_357 : vector<16xi32> to vector<16xi32>
      %ge3A_359 = arith.constant 500736 : i32
      %ge3A_360 = vector.broadcast %ge3A_359 : i32 to vector<16xi32>
      %ge3A_361 = arith.cmpi sge, %get3A_358, %ge3A_360 : vector<16xi32>
      %sub3A_362 = arith.constant 500736 : i32
      %sub3A_363 = vector.broadcast %sub3A_362 : i32 to vector<16xi32>
      %sub3A_364 = arith.subi %get3A_358, %sub3A_363 : vector<16xi32>
      %select_n3A_365 = arith.select %ge3A_361, %sub3A_364, %get3A_358 : vector<16xi1>, vector<16xi32>
      %max3A_366 = arith.constant 0 : i32
      %max3A_367 = vector.broadcast %max3A_366 : i32 to vector<16xi32>
      %max3A_368 = arith.maxsi %select_n3A_365, %max3A_367 : vector<16xi32>
      %min3A_369 = arith.constant 500735 : i32
      %min3A_370 = vector.broadcast %min3A_369 : i32 to vector<16xi32>
      %min3A_371 = arith.minsi %max3A_368, %min3A_370 : vector<16xi32>
      %swap3A_372 = arith.constant 48 : index
      %swap3A_373 = tpu.vector_load %arg9[%swap3A_372] {strides = array<i32>} : memref<208xi32, #tpu.memory_space<vmem>>, vector<16xi32>,
      %swap3A_374 = vector.shape_cast %swap3A_373 : vector<16xi32> to vector<16xi32>
      %swap3A_375 = vector.shape_cast %min3A_371 : vector<16xi32> to vector<16xi32>
      tpu.vector_store %arg9[%swap3A_372], %swap3A_375 {strides = array<i32>} : memref<208xi32, #tpu.memory_space<vmem>>, vector<16xi32>,
      %get3A_376 = arith.constant 64 : index
      %get3A_377 = tpu.vector_load %arg7[%get3A_376] {strides = array<i32>} : memref<224xi32, #tpu.memory_space<vmem>>, vector<16xi32>,
      %get3A_378 = vector.shape_cast %get3A_377 : vector<16xi32> to vector<16xi32>
      %ge3A_379 = arith.constant 500736 : i32
      %ge3A_380 = vector.broadcast %ge3A_379 : i32 to vector<16xi32>
      %ge3A_381 = arith.cmpi sge, %get3A_378, %ge3A_380 : vector<16xi32>
      %sub3A_382 = arith.constant 500736 : i32
      %sub3A_383 = vector.broadcast %sub3A_382 : i32 to vector<16xi32>
      %sub3A_384 = arith.subi %get3A_378, %sub3A_383 : vector<16xi32>
      %select_n3A_385 = arith.select %ge3A_381, %sub3A_384, %get3A_378 : vector<16xi1>, vector<16xi32>
      %max3A_386 = arith.constant 0 : i32
      %max3A_387 = vector.broadcast %max3A_386 : i32 to vector<16xi32>
      %max3A_388 = arith.maxsi %select_n3A_385, %max3A_387 : vector<16xi32>
      %min3A_389 = arith.constant 500735 : i32
      %min3A_390 = vector.broadcast %min3A_389 : i32 to vector<16xi32>
      %min3A_391 = arith.minsi %max3A_388, %min3A_390 : vector<16xi32>
      %swap3A_392 = arith.constant 64 : index
      %swap3A_393 = tpu.vector_load %arg9[%swap3A_392] {strides = array<i32>} : memref<208xi32, #tpu.memory_space<vmem>>, vector<16xi32>,
      %swap3A_394 = vector.shape_cast %swap3A_393 : vector<16xi32> to vector<16xi32>
      %swap3A_395 = vector.shape_cast %min3A_391 : vector<16xi32> to vector<16xi32>
      tpu.vector_store %arg9[%swap3A_392], %swap3A_395 {strides = array<i32>} : memref<208xi32, #tpu.memory_space<vmem>>, vector<16xi32>,
      %get3A_396 = arith.constant 80 : index
      %get3A_397 = tpu.vector_load %arg7[%get3A_396] {strides = array<i32>} : memref<224xi32, #tpu.memory_space<vmem>>, vector<16xi32>,
      %get3A_398 = vector.shape_cast %get3A_397 : vector<16xi32> to vector<16xi32>
      %ge3A_399 = arith.constant 500736 : i32
      %ge3A_400 = vector.broadcast %ge3A_399 : i32 to vector<16xi32>
      %ge3A_401 = arith.cmpi sge, %get3A_398, %ge3A_400 : vector<16xi32>
      %sub3A_402 = arith.constant 500736 : i32
      %sub3A_403 = vector.broadcast %sub3A_402 : i32 to vector<16xi32>
      %sub3A_404 = arith.subi %get3A_398, %sub3A_403 : vector<16xi32>
      %select_n3A_405 = arith.select %ge3A_401, %sub3A_404, %get3A_398 : vector<16xi1>, vector<16xi32>
      %max3A_406 = arith.constant 0 : i32
      %max3A_407 = vector.broadcast %max3A_406 : i32 to vector<16xi32>
      %max3A_408 = arith.maxsi %select_n3A_405, %max3A_407 : vector<16xi32>
      %min3A_409 = arith.constant 500735 : i32
      %min3A_410 = vector.broadcast %min3A_409 : i32 to vector<16xi32>
      %min3A_411 = arith.minsi %max3A_408, %min3A_410 : vector<16xi32>
      %swap3A_412 = arith.constant 80 : index
      %swap3A_413 = tpu.vector_load %arg9[%swap3A_412] {strides = array<i32>} : memref<208xi32, #tpu.memory_space<vmem>>, vector<16xi32>,
      %swap3A_414 = vector.shape_cast %swap3A_413 : vector<16xi32> to vector<16xi32>
      %swap3A_415 = vector.shape_cast %min3A_411 : vector<16xi32> to vector<16xi32>
      tpu.vector_store %arg9[%swap3A_412], %swap3A_415 {strides = array<i32>} : memref<208xi32, #tpu.memory_space<vmem>>, vector<16xi32>,
      %get3A_416 = arith.constant 96 : index
      %get3A_417 = tpu.vector_load %arg7[%get3A_416] {strides = array<i32>} : memref<224xi32, #tpu.memory_space<vmem>>, vector<16xi32>,
      %get3A_418 = vector.shape_cast %get3A_417 : vector<16xi32> to vector<16xi32>
      %ge3A_419 = arith.constant 500736 : i32
      %ge3A_420 = vector.broadcast %ge3A_419 : i32 to vector<16xi32>
      %ge3A_421 = arith.cmpi sge, %get3A_418, %ge3A_420 : vector<16xi32>
      %sub3A_422 = arith.constant 500736 : i32
      %sub3A_423 = vector.broadcast %sub3A_422 : i32 to vector<16xi32>
      %sub3A_424 = arith.subi %get3A_418, %sub3A_423 : vector<16xi32>
      %select_n3A_425 = arith.select %ge3A_421, %sub3A_424, %get3A_418 : vector<16xi1>, vector<16xi32>
      %max3A_426 = arith.constant 0 : i32
      %max3A_427 = vector.broadcast %max3A_426 : i32 to vector<16xi32>
      %max3A_428 = arith.maxsi %select_n3A_425, %max3A_427 : vector<16xi32>
      %min3A_429 = arith.constant 500735 : i32
      %min3A_430 = vector.broadcast %min3A_429 : i32 to vector<16xi32>
      %min3A_431 = arith.minsi %max3A_428, %min3A_430 : vector<16xi32>
      %swap3A_432 = arith.constant 96 : index
      %swap3A_433 = tpu.vector_load %arg9[%swap3A_432] {strides = array<i32>} : memref<208xi32, #tpu.memory_space<vmem>>, vector<16xi32>,
      %swap3A_434 = vector.shape_cast %swap3A_433 : vector<16xi32> to vector<16xi32>
      %swap3A_435 = vector.shape_cast %min3A_431 : vector<16xi32> to vector<16xi32>
      tpu.vector_store %arg9[%swap3A_432], %swap3A_435 {strides = array<i32>} : memref<208xi32, #tpu.memory_space<vmem>>, vector<16xi32>,
      %get3A_436 = arith.constant 112 : index
      %get3A_437 = tpu.vector_load %arg7[%get3A_436] {strides = array<i32>} : memref<224xi32, #tpu.memory_space<vmem>>, vector<16xi32>,
      %get3A_438 = vector.shape_cast %get3A_437 : vector<16xi32> to vector<16xi32>
      %ge3A_439 = arith.constant 500736 : i32
      %ge3A_440 = vector.broadcast %ge3A_439 : i32 to vector<16xi32>
      %ge3A_441 = arith.cmpi sge, %get3A_438, %ge3A_440 : vector<16xi32>
      %sub3A_442 = arith.constant 500736 : i32
      %sub3A_443 = vector.broadcast %sub3A_442 : i32 to vector<16xi32>
      %sub3A_444 = arith.subi %get3A_438, %sub3A_443 : vector<16xi32>
      %select_n3A_445 = arith.select %ge3A_441, %sub3A_444, %get3A_438 : vector<16xi1>, vector<16xi32>
      %max3A_446 = arith.constant 0 : i32
      %max3A_447 = vector.broadcast %max3A_446 : i32 to vector<16xi32>
      %max3A_448 = arith.maxsi %select_n3A_445, %max3A_447 : vector<16xi32>
      %min3A_449 = arith.constant 500735 : i32
      %min3A_450 = vector.broadcast %min3A_449 : i32 to vector<16xi32>
      %min3A_451 = arith.minsi %max3A_448, %min3A_450 : vector<16xi32>
      %swap3A_452 = arith.constant 112 : index
      %swap3A_453 = tpu.vector_load %arg9[%swap3A_452] {strides = array<i32>} : memref<208xi32, #tpu.memory_space<vmem>>, vector<16xi32>,
      %swap3A_454 = vector.shape_cast %swap3A_453 : vector<16xi32> to vector<16xi32>
      %swap3A_455 = vector.shape_cast %min3A_451 : vector<16xi32> to vector<16xi32>
      tpu.vector_store %arg9[%swap3A_452], %swap3A_455 {strides = array<i32>} : memref<208xi32, #tpu.memory_space<vmem>>, vector<16xi32>,
      %get3A_456 = arith.constant 128 : index
      %get3A_457 = tpu.vector_load %arg7[%get3A_456] {strides = array<i32>} : memref<224xi32, #tpu.memory_space<vmem>>, vector<16xi32>,
      %get3A_458 = vector.shape_cast %get3A_457 : vector<16xi32> to vector<16xi32>
      %ge3A_459 = arith.constant 500736 : i32
      %ge3A_460 = vector.broadcast %ge3A_459 : i32 to vector<16xi32>
      %ge3A_461 = arith.cmpi sge, %get3A_458, %ge3A_460 : vector<16xi32>
      %sub3A_462 = arith.constant 500736 : i32
      %sub3A_463 = vector.broadcast %sub3A_462 : i32 to vector<16xi32>
      %sub3A_464 = arith.subi %get3A_458, %sub3A_463 : vector<16xi32>
      %select_n3A_465 = arith.select %ge3A_461, %sub3A_464, %get3A_458 : vector<16xi1>, vector<16xi32>
      %max3A_466 = arith.constant 0 : i32
      %max3A_467 = vector.broadcast %max3A_466 : i32 to vector<16xi32>
      %max3A_468 = arith.maxsi %select_n3A_465, %max3A_467 : vector<16xi32>
      %min3A_469 = arith.constant 500735 : i32
      %min3A_470 = vector.broadcast %min3A_469 : i32 to vector<16xi32>
      %min3A_471 = arith.minsi %max3A_468, %min3A_470 : vector<16xi32>
      %swap3A_472 = arith.constant 128 : index
      %swap3A_473 = tpu.vector_load %arg9[%swap3A_472] {strides = array<i32>} : memref<208xi32, #tpu.memory_space<vmem>>, vector<16xi32>,
      %swap3A_474 = vector.shape_cast %swap3A_473 : vector<16xi32> to vector<16xi32>
      %swap3A_475 = vector.shape_cast %min3A_471 : vector<16xi32> to vector<16xi32>
      tpu.vector_store %arg9[%swap3A_472], %swap3A_475 {strides = array<i32>} : memref<208xi32, #tpu.memory_space<vmem>>, vector<16xi32>,
      %get3A_476 = arith.constant 144 : index
      %get3A_477 = tpu.vector_load %arg7[%get3A_476] {strides = array<i32>} : memref<224xi32, #tpu.memory_space<vmem>>, vector<16xi32>,
      %get3A_478 = vector.shape_cast %get3A_477 : vector<16xi32> to vector<16xi32>
      %ge3A_479 = arith.constant 500736 : i32
      %ge3A_480 = vector.broadcast %ge3A_479 : i32 to vector<16xi32>
      %ge3A_481 = arith.cmpi sge, %get3A_478, %ge3A_480 : vector<16xi32>
      %sub3A_482 = arith.constant 500736 : i32
      %sub3A_483 = vector.broadcast %sub3A_482 : i32 to vector<16xi32>
      %sub3A_484 = arith.subi %get3A_478, %sub3A_483 : vector<16xi32>
      %select_n3A_485 = arith.select %ge3A_481, %sub3A_484, %get3A_478 : vector<16xi1>, vector<16xi32>
      %max3A_486 = arith.constant 0 : i32
      %max3A_487 = vector.broadcast %max3A_486 : i32 to vector<16xi32>
      %max3A_488 = arith.maxsi %select_n3A_485, %max3A_487 : vector<16xi32>
      %min3A_489 = arith.constant 500735 : i32
      %min3A_490 = vector.broadcast %min3A_489 : i32 to vector<16xi32>
      %min3A_491 = arith.minsi %max3A_488, %min3A_490 : vector<16xi32>
      %swap3A_492 = arith.constant 144 : index
      %swap3A_493 = tpu.vector_load %arg9[%swap3A_492] {strides = array<i32>} : memref<208xi32, #tpu.memory_space<vmem>>, vector<16xi32>,
      %swap3A_494 = vector.shape_cast %swap3A_493 : vector<16xi32> to vector<16xi32>
      %swap3A_495 = vector.shape_cast %min3A_491 : vector<16xi32> to vector<16xi32>
      tpu.vector_store %arg9[%swap3A_492], %swap3A_495 {strides = array<i32>} : memref<208xi32, #tpu.memory_space<vmem>>, vector<16xi32>,
      %get3A_496 = arith.constant 160 : index
      %get3A_497 = tpu.vector_load %arg7[%get3A_496] {strides = array<i32>} : memref<224xi32, #tpu.memory_space<vmem>>, vector<16xi32>,
      %get3A_498 = vector.shape_cast %get3A_497 : vector<16xi32> to vector<16xi32>
      %ge3A_499 = arith.constant 500736 : i32
      %ge3A_500 = vector.broadcast %ge3A_499 : i32 to vector<16xi32>
      %ge3A_501 = arith.cmpi sge, %get3A_498, %ge3A_500 : vector<16xi32>
      %sub3A_502 = arith.constant 500736 : i32
      %sub3A_503 = vector.broadcast %sub3A_502 : i32 to vector<16xi32>
      %sub3A_504 = arith.subi %get3A_498, %sub3A_503 : vector<16xi32>
      %select_n3A_505 = arith.select %ge3A_501, %sub3A_504, %get3A_498 : vector<16xi1>, vector<16xi32>
      %max3A_506 = arith.constant 0 : i32
      %max3A_507 = vector.broadcast %max3A_506 : i32 to vector<16xi32>
      %max3A_508 = arith.maxsi %select_n3A_505, %max3A_507 : vector<16xi32>
      %min3A_509 = arith.constant 500735 : i32
      %min3A_510 = vector.broadcast %min3A_509 : i32 to vector<16xi32>
      %min3A_511 = arith.minsi %max3A_508, %min3A_510 : vector<16xi32>
      %swap3A_512 = arith.constant 160 : index
      %swap3A_513 = tpu.vector_load %arg9[%swap3A_512] {strides = array<i32>} : memref<208xi32, #tpu.memory_space<vmem>>, vector<16xi32>,
      %swap3A_514 = vector.shape_cast %swap3A_513 : vector<16xi32> to vector<16xi32>
      %swap3A_515 = vector.shape_cast %min3A_511 : vector<16xi32> to vector<16xi32>
      tpu.vector_store %arg9[%swap3A_512], %swap3A_515 {strides = array<i32>} : memref<208xi32, #tpu.memory_space<vmem>>, vector<16xi32>,
      %get3A_516 = arith.constant 176 : index
      %get3A_517 = tpu.vector_load %arg7[%get3A_516] {strides = array<i32>} : memref<224xi32, #tpu.memory_space<vmem>>, vector<16xi32>,
      %get3A_518 = vector.shape_cast %get3A_517 : vector<16xi32> to vector<16xi32>
      %ge3A_519 = arith.constant 500736 : i32
      %ge3A_520 = vector.broadcast %ge3A_519 : i32 to vector<16xi32>
      %ge3A_521 = arith.cmpi sge, %get3A_518, %ge3A_520 : vector<16xi32>
      %sub3A_522 = arith.constant 500736 : i32
      %sub3A_523 = vector.broadcast %sub3A_522 : i32 to vector<16xi32>
      %sub3A_524 = arith.subi %get3A_518, %sub3A_523 : vector<16xi32>
      %select_n3A_525 = arith.select %ge3A_521, %sub3A_524, %get3A_518 : vector<16xi1>, vector<16xi32>
      %max3A_526 = arith.constant 0 : i32
      %max3A_527 = vector.broadcast %max3A_526 : i32 to vector<16xi32>
      %max3A_528 = arith.maxsi %select_n3A_525, %max3A_527 : vector<16xi32>
      %min3A_529 = arith.constant 500735 : i32
      %min3A_530 = vector.broadcast %min3A_529 : i32 to vector<16xi32>
      %min3A_531 = arith.minsi %max3A_528, %min3A_530 : vector<16xi32>
      %swap3A_532 = arith.constant 176 : index
      %swap3A_533 = tpu.vector_load %arg9[%swap3A_532] {strides = array<i32>} : memref<208xi32, #tpu.memory_space<vmem>>, vector<16xi32>,
      %swap3A_534 = vector.shape_cast %swap3A_533 : vector<16xi32> to vector<16xi32>
      %swap3A_535 = vector.shape_cast %min3A_531 : vector<16xi32> to vector<16xi32>
      tpu.vector_store %arg9[%swap3A_532], %swap3A_535 {strides = array<i32>} : memref<208xi32, #tpu.memory_space<vmem>>, vector<16xi32>,
      %get3A_536 = arith.constant 192 : index
      %get3A_537 = tpu.vector_load %arg7[%get3A_536] {strides = array<i32>} : memref<224xi32, #tpu.memory_space<vmem>>, vector<16xi32>,
      %get3A_538 = vector.shape_cast %get3A_537 : vector<16xi32> to vector<16xi32>
      %ge3A_539 = arith.constant 500736 : i32
      %ge3A_540 = vector.broadcast %ge3A_539 : i32 to vector<16xi32>
      %ge3A_541 = arith.cmpi sge, %get3A_538, %ge3A_540 : vector<16xi32>
      %sub3A_542 = arith.constant 500736 : i32
      %sub3A_543 = vector.broadcast %sub3A_542 : i32 to vector<16xi32>
      %sub3A_544 = arith.subi %get3A_538, %sub3A_543 : vector<16xi32>
      %select_n3A_545 = arith.select %ge3A_541, %sub3A_544, %get3A_538 : vector<16xi1>, vector<16xi32>
      %max3A_546 = arith.constant 0 : i32
      %max3A_547 = vector.broadcast %max3A_546 : i32 to vector<16xi32>
      %max3A_548 = arith.maxsi %select_n3A_545, %max3A_547 : vector<16xi32>
      %min3A_549 = arith.constant 500735 : i32
      %min3A_550 = vector.broadcast %min3A_549 : i32 to vector<16xi32>
      %min3A_551 = arith.minsi %max3A_548, %min3A_550 : vector<16xi32>
      %swap3A_552 = arith.constant 192 : index
      %swap3A_553 = tpu.vector_load %arg9[%swap3A_552] {strides = array<i32>} : memref<208xi32, #tpu.memory_space<vmem>>, vector<16xi32>,
      %swap3A_554 = vector.shape_cast %swap3A_553 : vector<16xi32> to vector<16xi32>
      %swap3A_555 = vector.shape_cast %min3A_551 : vector<16xi32> to vector<16xi32>
      tpu.vector_store %arg9[%swap3A_552], %swap3A_555 {strides = array<i32>} : memref<208xi32, #tpu.memory_space<vmem>>, vector<16xi32>,
      %dma_start3A_556 = arith.constant 0 : i32
      %dma_start3A_557 = arith.constant 0 : i32
      %dma_start3A_558 = tpu.memref_slice %arg3[%dma_start3A_556, %dma_start3A_557] : memref<500736x128xf32, #tpu.memory_space<hbm>> -> memref<500736x128xf32, #tpu.memory_space<hbm>>
      tpu.enqueue_indirect_dma source(%dma_start3A_558 : memref<500736x128xf32, #tpu.memory_space<hbm>>) target(%arg11 : memref<208x128xf32, #tpu.memory_space<vmem>>) offsets(%arg9 : memref<208xi32, #tpu.memory_space<vmem>>) semaphore(%arg16 : memref<!tpu.dma_semaphore, #tpu.memory_space<semaphore_mem>>)
      %dma_wait3A_559 = arith.constant 0 : i32
      %dma_wait3A_560 = arith.constant 0 : i32
      %dma_wait3A_561 = tpu.memref_slice %arg3[%dma_wait3A_559, %dma_wait3A_560] : memref<500736x128xf32, #tpu.memory_space<hbm>> -> memref<500736x128xf32, #tpu.memory_space<hbm>>
      tpu.wait_indirect_dma semaphore(%arg15 : memref<!tpu.dma_semaphore, #tpu.memory_space<semaphore_mem>>) src(%dma_wait3A_561 : memref<500736x128xf32, #tpu.memory_space<hbm>>) dst(%arg10 : memref<208x128xf32, #tpu.memory_space<vmem>>)
      %gt3A = arith.constant 0 : i32
      %gt3A_562 = arith.cmpi sgt, %scan3A_286, %gt3A : i32
      %convert_element_type3A = arith.extui %gt3A_562 : i1 to i32
      %cond3A = arith.constant 0 : i32
      %cond3A_563 = arith.cmpi ne, %convert_element_type3A, %cond3A : i32
      scf.if %cond3A_563 {
        %sub3A_608 = arith.constant 2 : i32
        %sub3A_609 = arith.subi %mul3A_288, %sub3A_608 : i32
        %add3A_610 = arith.addi %mul3A_2, %sub3A_609 : i32
        %dma_wait3A_611 = arith.constant 0 : i32
        %dma_wait3A_612 = arith.constant 0 : i32
        %dma_wait3A_613 = tpu.memref_slice %arg5[%add3A_610, %dma_wait3A_611, %dma_wait3A_612] : memref<4096x200x64xf32, #tpu.memory_space<hbm>> -> memref<1x200x64xf32, #tpu.memory_space<hbm>>
        %dma_wait3A_614 = tpu.memref_squeeze %dma_wait3A_613 : memref<1x200x64xf32, #tpu.memory_space<hbm>> -> memref<200x64xf32, #tpu.memory_space<hbm>>
        %dma_wait3A_615 = arith.constant 0 : i32
        %dma_wait3A_616 = arith.constant 0 : i32
        %dma_wait3A_617 = tpu.memref_slice %arg5[%add3A_610, %dma_wait3A_615, %dma_wait3A_616] : memref<4096x200x64xf32, #tpu.memory_space<hbm>> -> memref<1x200x64xf32, #tpu.memory_space<hbm>>
        %dma_wait3A_618 = tpu.memref_squeeze %dma_wait3A_617 : memref<1x200x64xf32, #tpu.memory_space<hbm>> -> memref<200x64xf32, #tpu.memory_space<hbm>>
        tpu.wait_dma2 semaphore(%arg17 : memref<!tpu.dma_semaphore, #tpu.memory_space<semaphore_mem>>) src(%arg12 : memref<200x64xf32, #tpu.memory_space<vmem>>) dst(%dma_wait3A_618 : memref<200x64xf32, #tpu.memory_space<hbm>>)
      } else {
      }
      %scan3A_564 = arith.constant 0 : i32
      %scan3A_565 = arith.constant 0 : i32
      %scan3A_566 = arith.constant 100 : i32
      %scan3A_567 = arith.addi %scan3A_565, %scan3A_566 : i32
      %scan3A_568 = arith.constant 4 : i32
      scf.for %scan3A_608 = %scan3A_565 to %scan3A_567 step %scan3A_568  : i32 {
        %mul3A_609 = arith.constant 2 : i32
        %mul3A_610 = arith.muli %mul3A_609, %scan3A_608 : i32
        %get3A_611 = arith.index_cast %mul3A_610 : i32 to index
        %get3A_612 = tpu.vector_load %arg6[%get3A_611] {strides = array<i32>} : memref<224xi32, #tpu.memory_space<vmem>>, vector<16xi32>,
        %get3A_613 = vector.shape_cast %get3A_612 : vector<16xi32> to vector<16xi32>
        %mul3A_614 = arith.constant 2 : i32
        %mul3A_615 = arith.muli %mul3A_614, %scan3A_608 : i32
        %add3A_616 = arith.constant 0 : i32
        %add3A_617 = arith.addi %mul3A_615, %add3A_616 : i32
        %slice3A = vector.extract_strided_slice %get3A_613 {offsets = [0], sizes = [1], strides = [1]} : vector<16xi32> to vector<1xi32>
        %squeeze3A = vector.extract %slice3A[0] : i32 from vector<1xi32>
        %ge3A_618 = arith.constant 500736 : i32
        %ge3A_619 = arith.cmpi sge, %squeeze3A, %ge3A_618 : i32
        %convert_element_type3A_620 = arith.extui %ge3A_619 : i1 to i32
        %mul3A_621 = arith.constant 64 : i32
        %mul3A_622 = arith.muli %convert_element_type3A_620, %mul3A_621 : i32
        %add3A_623 = arith.constant 0 : i32
        %add3A_624 = arith.addi %mul3A_622, %add3A_623 : i32
        %get3A_625 = arith.index_cast %add3A_617 : i32 to index
        %get3A_626 = arith.index_cast %add3A_624 : i32 to index
        %get3A_627 = tpu.vector_load %arg10[%get3A_625, %get3A_626] {strides = array<i32>} : memref<208x128xf32, #tpu.memory_space<vmem>>, vector<1x16xf32>,
        %get3A_628 = vector.shape_cast %get3A_627 : vector<1x16xf32> to vector<16xf32>
        %get3A_629 = arith.index_cast %add3A_617 : i32 to index
        %get3A_630 = arith.constant 0 : index
        %get3A_631 = tpu.vector_load %arg14[%get3A_629, %get3A_630] {strides = array<i32>} : memref<200x64xf32, #tpu.memory_space<vmem>>, vector<1x16xf32>,
        %get3A_632 = vector.shape_cast %get3A_631 : vector<1x16xf32> to vector<16xf32>
        %add3A_633 = arith.addf %get3A_628, %get3A_632 : vector<16xf32>
        %swap3A_634 = arith.index_cast %add3A_617 : i32 to index
        %swap3A_635 = arith.constant 0 : index
        %swap3A_636 = tpu.vector_load %arg12[%swap3A_634, %swap3A_635] {strides = array<i32>} : memref<200x64xf32, #tpu.memory_space<vmem>>, vector<1x16xf32>,
        %swap3A_637 = vector.shape_cast %swap3A_636 : vector<1x16xf32> to vector<16xf32>
        %swap3A_638 = vector.shape_cast %add3A_633 : vector<16xf32> to vector<1x16xf32>
        tpu.vector_store %arg12[%swap3A_634, %swap3A_635], %swap3A_638 {strides = array<i32>} : memref<200x64xf32, #tpu.memory_space<vmem>>, vector<1x16xf32>,
        %add3A_639 = arith.constant 16 : i32
        %add3A_640 = arith.addi %mul3A_622, %add3A_639 : i32
        %get3A_641 = arith.index_cast %add3A_617 : i32 to index
        %get3A_642 = arith.index_cast %add3A_640 : i32 to index
        %get3A_643 = tpu.vector_load %arg10[%get3A_641, %get3A_642] {strides = array<i32>} : memref<208x128xf32, #tpu.memory_space<vmem>>, vector<1x16xf32>,
        %get3A_644 = vector.shape_cast %get3A_643 : vector<1x16xf32> to vector<16xf32>
        %get3A_645 = arith.index_cast %add3A_617 : i32 to index
        %get3A_646 = arith.constant 16 : index
        %get3A_647 = tpu.vector_load %arg14[%get3A_645, %get3A_646] {strides = array<i32>} : memref<200x64xf32, #tpu.memory_space<vmem>>, vector<1x16xf32>,
        %get3A_648 = vector.shape_cast %get3A_647 : vector<1x16xf32> to vector<16xf32>
        %add3A_649 = arith.addf %get3A_644, %get3A_648 : vector<16xf32>
        %swap3A_650 = arith.index_cast %add3A_617 : i32 to index
        %swap3A_651 = arith.constant 16 : index
        %swap3A_652 = tpu.vector_load %arg12[%swap3A_650, %swap3A_651] {strides = array<i32>} : memref<200x64xf32, #tpu.memory_space<vmem>>, vector<1x16xf32>,
        %swap3A_653 = vector.shape_cast %swap3A_652 : vector<1x16xf32> to vector<16xf32>
        %swap3A_654 = vector.shape_cast %add3A_649 : vector<16xf32> to vector<1x16xf32>
        tpu.vector_store %arg12[%swap3A_650, %swap3A_651], %swap3A_654 {strides = array<i32>} : memref<200x64xf32, #tpu.memory_space<vmem>>, vector<1x16xf32>,
        %add3A_655 = arith.constant 32 : i32
        %add3A_656 = arith.addi %mul3A_622, %add3A_655 : i32
        %get3A_657 = arith.index_cast %add3A_617 : i32 to index
        %get3A_658 = arith.index_cast %add3A_656 : i32 to index
        %get3A_659 = tpu.vector_load %arg10[%get3A_657, %get3A_658] {strides = array<i32>} : memref<208x128xf32, #tpu.memory_space<vmem>>, vector<1x16xf32>,
        %get3A_660 = vector.shape_cast %get3A_659 : vector<1x16xf32> to vector<16xf32>
        %get3A_661 = arith.index_cast %add3A_617 : i32 to index
        %get3A_662 = arith.constant 32 : index
        %get3A_663 = tpu.vector_load %arg14[%get3A_661, %get3A_662] {strides = array<i32>} : memref<200x64xf32, #tpu.memory_space<vmem>>, vector<1x16xf32>,
        %get3A_664 = vector.shape_cast %get3A_663 : vector<1x16xf32> to vector<16xf32>
        %add3A_665 = arith.addf %get3A_660, %get3A_664 : vector<16xf32>
        %swap3A_666 = arith.index_cast %add3A_617 : i32 to index
        %swap3A_667 = arith.constant 32 : index
        %swap3A_668 = tpu.vector_load %arg12[%swap3A_666, %swap3A_667] {strides = array<i32>} : memref<200x64xf32, #tpu.memory_space<vmem>>, vector<1x16xf32>,
        %swap3A_669 = vector.shape_cast %swap3A_668 : vector<1x16xf32> to vector<16xf32>
        %swap3A_670 = vector.shape_cast %add3A_665 : vector<16xf32> to vector<1x16xf32>
        tpu.vector_store %arg12[%swap3A_666, %swap3A_667], %swap3A_670 {strides = array<i32>} : memref<200x64xf32, #tpu.memory_space<vmem>>, vector<1x16xf32>,
        %add3A_671 = arith.constant 48 : i32
        %add3A_672 = arith.addi %mul3A_622, %add3A_671 : i32
        %get3A_673 = arith.index_cast %add3A_617 : i32 to index
        %get3A_674 = arith.index_cast %add3A_672 : i32 to index
        %get3A_675 = tpu.vector_load %arg10[%get3A_673, %get3A_674] {strides = array<i32>} : memref<208x128xf32, #tpu.memory_space<vmem>>, vector<1x16xf32>,
        %get3A_676 = vector.shape_cast %get3A_675 : vector<1x16xf32> to vector<16xf32>
        %get3A_677 = arith.index_cast %add3A_617 : i32 to index
        %get3A_678 = arith.constant 48 : index
        %get3A_679 = tpu.vector_load %arg14[%get3A_677, %get3A_678] {strides = array<i32>} : memref<200x64xf32, #tpu.memory_space<vmem>>, vector<1x16xf32>,
        %get3A_680 = vector.shape_cast %get3A_679 : vector<1x16xf32> to vector<16xf32>
        %add3A_681 = arith.addf %get3A_676, %get3A_680 : vector<16xf32>
        %swap3A_682 = arith.index_cast %add3A_617 : i32 to index
        %swap3A_683 = arith.constant 48 : index
        %swap3A_684 = tpu.vector_load %arg12[%swap3A_682, %swap3A_683] {strides = array<i32>} : memref<200x64xf32, #tpu.memory_space<vmem>>, vector<1x16xf32>,
        %swap3A_685 = vector.shape_cast %swap3A_684 : vector<1x16xf32> to vector<16xf32>
        %swap3A_686 = vector.shape_cast %add3A_681 : vector<16xf32> to vector<1x16xf32>
        tpu.vector_store %arg12[%swap3A_682, %swap3A_683], %swap3A_686 {strides = array<i32>} : memref<200x64xf32, #tpu.memory_space<vmem>>, vector<1x16xf32>,
        %mul3A_687 = arith.constant 2 : i32
        %mul3A_688 = arith.muli %mul3A_687, %scan3A_608 : i32
        %add3A_689 = arith.constant 1 : i32
        %add3A_690 = arith.addi %mul3A_688, %add3A_689 : i32
        %slice3A_691 = vector.extract_strided_slice %get3A_613 {offsets = [1], sizes = [1], strides = [1]} : vector<16xi32> to vector<1xi32>
        %squeeze3A_692 = vector.extract %slice3A_691[0] : i32 from vector<1xi32>
        %ge3A_693 = arith.constant 500736 : i32
        %ge3A_694 = arith.cmpi sge, %squeeze3A_692, %ge3A_693 : i32
        %convert_element_type3A_695 = arith.extui %ge3A_694 : i1 to i32
        %mul3A_696 = arith.constant 64 : i32
        %mul3A_697 = arith.muli %convert_element_type3A_695, %mul3A_696 : i32
        %add3A_698 = arith.constant 0 : i32
        %add3A_699 = arith.addi %mul3A_697, %add3A_698 : i32
        %get3A_700 = arith.index_cast %add3A_690 : i32 to index
        %get3A_701 = arith.index_cast %add3A_699 : i32 to index
        %get3A_702 = tpu.vector_load %arg10[%get3A_700, %get3A_701] {strides = array<i32>} : memref<208x128xf32, #tpu.memory_space<vmem>>, vector<1x16xf32>,
        %get3A_703 = vector.shape_cast %get3A_702 : vector<1x16xf32> to vector<16xf32>
        %get3A_704 = arith.index_cast %add3A_690 : i32 to index
        %get3A_705 = arith.constant 0 : index
        %get3A_706 = tpu.vector_load %arg14[%get3A_704, %get3A_705] {strides = array<i32>} : memref<200x64xf32, #tpu.memory_space<vmem>>, vector<1x16xf32>,
        %get3A_707 = vector.shape_cast %get3A_706 : vector<1x16xf32> to vector<16xf32>
        %add3A_708 = arith.addf %get3A_703, %get3A_707 : vector<16xf32>
        %swap3A_709 = arith.index_cast %add3A_690 : i32 to index
        %swap3A_710 = arith.constant 0 : index
        %swap3A_711 = tpu.vector_load %arg12[%swap3A_709, %swap3A_710] {strides = array<i32>} : memref<200x64xf32, #tpu.memory_space<vmem>>, vector<1x16xf32>,
        %swap3A_712 = vector.shape_cast %swap3A_711 : vector<1x16xf32> to vector<16xf32>
        %swap3A_713 = vector.shape_cast %add3A_708 : vector<16xf32> to vector<1x16xf32>
        tpu.vector_store %arg12[%swap3A_709, %swap3A_710], %swap3A_713 {strides = array<i32>} : memref<200x64xf32, #tpu.memory_space<vmem>>, vector<1x16xf32>,
        %add3A_714 = arith.constant 16 : i32
        %add3A_715 = arith.addi %mul3A_697, %add3A_714 : i32
        %get3A_716 = arith.index_cast %add3A_690 : i32 to index
        %get3A_717 = arith.index_cast %add3A_715 : i32 to index
        %get3A_718 = tpu.vector_load %arg10[%get3A_716, %get3A_717] {strides = array<i32>} : memref<208x128xf32, #tpu.memory_space<vmem>>, vector<1x16xf32>,
        %get3A_719 = vector.shape_cast %get3A_718 : vector<1x16xf32> to vector<16xf32>
        %get3A_720 = arith.index_cast %add3A_690 : i32 to index
        %get3A_721 = arith.constant 16 : index
        %get3A_722 = tpu.vector_load %arg14[%get3A_720, %get3A_721] {strides = array<i32>} : memref<200x64xf32, #tpu.memory_space<vmem>>, vector<1x16xf32>,
        %get3A_723 = vector.shape_cast %get3A_722 : vector<1x16xf32> to vector<16xf32>
        %add3A_724 = arith.addf %get3A_719, %get3A_723 : vector<16xf32>
        %swap3A_725 = arith.index_cast %add3A_690 : i32 to index
        %swap3A_726 = arith.constant 16 : index
        %swap3A_727 = tpu.vector_load %arg12[%swap3A_725, %swap3A_726] {strides = array<i32>} : memref<200x64xf32, #tpu.memory_space<vmem>>, vector<1x16xf32>,
        %swap3A_728 = vector.shape_cast %swap3A_727 : vector<1x16xf32> to vector<16xf32>
        %swap3A_729 = vector.shape_cast %add3A_724 : vector<16xf32> to vector<1x16xf32>
        tpu.vector_store %arg12[%swap3A_725, %swap3A_726], %swap3A_729 {strides = array<i32>} : memref<200x64xf32, #tpu.memory_space<vmem>>, vector<1x16xf32>,
        %add3A_730 = arith.constant 32 : i32
        %add3A_731 = arith.addi %mul3A_697, %add3A_730 : i32
        %get3A_732 = arith.index_cast %add3A_690 : i32 to index
        %get3A_733 = arith.index_cast %add3A_731 : i32 to index
        %get3A_734 = tpu.vector_load %arg10[%get3A_732, %get3A_733] {strides = array<i32>} : memref<208x128xf32, #tpu.memory_space<vmem>>, vector<1x16xf32>,
        %get3A_735 = vector.shape_cast %get3A_734 : vector<1x16xf32> to vector<16xf32>
        %get3A_736 = arith.index_cast %add3A_690 : i32 to index
        %get3A_737 = arith.constant 32 : index
        %get3A_738 = tpu.vector_load %arg14[%get3A_736, %get3A_737] {strides = array<i32>} : memref<200x64xf32, #tpu.memory_space<vmem>>, vector<1x16xf32>,
        %get3A_739 = vector.shape_cast %get3A_738 : vector<1x16xf32> to vector<16xf32>
        %add3A_740 = arith.addf %get3A_735, %get3A_739 : vector<16xf32>
        %swap3A_741 = arith.index_cast %add3A_690 : i32 to index
        %swap3A_742 = arith.constant 32 : index
        %swap3A_743 = tpu.vector_load %arg12[%swap3A_741, %swap3A_742] {strides = array<i32>} : memref<200x64xf32, #tpu.memory_space<vmem>>, vector<1x16xf32>,
        %swap3A_744 = vector.shape_cast %swap3A_743 : vector<1x16xf32> to vector<16xf32>
        %swap3A_745 = vector.shape_cast %add3A_740 : vector<16xf32> to vector<1x16xf32>
        tpu.vector_store %arg12[%swap3A_741, %swap3A_742], %swap3A_745 {strides = array<i32>} : memref<200x64xf32, #tpu.memory_space<vmem>>, vector<1x16xf32>,
        %add3A_746 = arith.constant 48 : i32
        %add3A_747 = arith.addi %mul3A_697, %add3A_746 : i32
        %get3A_748 = arith.index_cast %add3A_690 : i32 to index
        %get3A_749 = arith.index_cast %add3A_747 : i32 to index
        %get3A_750 = tpu.vector_load %arg10[%get3A_748, %get3A_749] {strides = array<i32>} : memref<208x128xf32, #tpu.memory_space<vmem>>, vector<1x16xf32>,
        %get3A_751 = vector.shape_cast %get3A_750 : vector<1x16xf32> to vector<16xf32>
        %get3A_752 = arith.index_cast %add3A_690 : i32 to index
        %get3A_753 = arith.constant 48 : index
        %get3A_754 = tpu.vector_load %arg14[%get3A_752, %get3A_753] {strides = array<i32>} : memref<200x64xf32, #tpu.memory_space<vmem>>, vector<1x16xf32>,
        %get3A_755 = vector.shape_cast %get3A_754 : vector<1x16xf32> to vector<16xf32>
        %add3A_756 = arith.addf %get3A_751, %get3A_755 : vector<16xf32>
        %swap3A_757 = arith.index_cast %add3A_690 : i32 to index
        %swap3A_758 = arith.constant 48 : index
        %swap3A_759 = tpu.vector_load %arg12[%swap3A_757, %swap3A_758] {strides = array<i32>} : memref<200x64xf32, #tpu.memory_space<vmem>>, vector<1x16xf32>,
        %swap3A_760 = vector.shape_cast %swap3A_759 : vector<1x16xf32> to vector<16xf32>
        %swap3A_761 = vector.shape_cast %add3A_756 : vector<16xf32> to vector<1x16xf32>
        tpu.vector_store %arg12[%swap3A_757, %swap3A_758], %swap3A_761 {strides = array<i32>} : memref<200x64xf32, #tpu.memory_space<vmem>>, vector<1x16xf32>,
        %scan3A_762 = arith.constant 1 : i32
        %scan3A_763 = arith.addi %scan3A_608, %scan3A_762 : i32
        %mul3A_764 = arith.constant 2 : i32
        %mul3A_765 = arith.muli %mul3A_764, %scan3A_763 : i32
        %get3A_766 = arith.index_cast %mul3A_765 : i32 to index
        %get3A_767 = tpu.vector_load %arg6[%get3A_766] {strides = array<i32>} : memref<224xi32, #tpu.memory_space<vmem>>, vector<16xi32>,
        %get3A_768 = vector.shape_cast %get3A_767 : vector<16xi32> to vector<16xi32>
        %mul3A_769 = arith.constant 2 : i32
        %mul3A_770 = arith.muli %mul3A_769, %scan3A_763 : i32
        %add3A_771 = arith.constant 0 : i32
        %add3A_772 = arith.addi %mul3A_770, %add3A_771 : i32
        %slice3A_773 = vector.extract_strided_slice %get3A_768 {offsets = [0], sizes = [1], strides = [1]} : vector<16xi32> to vector<1xi32>
        %squeeze3A_774 = vector.extract %slice3A_773[0] : i32 from vector<1xi32>
        %ge3A_775 = arith.constant 500736 : i32
        %ge3A_776 = arith.cmpi sge, %squeeze3A_774, %ge3A_775 : i32
        %convert_element_type3A_777 = arith.extui %ge3A_776 : i1 to i32
        %mul3A_778 = arith.constant 64 : i32
        %mul3A_779 = arith.muli %convert_element_type3A_777, %mul3A_778 : i32
        %add3A_780 = arith.constant 0 : i32
        %add3A_781 = arith.addi %mul3A_779, %add3A_780 : i32
        %get3A_782 = arith.index_cast %add3A_772 : i32 to index
        %get3A_783 = arith.index_cast %add3A_781 : i32 to index
        %get3A_784 = tpu.vector_load %arg10[%get3A_782, %get3A_783] {strides = array<i32>} : memref<208x128xf32, #tpu.memory_space<vmem>>, vector<1x16xf32>,
        %get3A_785 = vector.shape_cast %get3A_784 : vector<1x16xf32> to vector<16xf32>
        %get3A_786 = arith.index_cast %add3A_772 : i32 to index
        %get3A_787 = arith.constant 0 : index
        %get3A_788 = tpu.vector_load %arg14[%get3A_786, %get3A_787] {strides = array<i32>} : memref<200x64xf32, #tpu.memory_space<vmem>>, vector<1x16xf32>,
        %get3A_789 = vector.shape_cast %get3A_788 : vector<1x16xf32> to vector<16xf32>
        %add3A_790 = arith.addf %get3A_785, %get3A_789 : vector<16xf32>
        %swap3A_791 = arith.index_cast %add3A_772 : i32 to index
        %swap3A_792 = arith.constant 0 : index
        %swap3A_793 = tpu.vector_load %arg12[%swap3A_791, %swap3A_792] {strides = array<i32>} : memref<200x64xf32, #tpu.memory_space<vmem>>, vector<1x16xf32>,
        %swap3A_794 = vector.shape_cast %swap3A_793 : vector<1x16xf32> to vector<16xf32>
        %swap3A_795 = vector.shape_cast %add3A_790 : vector<16xf32> to vector<1x16xf32>
        tpu.vector_store %arg12[%swap3A_791, %swap3A_792], %swap3A_795 {strides = array<i32>} : memref<200x64xf32, #tpu.memory_space<vmem>>, vector<1x16xf32>,
        %add3A_796 = arith.constant 16 : i32
        %add3A_797 = arith.addi %mul3A_779, %add3A_796 : i32
        %get3A_798 = arith.index_cast %add3A_772 : i32 to index
        %get3A_799 = arith.index_cast %add3A_797 : i32 to index
        %get3A_800 = tpu.vector_load %arg10[%get3A_798, %get3A_799] {strides = array<i32>} : memref<208x128xf32, #tpu.memory_space<vmem>>, vector<1x16xf32>,
        %get3A_801 = vector.shape_cast %get3A_800 : vector<1x16xf32> to vector<16xf32>
        %get3A_802 = arith.index_cast %add3A_772 : i32 to index
        %get3A_803 = arith.constant 16 : index
        %get3A_804 = tpu.vector_load %arg14[%get3A_802, %get3A_803] {strides = array<i32>} : memref<200x64xf32, #tpu.memory_space<vmem>>, vector<1x16xf32>,
        %get3A_805 = vector.shape_cast %get3A_804 : vector<1x16xf32> to vector<16xf32>
        %add3A_806 = arith.addf %get3A_801, %get3A_805 : vector<16xf32>
        %swap3A_807 = arith.index_cast %add3A_772 : i32 to index
        %swap3A_808 = arith.constant 16 : index
        %swap3A_809 = tpu.vector_load %arg12[%swap3A_807, %swap3A_808] {strides = array<i32>} : memref<200x64xf32, #tpu.memory_space<vmem>>, vector<1x16xf32>,
        %swap3A_810 = vector.shape_cast %swap3A_809 : vector<1x16xf32> to vector<16xf32>
        %swap3A_811 = vector.shape_cast %add3A_806 : vector<16xf32> to vector<1x16xf32>
        tpu.vector_store %arg12[%swap3A_807, %swap3A_808], %swap3A_811 {strides = array<i32>} : memref<200x64xf32, #tpu.memory_space<vmem>>, vector<1x16xf32>,
        %add3A_812 = arith.constant 32 : i32
        %add3A_813 = arith.addi %mul3A_779, %add3A_812 : i32
        %get3A_814 = arith.index_cast %add3A_772 : i32 to index
        %get3A_815 = arith.index_cast %add3A_813 : i32 to index
        %get3A_816 = tpu.vector_load %arg10[%get3A_814, %get3A_815] {strides = array<i32>} : memref<208x128xf32, #tpu.memory_space<vmem>>, vector<1x16xf32>,
        %get3A_817 = vector.shape_cast %get3A_816 : vector<1x16xf32> to vector<16xf32>
        %get3A_818 = arith.index_cast %add3A_772 : i32 to index
        %get3A_819 = arith.constant 32 : index
        %get3A_820 = tpu.vector_load %arg14[%get3A_818, %get3A_819] {strides = array<i32>} : memref<200x64xf32, #tpu.memory_space<vmem>>, vector<1x16xf32>,
        %get3A_821 = vector.shape_cast %get3A_820 : vector<1x16xf32> to vector<16xf32>
        %add3A_822 = arith.addf %get3A_817, %get3A_821 : vector<16xf32>
        %swap3A_823 = arith.index_cast %add3A_772 : i32 to index
        %swap3A_824 = arith.constant 32 : index
        %swap3A_825 = tpu.vector_load %arg12[%swap3A_823, %swap3A_824] {strides = array<i32>} : memref<200x64xf32, #tpu.memory_space<vmem>>, vector<1x16xf32>,
        %swap3A_826 = vector.shape_cast %swap3A_825 : vector<1x16xf32> to vector<16xf32>
        %swap3A_827 = vector.shape_cast %add3A_822 : vector<16xf32> to vector<1x16xf32>
        tpu.vector_store %arg12[%swap3A_823, %swap3A_824], %swap3A_827 {strides = array<i32>} : memref<200x64xf32, #tpu.memory_space<vmem>>, vector<1x16xf32>,
        %add3A_828 = arith.constant 48 : i32
        %add3A_829 = arith.addi %mul3A_779, %add3A_828 : i32
        %get3A_830 = arith.index_cast %add3A_772 : i32 to index
        %get3A_831 = arith.index_cast %add3A_829 : i32 to index
        %get3A_832 = tpu.vector_load %arg10[%get3A_830, %get3A_831] {strides = array<i32>} : memref<208x128xf32, #tpu.memory_space<vmem>>, vector<1x16xf32>,
        %get3A_833 = vector.shape_cast %get3A_832 : vector<1x16xf32> to vector<16xf32>
        %get3A_834 = arith.index_cast %add3A_772 : i32 to index
        %get3A_835 = arith.constant 48 : index
        %get3A_836 = tpu.vector_load %arg14[%get3A_834, %get3A_835] {strides = array<i32>} : memref<200x64xf32, #tpu.memory_space<vmem>>, vector<1x16xf32>,
        %get3A_837 = vector.shape_cast %get3A_836 : vector<1x16xf32> to vector<16xf32>
        %add3A_838 = arith.addf %get3A_833, %get3A_837 : vector<16xf32>
        %swap3A_839 = arith.index_cast %add3A_772 : i32 to index
        %swap3A_840 = arith.constant 48 : index
        %swap3A_841 = tpu.vector_load %arg12[%swap3A_839, %swap3A_840] {strides = array<i32>} : memref<200x64xf32, #tpu.memory_space<vmem>>, vector<1x16xf32>,
        %swap3A_842 = vector.shape_cast %swap3A_841 : vector<1x16xf32> to vector<16xf32>
        %swap3A_843 = vector.shape_cast %add3A_838 : vector<16xf32> to vector<1x16xf32>
        tpu.vector_store %arg12[%swap3A_839, %swap3A_840], %swap3A_843 {strides = array<i32>} : memref<200x64xf32, #tpu.memory_space<vmem>>, vector<1x16xf32>,
        %mul3A_844 = arith.constant 2 : i32
        %mul3A_845 = arith.muli %mul3A_844, %scan3A_763 : i32
        %add3A_846 = arith.constant 1 : i32
        %add3A_847 = arith.addi %mul3A_845, %add3A_846 : i32
        %slice3A_848 = vector.extract_strided_slice %get3A_768 {offsets = [1], sizes = [1], strides = [1]} : vector<16xi32> to vector<1xi32>
        %squeeze3A_849 = vector.extract %slice3A_848[0] : i32 from vector<1xi32>
        %ge3A_850 = arith.constant 500736 : i32
        %ge3A_851 = arith.cmpi sge, %squeeze3A_849, %ge3A_850 : i32
        %convert_element_type3A_852 = arith.extui %ge3A_851 : i1 to i32
        %mul3A_853 = arith.constant 64 : i32
        %mul3A_854 = arith.muli %convert_element_type3A_852, %mul3A_853 : i32
        %add3A_855 = arith.constant 0 : i32
        %add3A_856 = arith.addi %mul3A_854, %add3A_855 : i32
        %get3A_857 = arith.index_cast %add3A_847 : i32 to index
        %get3A_858 = arith.index_cast %add3A_856 : i32 to index
        %get3A_859 = tpu.vector_load %arg10[%get3A_857, %get3A_858] {strides = array<i32>} : memref<208x128xf32, #tpu.memory_space<vmem>>, vector<1x16xf32>,
        %get3A_860 = vector.shape_cast %get3A_859 : vector<1x16xf32> to vector<16xf32>
        %get3A_861 = arith.index_cast %add3A_847 : i32 to index
        %get3A_862 = arith.constant 0 : index
        %get3A_863 = tpu.vector_load %arg14[%get3A_861, %get3A_862] {strides = array<i32>} : memref<200x64xf32, #tpu.memory_space<vmem>>, vector<1x16xf32>,
        %get3A_864 = vector.shape_cast %get3A_863 : vector<1x16xf32> to vector<16xf32>
        %add3A_865 = arith.addf %get3A_860, %get3A_864 : vector<16xf32>
        %swap3A_866 = arith.index_cast %add3A_847 : i32 to index
        %swap3A_867 = arith.constant 0 : index
        %swap3A_868 = tpu.vector_load %arg12[%swap3A_866, %swap3A_867] {strides = array<i32>} : memref<200x64xf32, #tpu.memory_space<vmem>>, vector<1x16xf32>,
        %swap3A_869 = vector.shape_cast %swap3A_868 : vector<1x16xf32> to vector<16xf32>
        %swap3A_870 = vector.shape_cast %add3A_865 : vector<16xf32> to vector<1x16xf32>
        tpu.vector_store %arg12[%swap3A_866, %swap3A_867], %swap3A_870 {strides = array<i32>} : memref<200x64xf32, #tpu.memory_space<vmem>>, vector<1x16xf32>,
        %add3A_871 = arith.constant 16 : i32
        %add3A_872 = arith.addi %mul3A_854, %add3A_871 : i32
        %get3A_873 = arith.index_cast %add3A_847 : i32 to index
        %get3A_874 = arith.index_cast %add3A_872 : i32 to index
        %get3A_875 = tpu.vector_load %arg10[%get3A_873, %get3A_874] {strides = array<i32>} : memref<208x128xf32, #tpu.memory_space<vmem>>, vector<1x16xf32>,
        %get3A_876 = vector.shape_cast %get3A_875 : vector<1x16xf32> to vector<16xf32>
        %get3A_877 = arith.index_cast %add3A_847 : i32 to index
        %get3A_878 = arith.constant 16 : index
        %get3A_879 = tpu.vector_load %arg14[%get3A_877, %get3A_878] {strides = array<i32>} : memref<200x64xf32, #tpu.memory_space<vmem>>, vector<1x16xf32>,
        %get3A_880 = vector.shape_cast %get3A_879 : vector<1x16xf32> to vector<16xf32>
        %add3A_881 = arith.addf %get3A_876, %get3A_880 : vector<16xf32>
        %swap3A_882 = arith.index_cast %add3A_847 : i32 to index
        %swap3A_883 = arith.constant 16 : index
        %swap3A_884 = tpu.vector_load %arg12[%swap3A_882, %swap3A_883] {strides = array<i32>} : memref<200x64xf32, #tpu.memory_space<vmem>>, vector<1x16xf32>,
        %swap3A_885 = vector.shape_cast %swap3A_884 : vector<1x16xf32> to vector<16xf32>
        %swap3A_886 = vector.shape_cast %add3A_881 : vector<16xf32> to vector<1x16xf32>
        tpu.vector_store %arg12[%swap3A_882, %swap3A_883], %swap3A_886 {strides = array<i32>} : memref<200x64xf32, #tpu.memory_space<vmem>>, vector<1x16xf32>,
        %add3A_887 = arith.constant 32 : i32
        %add3A_888 = arith.addi %mul3A_854, %add3A_887 : i32
        %get3A_889 = arith.index_cast %add3A_847 : i32 to index
        %get3A_890 = arith.index_cast %add3A_888 : i32 to index
        %get3A_891 = tpu.vector_load %arg10[%get3A_889, %get3A_890] {strides = array<i32>} : memref<208x128xf32, #tpu.memory_space<vmem>>, vector<1x16xf32>,
        %get3A_892 = vector.shape_cast %get3A_891 : vector<1x16xf32> to vector<16xf32>
        %get3A_893 = arith.index_cast %add3A_847 : i32 to index
        %get3A_894 = arith.constant 32 : index
        %get3A_895 = tpu.vector_load %arg14[%get3A_893, %get3A_894] {strides = array<i32>} : memref<200x64xf32, #tpu.memory_space<vmem>>, vector<1x16xf32>,
        %get3A_896 = vector.shape_cast %get3A_895 : vector<1x16xf32> to vector<16xf32>
        %add3A_897 = arith.addf %get3A_892, %get3A_896 : vector<16xf32>
        %swap3A_898 = arith.index_cast %add3A_847 : i32 to index
        %swap3A_899 = arith.constant 32 : index
        %swap3A_900 = tpu.vector_load %arg12[%swap3A_898, %swap3A_899] {strides = array<i32>} : memref<200x64xf32, #tpu.memory_space<vmem>>, vector<1x16xf32>,
        %swap3A_901 = vector.shape_cast %swap3A_900 : vector<1x16xf32> to vector<16xf32>
        %swap3A_902 = vector.shape_cast %add3A_897 : vector<16xf32> to vector<1x16xf32>
        tpu.vector_store %arg12[%swap3A_898, %swap3A_899], %swap3A_902 {strides = array<i32>} : memref<200x64xf32, #tpu.memory_space<vmem>>, vector<1x16xf32>,
        %add3A_903 = arith.constant 48 : i32
        %add3A_904 = arith.addi %mul3A_854, %add3A_903 : i32
        %get3A_905 = arith.index_cast %add3A_847 : i32 to index
        %get3A_906 = arith.index_cast %add3A_904 : i32 to index
        %get3A_907 = tpu.vector_load %arg10[%get3A_905, %get3A_906] {strides = array<i32>} : memref<208x128xf32, #tpu.memory_space<vmem>>, vector<1x16xf32>,
        %get3A_908 = vector.shape_cast %get3A_907 : vector<1x16xf32> to vector<16xf32>
        %get3A_909 = arith.index_cast %add3A_847 : i32 to index
        %get3A_910 = arith.constant 48 : index
        %get3A_911 = tpu.vector_load %arg14[%get3A_909, %get3A_910] {strides = array<i32>} : memref<200x64xf32, #tpu.memory_space<vmem>>, vector<1x16xf32>,
        %get3A_912 = vector.shape_cast %get3A_911 : vector<1x16xf32> to vector<16xf32>
        %add3A_913 = arith.addf %get3A_908, %get3A_912 : vector<16xf32>
        %swap3A_914 = arith.index_cast %add3A_847 : i32 to index
        %swap3A_915 = arith.constant 48 : index
        %swap3A_916 = tpu.vector_load %arg12[%swap3A_914, %swap3A_915] {strides = array<i32>} : memref<200x64xf32, #tpu.memory_space<vmem>>, vector<1x16xf32>,
        %swap3A_917 = vector.shape_cast %swap3A_916 : vector<1x16xf32> to vector<16xf32>
        %swap3A_918 = vector.shape_cast %add3A_913 : vector<16xf32> to vector<1x16xf32>
        tpu.vector_store %arg12[%swap3A_914, %swap3A_915], %swap3A_918 {strides = array<i32>} : memref<200x64xf32, #tpu.memory_space<vmem>>, vector<1x16xf32>,
        %scan3A_919 = arith.constant 2 : i32
        %scan3A_920 = arith.addi %scan3A_608, %scan3A_919 : i32
        %mul3A_921 = arith.constant 2 : i32
        %mul3A_922 = arith.muli %mul3A_921, %scan3A_920 : i32
        %get3A_923 = arith.index_cast %mul3A_922 : i32 to index
        %get3A_924 = tpu.vector_load %arg6[%get3A_923] {strides = array<i32>} : memref<224xi32, #tpu.memory_space<vmem>>, vector<16xi32>,
        %get3A_925 = vector.shape_cast %get3A_924 : vector<16xi32> to vector<16xi32>
        %mul3A_926 = arith.constant 2 : i32
        %mul3A_927 = arith.muli %mul3A_926, %scan3A_920 : i32
        %add3A_928 = arith.constant 0 : i32
        %add3A_929 = arith.addi %mul3A_927, %add3A_928 : i32
        %slice3A_930 = vector.extract_strided_slice %get3A_925 {offsets = [0], sizes = [1], strides = [1]} : vector<16xi32> to vector<1xi32>
        %squeeze3A_931 = vector.extract %slice3A_930[0] : i32 from vector<1xi32>
        %ge3A_932 = arith.constant 500736 : i32
        %ge3A_933 = arith.cmpi sge, %squeeze3A_931, %ge3A_932 : i32
        %convert_element_type3A_934 = arith.extui %ge3A_933 : i1 to i32
        %mul3A_935 = arith.constant 64 : i32
        %mul3A_936 = arith.muli %convert_element_type3A_934, %mul3A_935 : i32
        %add3A_937 = arith.constant 0 : i32
        %add3A_938 = arith.addi %mul3A_936, %add3A_937 : i32
        %get3A_939 = arith.index_cast %add3A_929 : i32 to index
        %get3A_940 = arith.index_cast %add3A_938 : i32 to index
        %get3A_941 = tpu.vector_load %arg10[%get3A_939, %get3A_940] {strides = array<i32>} : memref<208x128xf32, #tpu.memory_space<vmem>>, vector<1x16xf32>,
        %get3A_942 = vector.shape_cast %get3A_941 : vector<1x16xf32> to vector<16xf32>
        %get3A_943 = arith.index_cast %add3A_929 : i32 to index
        %get3A_944 = arith.constant 0 : index
        %get3A_945 = tpu.vector_load %arg14[%get3A_943, %get3A_944] {strides = array<i32>} : memref<200x64xf32, #tpu.memory_space<vmem>>, vector<1x16xf32>,
        %get3A_946 = vector.shape_cast %get3A_945 : vector<1x16xf32> to vector<16xf32>
        %add3A_947 = arith.addf %get3A_942, %get3A_946 : vector<16xf32>
        %swap3A_948 = arith.index_cast %add3A_929 : i32 to index
        %swap3A_949 = arith.constant 0 : index
        %swap3A_950 = tpu.vector_load %arg12[%swap3A_948, %swap3A_949] {strides = array<i32>} : memref<200x64xf32, #tpu.memory_space<vmem>>, vector<1x16xf32>,
        %swap3A_951 = vector.shape_cast %swap3A_950 : vector<1x16xf32> to vector<16xf32>
        %swap3A_952 = vector.shape_cast %add3A_947 : vector<16xf32> to vector<1x16xf32>
        tpu.vector_store %arg12[%swap3A_948, %swap3A_949], %swap3A_952 {strides = array<i32>} : memref<200x64xf32, #tpu.memory_space<vmem>>, vector<1x16xf32>,
        %add3A_953 = arith.constant 16 : i32
        %add3A_954 = arith.addi %mul3A_936, %add3A_953 : i32
        %get3A_955 = arith.index_cast %add3A_929 : i32 to index
        %get3A_956 = arith.index_cast %add3A_954 : i32 to index
        %get3A_957 = tpu.vector_load %arg10[%get3A_955, %get3A_956] {strides = array<i32>} : memref<208x128xf32, #tpu.memory_space<vmem>>, vector<1x16xf32>,
        %get3A_958 = vector.shape_cast %get3A_957 : vector<1x16xf32> to vector<16xf32>
        %get3A_959 = arith.index_cast %add3A_929 : i32 to index
        %get3A_960 = arith.constant 16 : index
        %get3A_961 = tpu.vector_load %arg14[%get3A_959, %get3A_960] {strides = array<i32>} : memref<200x64xf32, #tpu.memory_space<vmem>>, vector<1x16xf32>,
        %get3A_962 = vector.shape_cast %get3A_961 : vector<1x16xf32> to vector<16xf32>
        %add3A_963 = arith.addf %get3A_958, %get3A_962 : vector<16xf32>
        %swap3A_964 = arith.index_cast %add3A_929 : i32 to index
        %swap3A_965 = arith.constant 16 : index
        %swap3A_966 = tpu.vector_load %arg12[%swap3A_964, %swap3A_965] {strides = array<i32>} : memref<200x64xf32, #tpu.memory_space<vmem>>, vector<1x16xf32>,
        %swap3A_967 = vector.shape_cast %swap3A_966 : vector<1x16xf32> to vector<16xf32>
        %swap3A_968 = vector.shape_cast %add3A_963 : vector<16xf32> to vector<1x16xf32>
        tpu.vector_store %arg12[%swap3A_964, %swap3A_965], %swap3A_968 {strides = array<i32>} : memref<200x64xf32, #tpu.memory_space<vmem>>, vector<1x16xf32>,
        %add3A_969 = arith.constant 32 : i32
        %add3A_970 = arith.addi %mul3A_936, %add3A_969 : i32
        %get3A_971 = arith.index_cast %add3A_929 : i32 to index
        %get3A_972 = arith.index_cast %add3A_970 : i32 to index
        %get3A_973 = tpu.vector_load %arg10[%get3A_971, %get3A_972] {strides = array<i32>} : memref<208x128xf32, #tpu.memory_space<vmem>>, vector<1x16xf32>,
        %get3A_974 = vector.shape_cast %get3A_973 : vector<1x16xf32> to vector<16xf32>
        %get3A_975 = arith.index_cast %add3A_929 : i32 to index
        %get3A_976 = arith.constant 32 : index
        %get3A_977 = tpu.vector_load %arg14[%get3A_975, %get3A_976] {strides = array<i32>} : memref<200x64xf32, #tpu.memory_space<vmem>>, vector<1x16xf32>,
        %get3A_978 = vector.shape_cast %get3A_977 : vector<1x16xf32> to vector<16xf32>
        %add3A_979 = arith.addf %get3A_974, %get3A_978 : vector<16xf32>
        %swap3A_980 = arith.index_cast %add3A_929 : i32 to index
        %swap3A_981 = arith.constant 32 : index
        %swap3A_982 = tpu.vector_load %arg12[%swap3A_980, %swap3A_981] {strides = array<i32>} : memref<200x64xf32, #tpu.memory_space<vmem>>, vector<1x16xf32>,
        %swap3A_983 = vector.shape_cast %swap3A_982 : vector<1x16xf32> to vector<16xf32>
        %swap3A_984 = vector.shape_cast %add3A_979 : vector<16xf32> to vector<1x16xf32>
        tpu.vector_store %arg12[%swap3A_980, %swap3A_981], %swap3A_984 {strides = array<i32>} : memref<200x64xf32, #tpu.memory_space<vmem>>, vector<1x16xf32>,
        %add3A_985 = arith.constant 48 : i32
        %add3A_986 = arith.addi %mul3A_936, %add3A_985 : i32
        %get3A_987 = arith.index_cast %add3A_929 : i32 to index
        %get3A_988 = arith.index_cast %add3A_986 : i32 to index
        %get3A_989 = tpu.vector_load %arg10[%get3A_987, %get3A_988] {strides = array<i32>} : memref<208x128xf32, #tpu.memory_space<vmem>>, vector<1x16xf32>,
        %get3A_990 = vector.shape_cast %get3A_989 : vector<1x16xf32> to vector<16xf32>
        %get3A_991 = arith.index_cast %add3A_929 : i32 to index
        %get3A_992 = arith.constant 48 : index
        %get3A_993 = tpu.vector_load %arg14[%get3A_991, %get3A_992] {strides = array<i32>} : memref<200x64xf32, #tpu.memory_space<vmem>>, vector<1x16xf32>,
        %get3A_994 = vector.shape_cast %get3A_993 : vector<1x16xf32> to vector<16xf32>
        %add3A_995 = arith.addf %get3A_990, %get3A_994 : vector<16xf32>
        %swap3A_996 = arith.index_cast %add3A_929 : i32 to index
        %swap3A_997 = arith.constant 48 : index
        %swap3A_998 = tpu.vector_load %arg12[%swap3A_996, %swap3A_997] {strides = array<i32>} : memref<200x64xf32, #tpu.memory_space<vmem>>, vector<1x16xf32>,
        %swap3A_999 = vector.shape_cast %swap3A_998 : vector<1x16xf32> to vector<16xf32>
        %swap3A_1000 = vector.shape_cast %add3A_995 : vector<16xf32> to vector<1x16xf32>
        tpu.vector_store %arg12[%swap3A_996, %swap3A_997], %swap3A_1000 {strides = array<i32>} : memref<200x64xf32, #tpu.memory_space<vmem>>, vector<1x16xf32>,
        %mul3A_1001 = arith.constant 2 : i32
        %mul3A_1002 = arith.muli %mul3A_1001, %scan3A_920 : i32
        %add3A_1003 = arith.constant 1 : i32
        %add3A_1004 = arith.addi %mul3A_1002, %add3A_1003 : i32
        %slice3A_1005 = vector.extract_strided_slice %get3A_925 {offsets = [1], sizes = [1], strides = [1]} : vector<16xi32> to vector<1xi32>
        %squeeze3A_1006 = vector.extract %slice3A_1005[0] : i32 from vector<1xi32>
        %ge3A_1007 = arith.constant 500736 : i32
        %ge3A_1008 = arith.cmpi sge, %squeeze3A_1006, %ge3A_1007 : i32
        %convert_element_type3A_1009 = arith.extui %ge3A_1008 : i1 to i32
        %mul3A_1010 = arith.constant 64 : i32
        %mul3A_1011 = arith.muli %convert_element_type3A_1009, %mul3A_1010 : i32
        %add3A_1012 = arith.constant 0 : i32
        %add3A_1013 = arith.addi %mul3A_1011, %add3A_1012 : i32
        %get3A_1014 = arith.index_cast %add3A_1004 : i32 to index
        %get3A_1015 = arith.index_cast %add3A_1013 : i32 to index
        %get3A_1016 = tpu.vector_load %arg10[%get3A_1014, %get3A_1015] {strides = array<i32>} : memref<208x128xf32, #tpu.memory_space<vmem>>, vector<1x16xf32>,
        %get3A_1017 = vector.shape_cast %get3A_1016 : vector<1x16xf32> to vector<16xf32>
        %get3A_1018 = arith.index_cast %add3A_1004 : i32 to index
        %get3A_1019 = arith.constant 0 : index
        %get3A_1020 = tpu.vector_load %arg14[%get3A_1018, %get3A_1019] {strides = array<i32>} : memref<200x64xf32, #tpu.memory_space<vmem>>, vector<1x16xf32>,
        %get3A_1021 = vector.shape_cast %get3A_1020 : vector<1x16xf32> to vector<16xf32>
        %add3A_1022 = arith.addf %get3A_1017, %get3A_1021 : vector<16xf32>
        %swap3A_1023 = arith.index_cast %add3A_1004 : i32 to index
        %swap3A_1024 = arith.constant 0 : index
        %swap3A_1025 = tpu.vector_load %arg12[%swap3A_1023, %swap3A_1024] {strides = array<i32>} : memref<200x64xf32, #tpu.memory_space<vmem>>, vector<1x16xf32>,
        %swap3A_1026 = vector.shape_cast %swap3A_1025 : vector<1x16xf32> to vector<16xf32>
        %swap3A_1027 = vector.shape_cast %add3A_1022 : vector<16xf32> to vector<1x16xf32>
        tpu.vector_store %arg12[%swap3A_1023, %swap3A_1024], %swap3A_1027 {strides = array<i32>} : memref<200x64xf32, #tpu.memory_space<vmem>>, vector<1x16xf32>,
        %add3A_1028 = arith.constant 16 : i32
        %add3A_1029 = arith.addi %mul3A_1011, %add3A_1028 : i32
        %get3A_1030 = arith.index_cast %add3A_1004 : i32 to index
        %get3A_1031 = arith.index_cast %add3A_1029 : i32 to index
        %get3A_1032 = tpu.vector_load %arg10[%get3A_1030, %get3A_1031] {strides = array<i32>} : memref<208x128xf32, #tpu.memory_space<vmem>>, vector<1x16xf32>,
        %get3A_1033 = vector.shape_cast %get3A_1032 : vector<1x16xf32> to vector<16xf32>
        %get3A_1034 = arith.index_cast %add3A_1004 : i32 to index
        %get3A_1035 = arith.constant 16 : index
        %get3A_1036 = tpu.vector_load %arg14[%get3A_1034, %get3A_1035] {strides = array<i32>} : memref<200x64xf32, #tpu.memory_space<vmem>>, vector<1x16xf32>,
        %get3A_1037 = vector.shape_cast %get3A_1036 : vector<1x16xf32> to vector<16xf32>
        %add3A_1038 = arith.addf %get3A_1033, %get3A_1037 : vector<16xf32>
        %swap3A_1039 = arith.index_cast %add3A_1004 : i32 to index
        %swap3A_1040 = arith.constant 16 : index
        %swap3A_1041 = tpu.vector_load %arg12[%swap3A_1039, %swap3A_1040] {strides = array<i32>} : memref<200x64xf32, #tpu.memory_space<vmem>>, vector<1x16xf32>,
        %swap3A_1042 = vector.shape_cast %swap3A_1041 : vector<1x16xf32> to vector<16xf32>
        %swap3A_1043 = vector.shape_cast %add3A_1038 : vector<16xf32> to vector<1x16xf32>
        tpu.vector_store %arg12[%swap3A_1039, %swap3A_1040], %swap3A_1043 {strides = array<i32>} : memref<200x64xf32, #tpu.memory_space<vmem>>, vector<1x16xf32>,
        %add3A_1044 = arith.constant 32 : i32
        %add3A_1045 = arith.addi %mul3A_1011, %add3A_1044 : i32
        %get3A_1046 = arith.index_cast %add3A_1004 : i32 to index
        %get3A_1047 = arith.index_cast %add3A_1045 : i32 to index
        %get3A_1048 = tpu.vector_load %arg10[%get3A_1046, %get3A_1047] {strides = array<i32>} : memref<208x128xf32, #tpu.memory_space<vmem>>, vector<1x16xf32>,
        %get3A_1049 = vector.shape_cast %get3A_1048 : vector<1x16xf32> to vector<16xf32>
        %get3A_1050 = arith.index_cast %add3A_1004 : i32 to index
        %get3A_1051 = arith.constant 32 : index
        %get3A_1052 = tpu.vector_load %arg14[%get3A_1050, %get3A_1051] {strides = array<i32>} : memref<200x64xf32, #tpu.memory_space<vmem>>, vector<1x16xf32>,
        %get3A_1053 = vector.shape_cast %get3A_1052 : vector<1x16xf32> to vector<16xf32>
        %add3A_1054 = arith.addf %get3A_1049, %get3A_1053 : vector<16xf32>
        %swap3A_1055 = arith.index_cast %add3A_1004 : i32 to index
        %swap3A_1056 = arith.constant 32 : index
        %swap3A_1057 = tpu.vector_load %arg12[%swap3A_1055, %swap3A_1056] {strides = array<i32>} : memref<200x64xf32, #tpu.memory_space<vmem>>, vector<1x16xf32>,
        %swap3A_1058 = vector.shape_cast %swap3A_1057 : vector<1x16xf32> to vector<16xf32>
        %swap3A_1059 = vector.shape_cast %add3A_1054 : vector<16xf32> to vector<1x16xf32>
        tpu.vector_store %arg12[%swap3A_1055, %swap3A_1056], %swap3A_1059 {strides = array<i32>} : memref<200x64xf32, #tpu.memory_space<vmem>>, vector<1x16xf32>,
        %add3A_1060 = arith.constant 48 : i32
        %add3A_1061 = arith.addi %mul3A_1011, %add3A_1060 : i32
        %get3A_1062 = arith.index_cast %add3A_1004 : i32 to index
        %get3A_1063 = arith.index_cast %add3A_1061 : i32 to index
        %get3A_1064 = tpu.vector_load %arg10[%get3A_1062, %get3A_1063] {strides = array<i32>} : memref<208x128xf32, #tpu.memory_space<vmem>>, vector<1x16xf32>,
        %get3A_1065 = vector.shape_cast %get3A_1064 : vector<1x16xf32> to vector<16xf32>
        %get3A_1066 = arith.index_cast %add3A_1004 : i32 to index
        %get3A_1067 = arith.constant 48 : index
        %get3A_1068 = tpu.vector_load %arg14[%get3A_1066, %get3A_1067] {strides = array<i32>} : memref<200x64xf32, #tpu.memory_space<vmem>>, vector<1x16xf32>,
        %get3A_1069 = vector.shape_cast %get3A_1068 : vector<1x16xf32> to vector<16xf32>
        %add3A_1070 = arith.addf %get3A_1065, %get3A_1069 : vector<16xf32>
        %swap3A_1071 = arith.index_cast %add3A_1004 : i32 to index
        %swap3A_1072 = arith.constant 48 : index
        %swap3A_1073 = tpu.vector_load %arg12[%swap3A_1071, %swap3A_1072] {strides = array<i32>} : memref<200x64xf32, #tpu.memory_space<vmem>>, vector<1x16xf32>,
        %swap3A_1074 = vector.shape_cast %swap3A_1073 : vector<1x16xf32> to vector<16xf32>
        %swap3A_1075 = vector.shape_cast %add3A_1070 : vector<16xf32> to vector<1x16xf32>
        tpu.vector_store %arg12[%swap3A_1071, %swap3A_1072], %swap3A_1075 {strides = array<i32>} : memref<200x64xf32, #tpu.memory_space<vmem>>, vector<1x16xf32>,
        %scan3A_1076 = arith.constant 3 : i32
        %scan3A_1077 = arith.addi %scan3A_608, %scan3A_1076 : i32
        %mul3A_1078 = arith.constant 2 : i32
        %mul3A_1079 = arith.muli %mul3A_1078, %scan3A_1077 : i32
        %get3A_1080 = arith.index_cast %mul3A_1079 : i32 to index
        %get3A_1081 = tpu.vector_load %arg6[%get3A_1080] {strides = array<i32>} : memref<224xi32, #tpu.memory_space<vmem>>, vector<16xi32>,
        %get3A_1082 = vector.shape_cast %get3A_1081 : vector<16xi32> to vector<16xi32>
        %mul3A_1083 = arith.constant 2 : i32
        %mul3A_1084 = arith.muli %mul3A_1083, %scan3A_1077 : i32
        %add3A_1085 = arith.constant 0 : i32
        %add3A_1086 = arith.addi %mul3A_1084, %add3A_1085 : i32
        %slice3A_1087 = vector.extract_strided_slice %get3A_1082 {offsets = [0], sizes = [1], strides = [1]} : vector<16xi32> to vector<1xi32>
        %squeeze3A_1088 = vector.extract %slice3A_1087[0] : i32 from vector<1xi32>
        %ge3A_1089 = arith.constant 500736 : i32
        %ge3A_1090 = arith.cmpi sge, %squeeze3A_1088, %ge3A_1089 : i32
        %convert_element_type3A_1091 = arith.extui %ge3A_1090 : i1 to i32
        %mul3A_1092 = arith.constant 64 : i32
        %mul3A_1093 = arith.muli %convert_element_type3A_1091, %mul3A_1092 : i32
        %add3A_1094 = arith.constant 0 : i32
        %add3A_1095 = arith.addi %mul3A_1093, %add3A_1094 : i32
        %get3A_1096 = arith.index_cast %add3A_1086 : i32 to index
        %get3A_1097 = arith.index_cast %add3A_1095 : i32 to index
        %get3A_1098 = tpu.vector_load %arg10[%get3A_1096, %get3A_1097] {strides = array<i32>} : memref<208x128xf32, #tpu.memory_space<vmem>>, vector<1x16xf32>,
        %get3A_1099 = vector.shape_cast %get3A_1098 : vector<1x16xf32> to vector<16xf32>
        %get3A_1100 = arith.index_cast %add3A_1086 : i32 to index
        %get3A_1101 = arith.constant 0 : index
        %get3A_1102 = tpu.vector_load %arg14[%get3A_1100, %get3A_1101] {strides = array<i32>} : memref<200x64xf32, #tpu.memory_space<vmem>>, vector<1x16xf32>,
        %get3A_1103 = vector.shape_cast %get3A_1102 : vector<1x16xf32> to vector<16xf32>
        %add3A_1104 = arith.addf %get3A_1099, %get3A_1103 : vector<16xf32>
        %swap3A_1105 = arith.index_cast %add3A_1086 : i32 to index
        %swap3A_1106 = arith.constant 0 : index
        %swap3A_1107 = tpu.vector_load %arg12[%swap3A_1105, %swap3A_1106] {strides = array<i32>} : memref<200x64xf32, #tpu.memory_space<vmem>>, vector<1x16xf32>,
        %swap3A_1108 = vector.shape_cast %swap3A_1107 : vector<1x16xf32> to vector<16xf32>
        %swap3A_1109 = vector.shape_cast %add3A_1104 : vector<16xf32> to vector<1x16xf32>
        tpu.vector_store %arg12[%swap3A_1105, %swap3A_1106], %swap3A_1109 {strides = array<i32>} : memref<200x64xf32, #tpu.memory_space<vmem>>, vector<1x16xf32>,
        %add3A_1110 = arith.constant 16 : i32
        %add3A_1111 = arith.addi %mul3A_1093, %add3A_1110 : i32
        %get3A_1112 = arith.index_cast %add3A_1086 : i32 to index
        %get3A_1113 = arith.index_cast %add3A_1111 : i32 to index
        %get3A_1114 = tpu.vector_load %arg10[%get3A_1112, %get3A_1113] {strides = array<i32>} : memref<208x128xf32, #tpu.memory_space<vmem>>, vector<1x16xf32>,
        %get3A_1115 = vector.shape_cast %get3A_1114 : vector<1x16xf32> to vector<16xf32>
        %get3A_1116 = arith.index_cast %add3A_1086 : i32 to index
        %get3A_1117 = arith.constant 16 : index
        %get3A_1118 = tpu.vector_load %arg14[%get3A_1116, %get3A_1117] {strides = array<i32>} : memref<200x64xf32, #tpu.memory_space<vmem>>, vector<1x16xf32>,
        %get3A_1119 = vector.shape_cast %get3A_1118 : vector<1x16xf32> to vector<16xf32>
        %add3A_1120 = arith.addf %get3A_1115, %get3A_1119 : vector<16xf32>
        %swap3A_1121 = arith.index_cast %add3A_1086 : i32 to index
        %swap3A_1122 = arith.constant 16 : index
        %swap3A_1123 = tpu.vector_load %arg12[%swap3A_1121, %swap3A_1122] {strides = array<i32>} : memref<200x64xf32, #tpu.memory_space<vmem>>, vector<1x16xf32>,
        %swap3A_1124 = vector.shape_cast %swap3A_1123 : vector<1x16xf32> to vector<16xf32>
        %swap3A_1125 = vector.shape_cast %add3A_1120 : vector<16xf32> to vector<1x16xf32>
        tpu.vector_store %arg12[%swap3A_1121, %swap3A_1122], %swap3A_1125 {strides = array<i32>} : memref<200x64xf32, #tpu.memory_space<vmem>>, vector<1x16xf32>,
        %add3A_1126 = arith.constant 32 : i32
        %add3A_1127 = arith.addi %mul3A_1093, %add3A_1126 : i32
        %get3A_1128 = arith.index_cast %add3A_1086 : i32 to index
        %get3A_1129 = arith.index_cast %add3A_1127 : i32 to index
        %get3A_1130 = tpu.vector_load %arg10[%get3A_1128, %get3A_1129] {strides = array<i32>} : memref<208x128xf32, #tpu.memory_space<vmem>>, vector<1x16xf32>,
        %get3A_1131 = vector.shape_cast %get3A_1130 : vector<1x16xf32> to vector<16xf32>
        %get3A_1132 = arith.index_cast %add3A_1086 : i32 to index
        %get3A_1133 = arith.constant 32 : index
        %get3A_1134 = tpu.vector_load %arg14[%get3A_1132, %get3A_1133] {strides = array<i32>} : memref<200x64xf32, #tpu.memory_space<vmem>>, vector<1x16xf32>,
        %get3A_1135 = vector.shape_cast %get3A_1134 : vector<1x16xf32> to vector<16xf32>
        %add3A_1136 = arith.addf %get3A_1131, %get3A_1135 : vector<16xf32>
        %swap3A_1137 = arith.index_cast %add3A_1086 : i32 to index
        %swap3A_1138 = arith.constant 32 : index
        %swap3A_1139 = tpu.vector_load %arg12[%swap3A_1137, %swap3A_1138] {strides = array<i32>} : memref<200x64xf32, #tpu.memory_space<vmem>>, vector<1x16xf32>,
        %swap3A_1140 = vector.shape_cast %swap3A_1139 : vector<1x16xf32> to vector<16xf32>
        %swap3A_1141 = vector.shape_cast %add3A_1136 : vector<16xf32> to vector<1x16xf32>
        tpu.vector_store %arg12[%swap3A_1137, %swap3A_1138], %swap3A_1141 {strides = array<i32>} : memref<200x64xf32, #tpu.memory_space<vmem>>, vector<1x16xf32>,
        %add3A_1142 = arith.constant 48 : i32
        %add3A_1143 = arith.addi %mul3A_1093, %add3A_1142 : i32
        %get3A_1144 = arith.index_cast %add3A_1086 : i32 to index
        %get3A_1145 = arith.index_cast %add3A_1143 : i32 to index
        %get3A_1146 = tpu.vector_load %arg10[%get3A_1144, %get3A_1145] {strides = array<i32>} : memref<208x128xf32, #tpu.memory_space<vmem>>, vector<1x16xf32>,
        %get3A_1147 = vector.shape_cast %get3A_1146 : vector<1x16xf32> to vector<16xf32>
        %get3A_1148 = arith.index_cast %add3A_1086 : i32 to index
        %get3A_1149 = arith.constant 48 : index
        %get3A_1150 = tpu.vector_load %arg14[%get3A_1148, %get3A_1149] {strides = array<i32>} : memref<200x64xf32, #tpu.memory_space<vmem>>, vector<1x16xf32>,
        %get3A_1151 = vector.shape_cast %get3A_1150 : vector<1x16xf32> to vector<16xf32>
        %add3A_1152 = arith.addf %get3A_1147, %get3A_1151 : vector<16xf32>
        %swap3A_1153 = arith.index_cast %add3A_1086 : i32 to index
        %swap3A_1154 = arith.constant 48 : index
        %swap3A_1155 = tpu.vector_load %arg12[%swap3A_1153, %swap3A_1154] {strides = array<i32>} : memref<200x64xf32, #tpu.memory_space<vmem>>, vector<1x16xf32>,
        %swap3A_1156 = vector.shape_cast %swap3A_1155 : vector<1x16xf32> to vector<16xf32>
        %swap3A_1157 = vector.shape_cast %add3A_1152 : vector<16xf32> to vector<1x16xf32>
        tpu.vector_store %arg12[%swap3A_1153, %swap3A_1154], %swap3A_1157 {strides = array<i32>} : memref<200x64xf32, #tpu.memory_space<vmem>>, vector<1x16xf32>,
        %mul3A_1158 = arith.constant 2 : i32
        %mul3A_1159 = arith.muli %mul3A_1158, %scan3A_1077 : i32
        %add3A_1160 = arith.constant 1 : i32
        %add3A_1161 = arith.addi %mul3A_1159, %add3A_1160 : i32
        %slice3A_1162 = vector.extract_strided_slice %get3A_1082 {offsets = [1], sizes = [1], strides = [1]} : vector<16xi32> to vector<1xi32>
        %squeeze3A_1163 = vector.extract %slice3A_1162[0] : i32 from vector<1xi32>
        %ge3A_1164 = arith.constant 500736 : i32
        %ge3A_1165 = arith.cmpi sge, %squeeze3A_1163, %ge3A_1164 : i32
        %convert_element_type3A_1166 = arith.extui %ge3A_1165 : i1 to i32
        %mul3A_1167 = arith.constant 64 : i32
        %mul3A_1168 = arith.muli %convert_element_type3A_1166, %mul3A_1167 : i32
        %add3A_1169 = arith.constant 0 : i32
        %add3A_1170 = arith.addi %mul3A_1168, %add3A_1169 : i32
        %get3A_1171 = arith.index_cast %add3A_1161 : i32 to index
        %get3A_1172 = arith.index_cast %add3A_1170 : i32 to index
        %get3A_1173 = tpu.vector_load %arg10[%get3A_1171, %get3A_1172] {strides = array<i32>} : memref<208x128xf32, #tpu.memory_space<vmem>>, vector<1x16xf32>,
        %get3A_1174 = vector.shape_cast %get3A_1173 : vector<1x16xf32> to vector<16xf32>
        %get3A_1175 = arith.index_cast %add3A_1161 : i32 to index
        %get3A_1176 = arith.constant 0 : index
        %get3A_1177 = tpu.vector_load %arg14[%get3A_1175, %get3A_1176] {strides = array<i32>} : memref<200x64xf32, #tpu.memory_space<vmem>>, vector<1x16xf32>,
        %get3A_1178 = vector.shape_cast %get3A_1177 : vector<1x16xf32> to vector<16xf32>
        %add3A_1179 = arith.addf %get3A_1174, %get3A_1178 : vector<16xf32>
        %swap3A_1180 = arith.index_cast %add3A_1161 : i32 to index
        %swap3A_1181 = arith.constant 0 : index
        %swap3A_1182 = tpu.vector_load %arg12[%swap3A_1180, %swap3A_1181] {strides = array<i32>} : memref<200x64xf32, #tpu.memory_space<vmem>>, vector<1x16xf32>,
        %swap3A_1183 = vector.shape_cast %swap3A_1182 : vector<1x16xf32> to vector<16xf32>
        %swap3A_1184 = vector.shape_cast %add3A_1179 : vector<16xf32> to vector<1x16xf32>
        tpu.vector_store %arg12[%swap3A_1180, %swap3A_1181], %swap3A_1184 {strides = array<i32>} : memref<200x64xf32, #tpu.memory_space<vmem>>, vector<1x16xf32>,
        %add3A_1185 = arith.constant 16 : i32
        %add3A_1186 = arith.addi %mul3A_1168, %add3A_1185 : i32
        %get3A_1187 = arith.index_cast %add3A_1161 : i32 to index
        %get3A_1188 = arith.index_cast %add3A_1186 : i32 to index
        %get3A_1189 = tpu.vector_load %arg10[%get3A_1187, %get3A_1188] {strides = array<i32>} : memref<208x128xf32, #tpu.memory_space<vmem>>, vector<1x16xf32>,
        %get3A_1190 = vector.shape_cast %get3A_1189 : vector<1x16xf32> to vector<16xf32>
        %get3A_1191 = arith.index_cast %add3A_1161 : i32 to index
        %get3A_1192 = arith.constant 16 : index
        %get3A_1193 = tpu.vector_load %arg14[%get3A_1191, %get3A_1192] {strides = array<i32>} : memref<200x64xf32, #tpu.memory_space<vmem>>, vector<1x16xf32>,
        %get3A_1194 = vector.shape_cast %get3A_1193 : vector<1x16xf32> to vector<16xf32>
        %add3A_1195 = arith.addf %get3A_1190, %get3A_1194 : vector<16xf32>
        %swap3A_1196 = arith.index_cast %add3A_1161 : i32 to index
        %swap3A_1197 = arith.constant 16 : index
        %swap3A_1198 = tpu.vector_load %arg12[%swap3A_1196, %swap3A_1197] {strides = array<i32>} : memref<200x64xf32, #tpu.memory_space<vmem>>, vector<1x16xf32>,
        %swap3A_1199 = vector.shape_cast %swap3A_1198 : vector<1x16xf32> to vector<16xf32>
        %swap3A_1200 = vector.shape_cast %add3A_1195 : vector<16xf32> to vector<1x16xf32>
        tpu.vector_store %arg12[%swap3A_1196, %swap3A_1197], %swap3A_1200 {strides = array<i32>} : memref<200x64xf32, #tpu.memory_space<vmem>>, vector<1x16xf32>,
        %add3A_1201 = arith.constant 32 : i32
        %add3A_1202 = arith.addi %mul3A_1168, %add3A_1201 : i32
        %get3A_1203 = arith.index_cast %add3A_1161 : i32 to index
        %get3A_1204 = arith.index_cast %add3A_1202 : i32 to index
        %get3A_1205 = tpu.vector_load %arg10[%get3A_1203, %get3A_1204] {strides = array<i32>} : memref<208x128xf32, #tpu.memory_space<vmem>>, vector<1x16xf32>,
        %get3A_1206 = vector.shape_cast %get3A_1205 : vector<1x16xf32> to vector<16xf32>
        %get3A_1207 = arith.index_cast %add3A_1161 : i32 to index
        %get3A_1208 = arith.constant 32 : index
        %get3A_1209 = tpu.vector_load %arg14[%get3A_1207, %get3A_1208] {strides = array<i32>} : memref<200x64xf32, #tpu.memory_space<vmem>>, vector<1x16xf32>,
        %get3A_1210 = vector.shape_cast %get3A_1209 : vector<1x16xf32> to vector<16xf32>
        %add3A_1211 = arith.addf %get3A_1206, %get3A_1210 : vector<16xf32>
        %swap3A_1212 = arith.index_cast %add3A_1161 : i32 to index
        %swap3A_1213 = arith.constant 32 : index
        %swap3A_1214 = tpu.vector_load %arg12[%swap3A_1212, %swap3A_1213] {strides = array<i32>} : memref<200x64xf32, #tpu.memory_space<vmem>>, vector<1x16xf32>,
        %swap3A_1215 = vector.shape_cast %swap3A_1214 : vector<1x16xf32> to vector<16xf32>
        %swap3A_1216 = vector.shape_cast %add3A_1211 : vector<16xf32> to vector<1x16xf32>
        tpu.vector_store %arg12[%swap3A_1212, %swap3A_1213], %swap3A_1216 {strides = array<i32>} : memref<200x64xf32, #tpu.memory_space<vmem>>, vector<1x16xf32>,
        %add3A_1217 = arith.constant 48 : i32
        %add3A_1218 = arith.addi %mul3A_1168, %add3A_1217 : i32
        %get3A_1219 = arith.index_cast %add3A_1161 : i32 to index
        %get3A_1220 = arith.index_cast %add3A_1218 : i32 to index
        %get3A_1221 = tpu.vector_load %arg10[%get3A_1219, %get3A_1220] {strides = array<i32>} : memref<208x128xf32, #tpu.memory_space<vmem>>, vector<1x16xf32>,
        %get3A_1222 = vector.shape_cast %get3A_1221 : vector<1x16xf32> to vector<16xf32>
        %get3A_1223 = arith.index_cast %add3A_1161 : i32 to index
        %get3A_1224 = arith.constant 48 : index
        %get3A_1225 = tpu.vector_load %arg14[%get3A_1223, %get3A_1224] {strides = array<i32>} : memref<200x64xf32, #tpu.memory_space<vmem>>, vector<1x16xf32>,
        %get3A_1226 = vector.shape_cast %get3A_1225 : vector<1x16xf32> to vector<16xf32>
        %add3A_1227 = arith.addf %get3A_1222, %get3A_1226 : vector<16xf32>
        %swap3A_1228 = arith.index_cast %add3A_1161 : i32 to index
        %swap3A_1229 = arith.constant 48 : index
        %swap3A_1230 = tpu.vector_load %arg12[%swap3A_1228, %swap3A_1229] {strides = array<i32>} : memref<200x64xf32, #tpu.memory_space<vmem>>, vector<1x16xf32>,
        %swap3A_1231 = vector.shape_cast %swap3A_1230 : vector<1x16xf32> to vector<16xf32>
        %swap3A_1232 = vector.shape_cast %add3A_1227 : vector<16xf32> to vector<1x16xf32>
        tpu.vector_store %arg12[%swap3A_1228, %swap3A_1229], %swap3A_1232 {strides = array<i32>} : memref<200x64xf32, #tpu.memory_space<vmem>>, vector<1x16xf32>,
      }
      %scan3A_569 = arith.constant 100 : i32
      %add3A_570 = arith.addi %mul3A_2, %mul3A_288 : i32
      %dma_start3A_571 = arith.constant 0 : i32
      %dma_start3A_572 = arith.constant 0 : i32
      %dma_start3A_573 = tpu.memref_slice %arg5[%add3A_570, %dma_start3A_571, %dma_start3A_572] : memref<4096x200x64xf32, #tpu.memory_space<hbm>> -> memref<1x200x64xf32, #tpu.memory_space<hbm>>
      %dma_start3A_574 = tpu.memref_squeeze %dma_start3A_573 : memref<1x200x64xf32, #tpu.memory_space<hbm>> -> memref<200x64xf32, #tpu.memory_space<hbm>>
      %dma_start3A_575 = arith.constant 0 : i32
      %dma_start3A_576 = arith.constant 0 : i32
      %dma_start3A_577 = tpu.memref_slice %arg5[%add3A_570, %dma_start3A_575, %dma_start3A_576] : memref<4096x200x64xf32, #tpu.memory_space<hbm>> -> memref<1x200x64xf32, #tpu.memory_space<hbm>>
      %dma_start3A_578 = tpu.memref_squeeze %dma_start3A_577 : memref<1x200x64xf32, #tpu.memory_space<hbm>> -> memref<200x64xf32, #tpu.memory_space<hbm>>
      tpu.enqueue_dma source(%arg12 : memref<200x64xf32, #tpu.memory_space<vmem>>) target(%dma_start3A_578 : memref<200x64xf32, #tpu.memory_space<hbm>>) target_semaphore(%arg17 : memref<!tpu.dma_semaphore, #tpu.memory_space<semaphore_mem>>)
      %add3A_579 = arith.constant 1 : i32
      %add3A_580 = arith.addi %scan3A_286, %add3A_579 : i32
      %lt3A = arith.constant 64 : i32
      %lt3A_581 = arith.cmpi slt, %add3A_580, %lt3A : i32
      %convert_element_type3A_582 = arith.extui %lt3A_581 : i1 to i32
      %cond3A_583 = arith.constant 0 : i32
      %cond3A_584 = arith.cmpi ne, %convert_element_type3A_582, %cond3A_583 : i32
      scf.if %cond3A_584 {
        %add3A_608 = arith.constant 2 : i32
        %add3A_609 = arith.addi %mul3A_288, %add3A_608 : i32
        %add3A_610 = arith.addi %mul3A_2, %add3A_609 : i32
        %mul3A_611 = arith.constant 200 : i32
        %mul3A_612 = arith.muli %add3A_610, %mul3A_611 : i32
        "tpu.region"() ({
          %run_scoped3A = tpu.sem_alloc : memref<!tpu.dma_semaphore, #tpu.memory_space<semaphore_mem>>
          %dma_start3A_876 = arith.constant 0 : i32
          %dma_start3A_877 = tpu.memref_slice %arg6[%dma_start3A_876] : memref<224xi32, #tpu.memory_space<vmem>> -> memref<200xi32, #tpu.memory_space<vmem>>
          %dma_start3A_878 = tpu.memref_slice %arg2[%mul3A_612] : memref<819200xi32, #tpu.memory_space<hbm>> -> memref<200xi32, #tpu.memory_space<hbm>>
          %dma_start3A_879 = arith.constant 0 : i32
          %dma_start3A_880 = tpu.memref_slice %arg6[%dma_start3A_879] : memref<224xi32, #tpu.memory_space<vmem>> -> memref<200xi32, #tpu.memory_space<vmem>>
          %dma_start3A_881 = tpu.memref_slice %arg2[%mul3A_612] : memref<819200xi32, #tpu.memory_space<hbm>> -> memref<200xi32, #tpu.memory_space<hbm>>
          tpu.enqueue_dma source(%dma_start3A_881 : memref<200xi32, #tpu.memory_space<hbm>>) target(%dma_start3A_880 : memref<200xi32, #tpu.memory_space<vmem>>) target_semaphore(%run_scoped3A : memref<!tpu.dma_semaphore, #tpu.memory_space<semaphore_mem>>)
          %dma_wait3A_882 = arith.constant 0 : i32
          %dma_wait3A_883 = tpu.memref_slice %arg6[%dma_wait3A_882] : memref<224xi32, #tpu.memory_space<vmem>> -> memref<200xi32, #tpu.memory_space<vmem>>
          %dma_wait3A_884 = tpu.memref_slice %arg2[%mul3A_612] : memref<819200xi32, #tpu.memory_space<hbm>> -> memref<200xi32, #tpu.memory_space<hbm>>
          %dma_wait3A_885 = arith.constant 0 : i32
          %dma_wait3A_886 = tpu.memref_slice %arg6[%dma_wait3A_885] : memref<224xi32, #tpu.memory_space<vmem>> -> memref<200xi32, #tpu.memory_space<vmem>>
          %dma_wait3A_887 = tpu.memref_slice %arg2[%mul3A_612] : memref<819200xi32, #tpu.memory_space<hbm>> -> memref<200xi32, #tpu.memory_space<hbm>>
          tpu.wait_dma2 semaphore(%run_scoped3A : memref<!tpu.dma_semaphore, #tpu.memory_space<semaphore_mem>>) src(%dma_wait3A_887 : memref<200xi32, #tpu.memory_space<hbm>>) dst(%dma_wait3A_886 : memref<200xi32, #tpu.memory_space<vmem>>)
          tpu.yield
        }) : () -> ()
        %get3A_613 = arith.constant 0 : index
        %get3A_614 = tpu.vector_load %arg6[%get3A_613] {strides = array<i32>} : memref<224xi32, #tpu.memory_space<vmem>>, vector<16xi32>,
        %get3A_615 = vector.shape_cast %get3A_614 : vector<16xi32> to vector<16xi32>
        %ge3A_616 = arith.constant 500736 : i32
        %ge3A_617 = vector.broadcast %ge3A_616 : i32 to vector<16xi32>
        %ge3A_618 = arith.cmpi sge, %get3A_615, %ge3A_617 : vector<16xi32>
        %sub3A_619 = arith.constant 500736 : i32
        %sub3A_620 = vector.broadcast %sub3A_619 : i32 to vector<16xi32>
        %sub3A_621 = arith.subi %get3A_615, %sub3A_620 : vector<16xi32>
        %select_n3A_622 = arith.select %ge3A_618, %sub3A_621, %get3A_615 : vector<16xi1>, vector<16xi32>
        %max3A_623 = arith.constant 0 : i32
        %max3A_624 = vector.broadcast %max3A_623 : i32 to vector<16xi32>
        %max3A_625 = arith.maxsi %select_n3A_622, %max3A_624 : vector<16xi32>
        %min3A_626 = arith.constant 500735 : i32
        %min3A_627 = vector.broadcast %min3A_626 : i32 to vector<16xi32>
        %min3A_628 = arith.minsi %max3A_625, %min3A_627 : vector<16xi32>
        %swap3A_629 = arith.constant 0 : index
        %swap3A_630 = tpu.vector_load %arg8[%swap3A_629] {strides = array<i32>} : memref<208xi32, #tpu.memory_space<vmem>>, vector<16xi32>,
        %swap3A_631 = vector.shape_cast %swap3A_630 : vector<16xi32> to vector<16xi32>
        %swap3A_632 = vector.shape_cast %min3A_628 : vector<16xi32> to vector<16xi32>
        tpu.vector_store %arg8[%swap3A_629], %swap3A_632 {strides = array<i32>} : memref<208xi32, #tpu.memory_space<vmem>>, vector<16xi32>,
        %get3A_633 = arith.constant 16 : index
        %get3A_634 = tpu.vector_load %arg6[%get3A_633] {strides = array<i32>} : memref<224xi32, #tpu.memory_space<vmem>>, vector<16xi32>,
        %get3A_635 = vector.shape_cast %get3A_634 : vector<16xi32> to vector<16xi32>
        %ge3A_636 = arith.constant 500736 : i32
        %ge3A_637 = vector.broadcast %ge3A_636 : i32 to vector<16xi32>
        %ge3A_638 = arith.cmpi sge, %get3A_635, %ge3A_637 : vector<16xi32>
        %sub3A_639 = arith.constant 500736 : i32
        %sub3A_640 = vector.broadcast %sub3A_639 : i32 to vector<16xi32>
        %sub3A_641 = arith.subi %get3A_635, %sub3A_640 : vector<16xi32>
        %select_n3A_642 = arith.select %ge3A_638, %sub3A_641, %get3A_635 : vector<16xi1>, vector<16xi32>
        %max3A_643 = arith.constant 0 : i32
        %max3A_644 = vector.broadcast %max3A_643 : i32 to vector<16xi32>
        %max3A_645 = arith.maxsi %select_n3A_642, %max3A_644 : vector<16xi32>
        %min3A_646 = arith.constant 500735 : i32
        %min3A_647 = vector.broadcast %min3A_646 : i32 to vector<16xi32>
        %min3A_648 = arith.minsi %max3A_645, %min3A_647 : vector<16xi32>
        %swap3A_649 = arith.constant 16 : index
        %swap3A_650 = tpu.vector_load %arg8[%swap3A_649] {strides = array<i32>} : memref<208xi32, #tpu.memory_space<vmem>>, vector<16xi32>,
        %swap3A_651 = vector.shape_cast %swap3A_650 : vector<16xi32> to vector<16xi32>
        %swap3A_652 = vector.shape_cast %min3A_648 : vector<16xi32> to vector<16xi32>
        tpu.vector_store %arg8[%swap3A_649], %swap3A_652 {strides = array<i32>} : memref<208xi32, #tpu.memory_space<vmem>>, vector<16xi32>,
        %get3A_653 = arith.constant 32 : index
        %get3A_654 = tpu.vector_load %arg6[%get3A_653] {strides = array<i32>} : memref<224xi32, #tpu.memory_space<vmem>>, vector<16xi32>,
        %get3A_655 = vector.shape_cast %get3A_654 : vector<16xi32> to vector<16xi32>
        %ge3A_656 = arith.constant 500736 : i32
        %ge3A_657 = vector.broadcast %ge3A_656 : i32 to vector<16xi32>
        %ge3A_658 = arith.cmpi sge, %get3A_655, %ge3A_657 : vector<16xi32>
        %sub3A_659 = arith.constant 500736 : i32
        %sub3A_660 = vector.broadcast %sub3A_659 : i32 to vector<16xi32>
        %sub3A_661 = arith.subi %get3A_655, %sub3A_660 : vector<16xi32>
        %select_n3A_662 = arith.select %ge3A_658, %sub3A_661, %get3A_655 : vector<16xi1>, vector<16xi32>
        %max3A_663 = arith.constant 0 : i32
        %max3A_664 = vector.broadcast %max3A_663 : i32 to vector<16xi32>
        %max3A_665 = arith.maxsi %select_n3A_662, %max3A_664 : vector<16xi32>
        %min3A_666 = arith.constant 500735 : i32
        %min3A_667 = vector.broadcast %min3A_666 : i32 to vector<16xi32>
        %min3A_668 = arith.minsi %max3A_665, %min3A_667 : vector<16xi32>
        %swap3A_669 = arith.constant 32 : index
        %swap3A_670 = tpu.vector_load %arg8[%swap3A_669] {strides = array<i32>} : memref<208xi32, #tpu.memory_space<vmem>>, vector<16xi32>,
        %swap3A_671 = vector.shape_cast %swap3A_670 : vector<16xi32> to vector<16xi32>
        %swap3A_672 = vector.shape_cast %min3A_668 : vector<16xi32> to vector<16xi32>
        tpu.vector_store %arg8[%swap3A_669], %swap3A_672 {strides = array<i32>} : memref<208xi32, #tpu.memory_space<vmem>>, vector<16xi32>,
        %get3A_673 = arith.constant 48 : index
        %get3A_674 = tpu.vector_load %arg6[%get3A_673] {strides = array<i32>} : memref<224xi32, #tpu.memory_space<vmem>>, vector<16xi32>,
        %get3A_675 = vector.shape_cast %get3A_674 : vector<16xi32> to vector<16xi32>
        %ge3A_676 = arith.constant 500736 : i32
        %ge3A_677 = vector.broadcast %ge3A_676 : i32 to vector<16xi32>
        %ge3A_678 = arith.cmpi sge, %get3A_675, %ge3A_677 : vector<16xi32>
        %sub3A_679 = arith.constant 500736 : i32
        %sub3A_680 = vector.broadcast %sub3A_679 : i32 to vector<16xi32>
        %sub3A_681 = arith.subi %get3A_675, %sub3A_680 : vector<16xi32>
        %select_n3A_682 = arith.select %ge3A_678, %sub3A_681, %get3A_675 : vector<16xi1>, vector<16xi32>
        %max3A_683 = arith.constant 0 : i32
        %max3A_684 = vector.broadcast %max3A_683 : i32 to vector<16xi32>
        %max3A_685 = arith.maxsi %select_n3A_682, %max3A_684 : vector<16xi32>
        %min3A_686 = arith.constant 500735 : i32
        %min3A_687 = vector.broadcast %min3A_686 : i32 to vector<16xi32>
        %min3A_688 = arith.minsi %max3A_685, %min3A_687 : vector<16xi32>
        %swap3A_689 = arith.constant 48 : index
        %swap3A_690 = tpu.vector_load %arg8[%swap3A_689] {strides = array<i32>} : memref<208xi32, #tpu.memory_space<vmem>>, vector<16xi32>,
        %swap3A_691 = vector.shape_cast %swap3A_690 : vector<16xi32> to vector<16xi32>
        %swap3A_692 = vector.shape_cast %min3A_688 : vector<16xi32> to vector<16xi32>
        tpu.vector_store %arg8[%swap3A_689], %swap3A_692 {strides = array<i32>} : memref<208xi32, #tpu.memory_space<vmem>>, vector<16xi32>,
        %get3A_693 = arith.constant 64 : index
        %get3A_694 = tpu.vector_load %arg6[%get3A_693] {strides = array<i32>} : memref<224xi32, #tpu.memory_space<vmem>>, vector<16xi32>,
        %get3A_695 = vector.shape_cast %get3A_694 : vector<16xi32> to vector<16xi32>
        %ge3A_696 = arith.constant 500736 : i32
        %ge3A_697 = vector.broadcast %ge3A_696 : i32 to vector<16xi32>
        %ge3A_698 = arith.cmpi sge, %get3A_695, %ge3A_697 : vector<16xi32>
        %sub3A_699 = arith.constant 500736 : i32
        %sub3A_700 = vector.broadcast %sub3A_699 : i32 to vector<16xi32>
        %sub3A_701 = arith.subi %get3A_695, %sub3A_700 : vector<16xi32>
        %select_n3A_702 = arith.select %ge3A_698, %sub3A_701, %get3A_695 : vector<16xi1>, vector<16xi32>
        %max3A_703 = arith.constant 0 : i32
        %max3A_704 = vector.broadcast %max3A_703 : i32 to vector<16xi32>
        %max3A_705 = arith.maxsi %select_n3A_702, %max3A_704 : vector<16xi32>
        %min3A_706 = arith.constant 500735 : i32
        %min3A_707 = vector.broadcast %min3A_706 : i32 to vector<16xi32>
        %min3A_708 = arith.minsi %max3A_705, %min3A_707 : vector<16xi32>
        %swap3A_709 = arith.constant 64 : index
        %swap3A_710 = tpu.vector_load %arg8[%swap3A_709] {strides = array<i32>} : memref<208xi32, #tpu.memory_space<vmem>>, vector<16xi32>,
        %swap3A_711 = vector.shape_cast %swap3A_710 : vector<16xi32> to vector<16xi32>
        %swap3A_712 = vector.shape_cast %min3A_708 : vector<16xi32> to vector<16xi32>
        tpu.vector_store %arg8[%swap3A_709], %swap3A_712 {strides = array<i32>} : memref<208xi32, #tpu.memory_space<vmem>>, vector<16xi32>,
        %get3A_713 = arith.constant 80 : index
        %get3A_714 = tpu.vector_load %arg6[%get3A_713] {strides = array<i32>} : memref<224xi32, #tpu.memory_space<vmem>>, vector<16xi32>,
        %get3A_715 = vector.shape_cast %get3A_714 : vector<16xi32> to vector<16xi32>
        %ge3A_716 = arith.constant 500736 : i32
        %ge3A_717 = vector.broadcast %ge3A_716 : i32 to vector<16xi32>
        %ge3A_718 = arith.cmpi sge, %get3A_715, %ge3A_717 : vector<16xi32>
        %sub3A_719 = arith.constant 500736 : i32
        %sub3A_720 = vector.broadcast %sub3A_719 : i32 to vector<16xi32>
        %sub3A_721 = arith.subi %get3A_715, %sub3A_720 : vector<16xi32>
        %select_n3A_722 = arith.select %ge3A_718, %sub3A_721, %get3A_715 : vector<16xi1>, vector<16xi32>
        %max3A_723 = arith.constant 0 : i32
        %max3A_724 = vector.broadcast %max3A_723 : i32 to vector<16xi32>
        %max3A_725 = arith.maxsi %select_n3A_722, %max3A_724 : vector<16xi32>
        %min3A_726 = arith.constant 500735 : i32
        %min3A_727 = vector.broadcast %min3A_726 : i32 to vector<16xi32>
        %min3A_728 = arith.minsi %max3A_725, %min3A_727 : vector<16xi32>
        %swap3A_729 = arith.constant 80 : index
        %swap3A_730 = tpu.vector_load %arg8[%swap3A_729] {strides = array<i32>} : memref<208xi32, #tpu.memory_space<vmem>>, vector<16xi32>,
        %swap3A_731 = vector.shape_cast %swap3A_730 : vector<16xi32> to vector<16xi32>
        %swap3A_732 = vector.shape_cast %min3A_728 : vector<16xi32> to vector<16xi32>
        tpu.vector_store %arg8[%swap3A_729], %swap3A_732 {strides = array<i32>} : memref<208xi32, #tpu.memory_space<vmem>>, vector<16xi32>,
        %get3A_733 = arith.constant 96 : index
        %get3A_734 = tpu.vector_load %arg6[%get3A_733] {strides = array<i32>} : memref<224xi32, #tpu.memory_space<vmem>>, vector<16xi32>,
        %get3A_735 = vector.shape_cast %get3A_734 : vector<16xi32> to vector<16xi32>
        %ge3A_736 = arith.constant 500736 : i32
        %ge3A_737 = vector.broadcast %ge3A_736 : i32 to vector<16xi32>
        %ge3A_738 = arith.cmpi sge, %get3A_735, %ge3A_737 : vector<16xi32>
        %sub3A_739 = arith.constant 500736 : i32
        %sub3A_740 = vector.broadcast %sub3A_739 : i32 to vector<16xi32>
        %sub3A_741 = arith.subi %get3A_735, %sub3A_740 : vector<16xi32>
        %select_n3A_742 = arith.select %ge3A_738, %sub3A_741, %get3A_735 : vector<16xi1>, vector<16xi32>
        %max3A_743 = arith.constant 0 : i32
        %max3A_744 = vector.broadcast %max3A_743 : i32 to vector<16xi32>
        %max3A_745 = arith.maxsi %select_n3A_742, %max3A_744 : vector<16xi32>
        %min3A_746 = arith.constant 500735 : i32
        %min3A_747 = vector.broadcast %min3A_746 : i32 to vector<16xi32>
        %min3A_748 = arith.minsi %max3A_745, %min3A_747 : vector<16xi32>
        %swap3A_749 = arith.constant 96 : index
        %swap3A_750 = tpu.vector_load %arg8[%swap3A_749] {strides = array<i32>} : memref<208xi32, #tpu.memory_space<vmem>>, vector<16xi32>,
        %swap3A_751 = vector.shape_cast %swap3A_750 : vector<16xi32> to vector<16xi32>
        %swap3A_752 = vector.shape_cast %min3A_748 : vector<16xi32> to vector<16xi32>
        tpu.vector_store %arg8[%swap3A_749], %swap3A_752 {strides = array<i32>} : memref<208xi32, #tpu.memory_space<vmem>>, vector<16xi32>,
        %get3A_753 = arith.constant 112 : index
        %get3A_754 = tpu.vector_load %arg6[%get3A_753] {strides = array<i32>} : memref<224xi32, #tpu.memory_space<vmem>>, vector<16xi32>,
        %get3A_755 = vector.shape_cast %get3A_754 : vector<16xi32> to vector<16xi32>
        %ge3A_756 = arith.constant 500736 : i32
        %ge3A_757 = vector.broadcast %ge3A_756 : i32 to vector<16xi32>
        %ge3A_758 = arith.cmpi sge, %get3A_755, %ge3A_757 : vector<16xi32>
        %sub3A_759 = arith.constant 500736 : i32
        %sub3A_760 = vector.broadcast %sub3A_759 : i32 to vector<16xi32>
        %sub3A_761 = arith.subi %get3A_755, %sub3A_760 : vector<16xi32>
        %select_n3A_762 = arith.select %ge3A_758, %sub3A_761, %get3A_755 : vector<16xi1>, vector<16xi32>
        %max3A_763 = arith.constant 0 : i32
        %max3A_764 = vector.broadcast %max3A_763 : i32 to vector<16xi32>
        %max3A_765 = arith.maxsi %select_n3A_762, %max3A_764 : vector<16xi32>
        %min3A_766 = arith.constant 500735 : i32
        %min3A_767 = vector.broadcast %min3A_766 : i32 to vector<16xi32>
        %min3A_768 = arith.minsi %max3A_765, %min3A_767 : vector<16xi32>
        %swap3A_769 = arith.constant 112 : index
        %swap3A_770 = tpu.vector_load %arg8[%swap3A_769] {strides = array<i32>} : memref<208xi32, #tpu.memory_space<vmem>>, vector<16xi32>,
        %swap3A_771 = vector.shape_cast %swap3A_770 : vector<16xi32> to vector<16xi32>
        %swap3A_772 = vector.shape_cast %min3A_768 : vector<16xi32> to vector<16xi32>
        tpu.vector_store %arg8[%swap3A_769], %swap3A_772 {strides = array<i32>} : memref<208xi32, #tpu.memory_space<vmem>>, vector<16xi32>,
        %get3A_773 = arith.constant 128 : index
        %get3A_774 = tpu.vector_load %arg6[%get3A_773] {strides = array<i32>} : memref<224xi32, #tpu.memory_space<vmem>>, vector<16xi32>,
        %get3A_775 = vector.shape_cast %get3A_774 : vector<16xi32> to vector<16xi32>
        %ge3A_776 = arith.constant 500736 : i32
        %ge3A_777 = vector.broadcast %ge3A_776 : i32 to vector<16xi32>
        %ge3A_778 = arith.cmpi sge, %get3A_775, %ge3A_777 : vector<16xi32>
        %sub3A_779 = arith.constant 500736 : i32
        %sub3A_780 = vector.broadcast %sub3A_779 : i32 to vector<16xi32>
        %sub3A_781 = arith.subi %get3A_775, %sub3A_780 : vector<16xi32>
        %select_n3A_782 = arith.select %ge3A_778, %sub3A_781, %get3A_775 : vector<16xi1>, vector<16xi32>
        %max3A_783 = arith.constant 0 : i32
        %max3A_784 = vector.broadcast %max3A_783 : i32 to vector<16xi32>
        %max3A_785 = arith.maxsi %select_n3A_782, %max3A_784 : vector<16xi32>
        %min3A_786 = arith.constant 500735 : i32
        %min3A_787 = vector.broadcast %min3A_786 : i32 to vector<16xi32>
        %min3A_788 = arith.minsi %max3A_785, %min3A_787 : vector<16xi32>
        %swap3A_789 = arith.constant 128 : index
        %swap3A_790 = tpu.vector_load %arg8[%swap3A_789] {strides = array<i32>} : memref<208xi32, #tpu.memory_space<vmem>>, vector<16xi32>,
        %swap3A_791 = vector.shape_cast %swap3A_790 : vector<16xi32> to vector<16xi32>
        %swap3A_792 = vector.shape_cast %min3A_788 : vector<16xi32> to vector<16xi32>
        tpu.vector_store %arg8[%swap3A_789], %swap3A_792 {strides = array<i32>} : memref<208xi32, #tpu.memory_space<vmem>>, vector<16xi32>,
        %get3A_793 = arith.constant 144 : index
        %get3A_794 = tpu.vector_load %arg6[%get3A_793] {strides = array<i32>} : memref<224xi32, #tpu.memory_space<vmem>>, vector<16xi32>,
        %get3A_795 = vector.shape_cast %get3A_794 : vector<16xi32> to vector<16xi32>
        %ge3A_796 = arith.constant 500736 : i32
        %ge3A_797 = vector.broadcast %ge3A_796 : i32 to vector<16xi32>
        %ge3A_798 = arith.cmpi sge, %get3A_795, %ge3A_797 : vector<16xi32>
        %sub3A_799 = arith.constant 500736 : i32
        %sub3A_800 = vector.broadcast %sub3A_799 : i32 to vector<16xi32>
        %sub3A_801 = arith.subi %get3A_795, %sub3A_800 : vector<16xi32>
        %select_n3A_802 = arith.select %ge3A_798, %sub3A_801, %get3A_795 : vector<16xi1>, vector<16xi32>
        %max3A_803 = arith.constant 0 : i32
        %max3A_804 = vector.broadcast %max3A_803 : i32 to vector<16xi32>
        %max3A_805 = arith.maxsi %select_n3A_802, %max3A_804 : vector<16xi32>
        %min3A_806 = arith.constant 500735 : i32
        %min3A_807 = vector.broadcast %min3A_806 : i32 to vector<16xi32>
        %min3A_808 = arith.minsi %max3A_805, %min3A_807 : vector<16xi32>
        %swap3A_809 = arith.constant 144 : index
        %swap3A_810 = tpu.vector_load %arg8[%swap3A_809] {strides = array<i32>} : memref<208xi32, #tpu.memory_space<vmem>>, vector<16xi32>,
        %swap3A_811 = vector.shape_cast %swap3A_810 : vector<16xi32> to vector<16xi32>
        %swap3A_812 = vector.shape_cast %min3A_808 : vector<16xi32> to vector<16xi32>
        tpu.vector_store %arg8[%swap3A_809], %swap3A_812 {strides = array<i32>} : memref<208xi32, #tpu.memory_space<vmem>>, vector<16xi32>,
        %get3A_813 = arith.constant 160 : index
        %get3A_814 = tpu.vector_load %arg6[%get3A_813] {strides = array<i32>} : memref<224xi32, #tpu.memory_space<vmem>>, vector<16xi32>,
        %get3A_815 = vector.shape_cast %get3A_814 : vector<16xi32> to vector<16xi32>
        %ge3A_816 = arith.constant 500736 : i32
        %ge3A_817 = vector.broadcast %ge3A_816 : i32 to vector<16xi32>
        %ge3A_818 = arith.cmpi sge, %get3A_815, %ge3A_817 : vector<16xi32>
        %sub3A_819 = arith.constant 500736 : i32
        %sub3A_820 = vector.broadcast %sub3A_819 : i32 to vector<16xi32>
        %sub3A_821 = arith.subi %get3A_815, %sub3A_820 : vector<16xi32>
        %select_n3A_822 = arith.select %ge3A_818, %sub3A_821, %get3A_815 : vector<16xi1>, vector<16xi32>
        %max3A_823 = arith.constant 0 : i32
        %max3A_824 = vector.broadcast %max3A_823 : i32 to vector<16xi32>
        %max3A_825 = arith.maxsi %select_n3A_822, %max3A_824 : vector<16xi32>
        %min3A_826 = arith.constant 500735 : i32
        %min3A_827 = vector.broadcast %min3A_826 : i32 to vector<16xi32>
        %min3A_828 = arith.minsi %max3A_825, %min3A_827 : vector<16xi32>
        %swap3A_829 = arith.constant 160 : index
        %swap3A_830 = tpu.vector_load %arg8[%swap3A_829] {strides = array<i32>} : memref<208xi32, #tpu.memory_space<vmem>>, vector<16xi32>,
        %swap3A_831 = vector.shape_cast %swap3A_830 : vector<16xi32> to vector<16xi32>
        %swap3A_832 = vector.shape_cast %min3A_828 : vector<16xi32> to vector<16xi32>
        tpu.vector_store %arg8[%swap3A_829], %swap3A_832 {strides = array<i32>} : memref<208xi32, #tpu.memory_space<vmem>>, vector<16xi32>,
        %get3A_833 = arith.constant 176 : index
        %get3A_834 = tpu.vector_load %arg6[%get3A_833] {strides = array<i32>} : memref<224xi32, #tpu.memory_space<vmem>>, vector<16xi32>,
        %get3A_835 = vector.shape_cast %get3A_834 : vector<16xi32> to vector<16xi32>
        %ge3A_836 = arith.constant 500736 : i32
        %ge3A_837 = vector.broadcast %ge3A_836 : i32 to vector<16xi32>
        %ge3A_838 = arith.cmpi sge, %get3A_835, %ge3A_837 : vector<16xi32>
        %sub3A_839 = arith.constant 500736 : i32
        %sub3A_840 = vector.broadcast %sub3A_839 : i32 to vector<16xi32>
        %sub3A_841 = arith.subi %get3A_835, %sub3A_840 : vector<16xi32>
        %select_n3A_842 = arith.select %ge3A_838, %sub3A_841, %get3A_835 : vector<16xi1>, vector<16xi32>
        %max3A_843 = arith.constant 0 : i32
        %max3A_844 = vector.broadcast %max3A_843 : i32 to vector<16xi32>
        %max3A_845 = arith.maxsi %select_n3A_842, %max3A_844 : vector<16xi32>
        %min3A_846 = arith.constant 500735 : i32
        %min3A_847 = vector.broadcast %min3A_846 : i32 to vector<16xi32>
        %min3A_848 = arith.minsi %max3A_845, %min3A_847 : vector<16xi32>
        %swap3A_849 = arith.constant 176 : index
        %swap3A_850 = tpu.vector_load %arg8[%swap3A_849] {strides = array<i32>} : memref<208xi32, #tpu.memory_space<vmem>>, vector<16xi32>,
        %swap3A_851 = vector.shape_cast %swap3A_850 : vector<16xi32> to vector<16xi32>
        %swap3A_852 = vector.shape_cast %min3A_848 : vector<16xi32> to vector<16xi32>
        tpu.vector_store %arg8[%swap3A_849], %swap3A_852 {strides = array<i32>} : memref<208xi32, #tpu.memory_space<vmem>>, vector<16xi32>,
        %get3A_853 = arith.constant 192 : index
        %get3A_854 = tpu.vector_load %arg6[%get3A_853] {strides = array<i32>} : memref<224xi32, #tpu.memory_space<vmem>>, vector<16xi32>,
        %get3A_855 = vector.shape_cast %get3A_854 : vector<16xi32> to vector<16xi32>
        %ge3A_856 = arith.constant 500736 : i32
        %ge3A_857 = vector.broadcast %ge3A_856 : i32 to vector<16xi32>
        %ge3A_858 = arith.cmpi sge, %get3A_855, %ge3A_857 : vector<16xi32>
        %sub3A_859 = arith.constant 500736 : i32
        %sub3A_860 = vector.broadcast %sub3A_859 : i32 to vector<16xi32>
        %sub3A_861 = arith.subi %get3A_855, %sub3A_860 : vector<16xi32>
        %select_n3A_862 = arith.select %ge3A_858, %sub3A_861, %get3A_855 : vector<16xi1>, vector<16xi32>
        %max3A_863 = arith.constant 0 : i32
        %max3A_864 = vector.broadcast %max3A_863 : i32 to vector<16xi32>
        %max3A_865 = arith.maxsi %select_n3A_862, %max3A_864 : vector<16xi32>
        %min3A_866 = arith.constant 500735 : i32
        %min3A_867 = vector.broadcast %min3A_866 : i32 to vector<16xi32>
        %min3A_868 = arith.minsi %max3A_865, %min3A_867 : vector<16xi32>
        %swap3A_869 = arith.constant 192 : index
        %swap3A_870 = tpu.vector_load %arg8[%swap3A_869] {strides = array<i32>} : memref<208xi32, #tpu.memory_space<vmem>>, vector<16xi32>,
        %swap3A_871 = vector.shape_cast %swap3A_870 : vector<16xi32> to vector<16xi32>
        %swap3A_872 = vector.shape_cast %min3A_868 : vector<16xi32> to vector<16xi32>
        tpu.vector_store %arg8[%swap3A_869], %swap3A_872 {strides = array<i32>} : memref<208xi32, #tpu.memory_space<vmem>>, vector<16xi32>,
        %dma_start3A_873 = arith.constant 0 : i32
        %dma_start3A_874 = arith.constant 0 : i32
        %dma_start3A_875 = tpu.memref_slice %arg3[%dma_start3A_873, %dma_start3A_874] : memref<500736x128xf32, #tpu.memory_space<hbm>> -> memref<500736x128xf32, #tpu.memory_space<hbm>>
        tpu.enqueue_indirect_dma source(%dma_start3A_875 : memref<500736x128xf32, #tpu.memory_space<hbm>>) target(%arg10 : memref<208x128xf32, #tpu.memory_space<vmem>>) offsets(%arg8 : memref<208xi32, #tpu.memory_space<vmem>>) semaphore(%arg15 : memref<!tpu.dma_semaphore, #tpu.memory_space<semaphore_mem>>)
      } else {
      }
      %dma_wait3A_585 = arith.constant 0 : i32
      %dma_wait3A_586 = arith.constant 0 : i32
      %dma_wait3A_587 = tpu.memref_slice %arg3[%dma_wait3A_585, %dma_wait3A_586] : memref<500736x128xf32, #tpu.memory_space<hbm>> -> memref<500736x128xf32, #tpu.memory_space<hbm>>
      tpu.wait_indirect_dma semaphore(%arg16 : memref<!tpu.dma_semaphore, #tpu.memory_space<semaphore_mem>>) src(%dma_wait3A_587 : memref<500736x128xf32, #tpu.memory_space<hbm>>) dst(%arg11 : memref<208x128xf32, #tpu.memory_space<vmem>>)
      %gt3A_588 = arith.constant 0 : i32
      %gt3A_589 = arith.cmpi sgt, %scan3A_286, %gt3A_588 : i32
      %convert_element_type3A_590 = arith.extui %gt3A_589 : i1 to i32
      %cond3A_591 = arith.constant 0 : i32
      %cond3A_592 = arith.cmpi ne, %convert_element_type3A_590, %cond3A_591 : i32
      scf.if %cond3A_592 {
        %sub3A_608 = arith.constant 2 : i32
        %sub3A_609 = arith.subi %add3A_292, %sub3A_608 : i32
        %add3A_610 = arith.addi %mul3A_2, %sub3A_609 : i32
        %dma_wait3A_611 = arith.constant 0 : i32
        %dma_wait3A_612 = arith.constant 0 : i32
        %dma_wait3A_613 = tpu.memref_slice %arg5[%add3A_610, %dma_wait3A_611, %dma_wait3A_612] : memref<4096x200x64xf32, #tpu.memory_space<hbm>> -> memref<1x200x64xf32, #tpu.memory_space<hbm>>
        %dma_wait3A_614 = tpu.memref_squeeze %dma_wait3A_613 : memref<1x200x64xf32, #tpu.memory_space<hbm>> -> memref<200x64xf32, #tpu.memory_space<hbm>>
        %dma_wait3A_615 = arith.constant 0 : i32
        %dma_wait3A_616 = arith.constant 0 : i32
        %dma_wait3A_617 = tpu.memref_slice %arg5[%add3A_610, %dma_wait3A_615, %dma_wait3A_616] : memref<4096x200x64xf32, #tpu.memory_space<hbm>> -> memref<1x200x64xf32, #tpu.memory_space<hbm>>
        %dma_wait3A_618 = tpu.memref_squeeze %dma_wait3A_617 : memref<1x200x64xf32, #tpu.memory_space<hbm>> -> memref<200x64xf32, #tpu.memory_space<hbm>>
        tpu.wait_dma2 semaphore(%arg18 : memref<!tpu.dma_semaphore, #tpu.memory_space<semaphore_mem>>) src(%arg13 : memref<200x64xf32, #tpu.memory_space<vmem>>) dst(%dma_wait3A_618 : memref<200x64xf32, #tpu.memory_space<hbm>>)
      } else {
      }
      %scan3A_593 = arith.constant 0 : i32
      %scan3A_594 = arith.constant 0 : i32
      %scan3A_595 = arith.constant 100 : i32
      %scan3A_596 = arith.addi %scan3A_594, %scan3A_595 : i32
      %scan3A_597 = arith.constant 4 : i32
      scf.for %scan3A_608 = %scan3A_594 to %scan3A_596 step %scan3A_597  : i32 {
        %mul3A_609 = arith.constant 2 : i32
        %mul3A_610 = arith.muli %mul3A_609, %scan3A_608 : i32
        %get3A_611 = arith.index_cast %mul3A_610 : i32 to index
        %get3A_612 = tpu.vector_load %arg7[%get3A_611] {strides = array<i32>} : memref<224xi32, #tpu.memory_space<vmem>>, vector<16xi32>,
        %get3A_613 = vector.shape_cast %get3A_612 : vector<16xi32> to vector<16xi32>
        %mul3A_614 = arith.constant 2 : i32
        %mul3A_615 = arith.muli %mul3A_614, %scan3A_608 : i32
        %add3A_616 = arith.constant 0 : i32
        %add3A_617 = arith.addi %mul3A_615, %add3A_616 : i32
        %slice3A = vector.extract_strided_slice %get3A_613 {offsets = [0], sizes = [1], strides = [1]} : vector<16xi32> to vector<1xi32>
        %squeeze3A = vector.extract %slice3A[0] : i32 from vector<1xi32>
        %ge3A_618 = arith.constant 500736 : i32
        %ge3A_619 = arith.cmpi sge, %squeeze3A, %ge3A_618 : i32
        %convert_element_type3A_620 = arith.extui %ge3A_619 : i1 to i32
        %mul3A_621 = arith.constant 64 : i32
        %mul3A_622 = arith.muli %convert_element_type3A_620, %mul3A_621 : i32
        %add3A_623 = arith.constant 0 : i32
        %add3A_624 = arith.addi %mul3A_622, %add3A_623 : i32
        %get3A_625 = arith.index_cast %add3A_617 : i32 to index
        %get3A_626 = arith.index_cast %add3A_624 : i32 to index
        %get3A_627 = tpu.vector_load %arg11[%get3A_625, %get3A_626] {strides = array<i32>} : memref<208x128xf32, #tpu.memory_space<vmem>>, vector<1x16xf32>,
        %get3A_628 = vector.shape_cast %get3A_627 : vector<1x16xf32> to vector<16xf32>
        %get3A_629 = arith.index_cast %add3A_617 : i32 to index
        %get3A_630 = arith.constant 0 : index
        %get3A_631 = tpu.vector_load %arg14[%get3A_629, %get3A_630] {strides = array<i32>} : memref<200x64xf32, #tpu.memory_space<vmem>>, vector<1x16xf32>,
        %get3A_632 = vector.shape_cast %get3A_631 : vector<1x16xf32> to vector<16xf32>
        %add3A_633 = arith.addf %get3A_628, %get3A_632 : vector<16xf32>
        %swap3A_634 = arith.index_cast %add3A_617 : i32 to index
        %swap3A_635 = arith.constant 0 : index
        %swap3A_636 = tpu.vector_load %arg13[%swap3A_634, %swap3A_635] {strides = array<i32>} : memref<200x64xf32, #tpu.memory_space<vmem>>, vector<1x16xf32>,
        %swap3A_637 = vector.shape_cast %swap3A_636 : vector<1x16xf32> to vector<16xf32>
        %swap3A_638 = vector.shape_cast %add3A_633 : vector<16xf32> to vector<1x16xf32>
        tpu.vector_store %arg13[%swap3A_634, %swap3A_635], %swap3A_638 {strides = array<i32>} : memref<200x64xf32, #tpu.memory_space<vmem>>, vector<1x16xf32>,
        %add3A_639 = arith.constant 16 : i32
        %add3A_640 = arith.addi %mul3A_622, %add3A_639 : i32
        %get3A_641 = arith.index_cast %add3A_617 : i32 to index
        %get3A_642 = arith.index_cast %add3A_640 : i32 to index
        %get3A_643 = tpu.vector_load %arg11[%get3A_641, %get3A_642] {strides = array<i32>} : memref<208x128xf32, #tpu.memory_space<vmem>>, vector<1x16xf32>,
        %get3A_644 = vector.shape_cast %get3A_643 : vector<1x16xf32> to vector<16xf32>
        %get3A_645 = arith.index_cast %add3A_617 : i32 to index
        %get3A_646 = arith.constant 16 : index
        %get3A_647 = tpu.vector_load %arg14[%get3A_645, %get3A_646] {strides = array<i32>} : memref<200x64xf32, #tpu.memory_space<vmem>>, vector<1x16xf32>,
        %get3A_648 = vector.shape_cast %get3A_647 : vector<1x16xf32> to vector<16xf32>
        %add3A_649 = arith.addf %get3A_644, %get3A_648 : vector<16xf32>
        %swap3A_650 = arith.index_cast %add3A_617 : i32 to index
        %swap3A_651 = arith.constant 16 : index
        %swap3A_652 = tpu.vector_load %arg13[%swap3A_650, %swap3A_651] {strides = array<i32>} : memref<200x64xf32, #tpu.memory_space<vmem>>, vector<1x16xf32>,
        %swap3A_653 = vector.shape_cast %swap3A_652 : vector<1x16xf32> to vector<16xf32>
        %swap3A_654 = vector.shape_cast %add3A_649 : vector<16xf32> to vector<1x16xf32>
        tpu.vector_store %arg13[%swap3A_650, %swap3A_651], %swap3A_654 {strides = array<i32>} : memref<200x64xf32, #tpu.memory_space<vmem>>, vector<1x16xf32>,
        %add3A_655 = arith.constant 32 : i32
        %add3A_656 = arith.addi %mul3A_622, %add3A_655 : i32
        %get3A_657 = arith.index_cast %add3A_617 : i32 to index
        %get3A_658 = arith.index_cast %add3A_656 : i32 to index
        %get3A_659 = tpu.vector_load %arg11[%get3A_657, %get3A_658] {strides = array<i32>} : memref<208x128xf32, #tpu.memory_space<vmem>>, vector<1x16xf32>,
        %get3A_660 = vector.shape_cast %get3A_659 : vector<1x16xf32> to vector<16xf32>
        %get3A_661 = arith.index_cast %add3A_617 : i32 to index
        %get3A_662 = arith.constant 32 : index
        %get3A_663 = tpu.vector_load %arg14[%get3A_661, %get3A_662] {strides = array<i32>} : memref<200x64xf32, #tpu.memory_space<vmem>>, vector<1x16xf32>,
        %get3A_664 = vector.shape_cast %get3A_663 : vector<1x16xf32> to vector<16xf32>
        %add3A_665 = arith.addf %get3A_660, %get3A_664 : vector<16xf32>
        %swap3A_666 = arith.index_cast %add3A_617 : i32 to index
        %swap3A_667 = arith.constant 32 : index
        %swap3A_668 = tpu.vector_load %arg13[%swap3A_666, %swap3A_667] {strides = array<i32>} : memref<200x64xf32, #tpu.memory_space<vmem>>, vector<1x16xf32>,
        %swap3A_669 = vector.shape_cast %swap3A_668 : vector<1x16xf32> to vector<16xf32>
        %swap3A_670 = vector.shape_cast %add3A_665 : vector<16xf32> to vector<1x16xf32>
        tpu.vector_store %arg13[%swap3A_666, %swap3A_667], %swap3A_670 {strides = array<i32>} : memref<200x64xf32, #tpu.memory_space<vmem>>, vector<1x16xf32>,
        %add3A_671 = arith.constant 48 : i32
        %add3A_672 = arith.addi %mul3A_622, %add3A_671 : i32
        %get3A_673 = arith.index_cast %add3A_617 : i32 to index
        %get3A_674 = arith.index_cast %add3A_672 : i32 to index
        %get3A_675 = tpu.vector_load %arg11[%get3A_673, %get3A_674] {strides = array<i32>} : memref<208x128xf32, #tpu.memory_space<vmem>>, vector<1x16xf32>,
        %get3A_676 = vector.shape_cast %get3A_675 : vector<1x16xf32> to vector<16xf32>
        %get3A_677 = arith.index_cast %add3A_617 : i32 to index
        %get3A_678 = arith.constant 48 : index
        %get3A_679 = tpu.vector_load %arg14[%get3A_677, %get3A_678] {strides = array<i32>} : memref<200x64xf32, #tpu.memory_space<vmem>>, vector<1x16xf32>,
        %get3A_680 = vector.shape_cast %get3A_679 : vector<1x16xf32> to vector<16xf32>
        %add3A_681 = arith.addf %get3A_676, %get3A_680 : vector<16xf32>
        %swap3A_682 = arith.index_cast %add3A_617 : i32 to index
        %swap3A_683 = arith.constant 48 : index
        %swap3A_684 = tpu.vector_load %arg13[%swap3A_682, %swap3A_683] {strides = array<i32>} : memref<200x64xf32, #tpu.memory_space<vmem>>, vector<1x16xf32>,
        %swap3A_685 = vector.shape_cast %swap3A_684 : vector<1x16xf32> to vector<16xf32>
        %swap3A_686 = vector.shape_cast %add3A_681 : vector<16xf32> to vector<1x16xf32>
        tpu.vector_store %arg13[%swap3A_682, %swap3A_683], %swap3A_686 {strides = array<i32>} : memref<200x64xf32, #tpu.memory_space<vmem>>, vector<1x16xf32>,
        %mul3A_687 = arith.constant 2 : i32
        %mul3A_688 = arith.muli %mul3A_687, %scan3A_608 : i32
        %add3A_689 = arith.constant 1 : i32
        %add3A_690 = arith.addi %mul3A_688, %add3A_689 : i32
        %slice3A_691 = vector.extract_strided_slice %get3A_613 {offsets = [1], sizes = [1], strides = [1]} : vector<16xi32> to vector<1xi32>
        %squeeze3A_692 = vector.extract %slice3A_691[0] : i32 from vector<1xi32>
        %ge3A_693 = arith.constant 500736 : i32
        %ge3A_694 = arith.cmpi sge, %squeeze3A_692, %ge3A_693 : i32
        %convert_element_type3A_695 = arith.extui %ge3A_694 : i1 to i32
        %mul3A_696 = arith.constant 64 : i32
        %mul3A_697 = arith.muli %convert_element_type3A_695, %mul3A_696 : i32
        %add3A_698 = arith.constant 0 : i32
        %add3A_699 = arith.addi %mul3A_697, %add3A_698 : i32
        %get3A_700 = arith.index_cast %add3A_690 : i32 to index
        %get3A_701 = arith.index_cast %add3A_699 : i32 to index
        %get3A_702 = tpu.vector_load %arg11[%get3A_700, %get3A_701] {strides = array<i32>} : memref<208x128xf32, #tpu.memory_space<vmem>>, vector<1x16xf32>,
        %get3A_703 = vector.shape_cast %get3A_702 : vector<1x16xf32> to vector<16xf32>
        %get3A_704 = arith.index_cast %add3A_690 : i32 to index
        %get3A_705 = arith.constant 0 : index
        %get3A_706 = tpu.vector_load %arg14[%get3A_704, %get3A_705] {strides = array<i32>} : memref<200x64xf32, #tpu.memory_space<vmem>>, vector<1x16xf32>,
        %get3A_707 = vector.shape_cast %get3A_706 : vector<1x16xf32> to vector<16xf32>
        %add3A_708 = arith.addf %get3A_703, %get3A_707 : vector<16xf32>
        %swap3A_709 = arith.index_cast %add3A_690 : i32 to index
        %swap3A_710 = arith.constant 0 : index
        %swap3A_711 = tpu.vector_load %arg13[%swap3A_709, %swap3A_710] {strides = array<i32>} : memref<200x64xf32, #tpu.memory_space<vmem>>, vector<1x16xf32>,
        %swap3A_712 = vector.shape_cast %swap3A_711 : vector<1x16xf32> to vector<16xf32>
        %swap3A_713 = vector.shape_cast %add3A_708 : vector<16xf32> to vector<1x16xf32>
        tpu.vector_store %arg13[%swap3A_709, %swap3A_710], %swap3A_713 {strides = array<i32>} : memref<200x64xf32, #tpu.memory_space<vmem>>, vector<1x16xf32>,
        %add3A_714 = arith.constant 16 : i32
        %add3A_715 = arith.addi %mul3A_697, %add3A_714 : i32
        %get3A_716 = arith.index_cast %add3A_690 : i32 to index
        %get3A_717 = arith.index_cast %add3A_715 : i32 to index
        %get3A_718 = tpu.vector_load %arg11[%get3A_716, %get3A_717] {strides = array<i32>} : memref<208x128xf32, #tpu.memory_space<vmem>>, vector<1x16xf32>,
        %get3A_719 = vector.shape_cast %get3A_718 : vector<1x16xf32> to vector<16xf32>
        %get3A_720 = arith.index_cast %add3A_690 : i32 to index
        %get3A_721 = arith.constant 16 : index
        %get3A_722 = tpu.vector_load %arg14[%get3A_720, %get3A_721] {strides = array<i32>} : memref<200x64xf32, #tpu.memory_space<vmem>>, vector<1x16xf32>,
        %get3A_723 = vector.shape_cast %get3A_722 : vector<1x16xf32> to vector<16xf32>
        %add3A_724 = arith.addf %get3A_719, %get3A_723 : vector<16xf32>
        %swap3A_725 = arith.index_cast %add3A_690 : i32 to index
        %swap3A_726 = arith.constant 16 : index
        %swap3A_727 = tpu.vector_load %arg13[%swap3A_725, %swap3A_726] {strides = array<i32>} : memref<200x64xf32, #tpu.memory_space<vmem>>, vector<1x16xf32>,
        %swap3A_728 = vector.shape_cast %swap3A_727 : vector<1x16xf32> to vector<16xf32>
        %swap3A_729 = vector.shape_cast %add3A_724 : vector<16xf32> to vector<1x16xf32>
        tpu.vector_store %arg13[%swap3A_725, %swap3A_726], %swap3A_729 {strides = array<i32>} : memref<200x64xf32, #tpu.memory_space<vmem>>, vector<1x16xf32>,
        %add3A_730 = arith.constant 32 : i32
        %add3A_731 = arith.addi %mul3A_697, %add3A_730 : i32
        %get3A_732 = arith.index_cast %add3A_690 : i32 to index
        %get3A_733 = arith.index_cast %add3A_731 : i32 to index
        %get3A_734 = tpu.vector_load %arg11[%get3A_732, %get3A_733] {strides = array<i32>} : memref<208x128xf32, #tpu.memory_space<vmem>>, vector<1x16xf32>,
        %get3A_735 = vector.shape_cast %get3A_734 : vector<1x16xf32> to vector<16xf32>
        %get3A_736 = arith.index_cast %add3A_690 : i32 to index
        %get3A_737 = arith.constant 32 : index
        %get3A_738 = tpu.vector_load %arg14[%get3A_736, %get3A_737] {strides = array<i32>} : memref<200x64xf32, #tpu.memory_space<vmem>>, vector<1x16xf32>,
        %get3A_739 = vector.shape_cast %get3A_738 : vector<1x16xf32> to vector<16xf32>
        %add3A_740 = arith.addf %get3A_735, %get3A_739 : vector<16xf32>
        %swap3A_741 = arith.index_cast %add3A_690 : i32 to index
        %swap3A_742 = arith.constant 32 : index
        %swap3A_743 = tpu.vector_load %arg13[%swap3A_741, %swap3A_742] {strides = array<i32>} : memref<200x64xf32, #tpu.memory_space<vmem>>, vector<1x16xf32>,
        %swap3A_744 = vector.shape_cast %swap3A_743 : vector<1x16xf32> to vector<16xf32>
        %swap3A_745 = vector.shape_cast %add3A_740 : vector<16xf32> to vector<1x16xf32>
        tpu.vector_store %arg13[%swap3A_741, %swap3A_742], %swap3A_745 {strides = array<i32>} : memref<200x64xf32, #tpu.memory_space<vmem>>, vector<1x16xf32>,
        %add3A_746 = arith.constant 48 : i32
        %add3A_747 = arith.addi %mul3A_697, %add3A_746 : i32
        %get3A_748 = arith.index_cast %add3A_690 : i32 to index
        %get3A_749 = arith.index_cast %add3A_747 : i32 to index
        %get3A_750 = tpu.vector_load %arg11[%get3A_748, %get3A_749] {strides = array<i32>} : memref<208x128xf32, #tpu.memory_space<vmem>>, vector<1x16xf32>,
        %get3A_751 = vector.shape_cast %get3A_750 : vector<1x16xf32> to vector<16xf32>
        %get3A_752 = arith.index_cast %add3A_690 : i32 to index
        %get3A_753 = arith.constant 48 : index
        %get3A_754 = tpu.vector_load %arg14[%get3A_752, %get3A_753] {strides = array<i32>} : memref<200x64xf32, #tpu.memory_space<vmem>>, vector<1x16xf32>,
        %get3A_755 = vector.shape_cast %get3A_754 : vector<1x16xf32> to vector<16xf32>
        %add3A_756 = arith.addf %get3A_751, %get3A_755 : vector<16xf32>
        %swap3A_757 = arith.index_cast %add3A_690 : i32 to index
        %swap3A_758 = arith.constant 48 : index
        %swap3A_759 = tpu.vector_load %arg13[%swap3A_757, %swap3A_758] {strides = array<i32>} : memref<200x64xf32, #tpu.memory_space<vmem>>, vector<1x16xf32>,
        %swap3A_760 = vector.shape_cast %swap3A_759 : vector<1x16xf32> to vector<16xf32>
        %swap3A_761 = vector.shape_cast %add3A_756 : vector<16xf32> to vector<1x16xf32>
        tpu.vector_store %arg13[%swap3A_757, %swap3A_758], %swap3A_761 {strides = array<i32>} : memref<200x64xf32, #tpu.memory_space<vmem>>, vector<1x16xf32>,
        %scan3A_762 = arith.constant 1 : i32
        %scan3A_763 = arith.addi %scan3A_608, %scan3A_762 : i32
        %mul3A_764 = arith.constant 2 : i32
        %mul3A_765 = arith.muli %mul3A_764, %scan3A_763 : i32
        %get3A_766 = arith.index_cast %mul3A_765 : i32 to index
        %get3A_767 = tpu.vector_load %arg7[%get3A_766] {strides = array<i32>} : memref<224xi32, #tpu.memory_space<vmem>>, vector<16xi32>,
        %get3A_768 = vector.shape_cast %get3A_767 : vector<16xi32> to vector<16xi32>
        %mul3A_769 = arith.constant 2 : i32
        %mul3A_770 = arith.muli %mul3A_769, %scan3A_763 : i32
        %add3A_771 = arith.constant 0 : i32
        %add3A_772 = arith.addi %mul3A_770, %add3A_771 : i32
        %slice3A_773 = vector.extract_strided_slice %get3A_768 {offsets = [0], sizes = [1], strides = [1]} : vector<16xi32> to vector<1xi32>
        %squeeze3A_774 = vector.extract %slice3A_773[0] : i32 from vector<1xi32>
        %ge3A_775 = arith.constant 500736 : i32
        %ge3A_776 = arith.cmpi sge, %squeeze3A_774, %ge3A_775 : i32
        %convert_element_type3A_777 = arith.extui %ge3A_776 : i1 to i32
        %mul3A_778 = arith.constant 64 : i32
        %mul3A_779 = arith.muli %convert_element_type3A_777, %mul3A_778 : i32
        %add3A_780 = arith.constant 0 : i32
        %add3A_781 = arith.addi %mul3A_779, %add3A_780 : i32
        %get3A_782 = arith.index_cast %add3A_772 : i32 to index
        %get3A_783 = arith.index_cast %add3A_781 : i32 to index
        %get3A_784 = tpu.vector_load %arg11[%get3A_782, %get3A_783] {strides = array<i32>} : memref<208x128xf32, #tpu.memory_space<vmem>>, vector<1x16xf32>,
        %get3A_785 = vector.shape_cast %get3A_784 : vector<1x16xf32> to vector<16xf32>
        %get3A_786 = arith.index_cast %add3A_772 : i32 to index
        %get3A_787 = arith.constant 0 : index
        %get3A_788 = tpu.vector_load %arg14[%get3A_786, %get3A_787] {strides = array<i32>} : memref<200x64xf32, #tpu.memory_space<vmem>>, vector<1x16xf32>,
        %get3A_789 = vector.shape_cast %get3A_788 : vector<1x16xf32> to vector<16xf32>
        %add3A_790 = arith.addf %get3A_785, %get3A_789 : vector<16xf32>
        %swap3A_791 = arith.index_cast %add3A_772 : i32 to index
        %swap3A_792 = arith.constant 0 : index
        %swap3A_793 = tpu.vector_load %arg13[%swap3A_791, %swap3A_792] {strides = array<i32>} : memref<200x64xf32, #tpu.memory_space<vmem>>, vector<1x16xf32>,
        %swap3A_794 = vector.shape_cast %swap3A_793 : vector<1x16xf32> to vector<16xf32>
        %swap3A_795 = vector.shape_cast %add3A_790 : vector<16xf32> to vector<1x16xf32>
        tpu.vector_store %arg13[%swap3A_791, %swap3A_792], %swap3A_795 {strides = array<i32>} : memref<200x64xf32, #tpu.memory_space<vmem>>, vector<1x16xf32>,
        %add3A_796 = arith.constant 16 : i32
        %add3A_797 = arith.addi %mul3A_779, %add3A_796 : i32
        %get3A_798 = arith.index_cast %add3A_772 : i32 to index
        %get3A_799 = arith.index_cast %add3A_797 : i32 to index
        %get3A_800 = tpu.vector_load %arg11[%get3A_798, %get3A_799] {strides = array<i32>} : memref<208x128xf32, #tpu.memory_space<vmem>>, vector<1x16xf32>,
        %get3A_801 = vector.shape_cast %get3A_800 : vector<1x16xf32> to vector<16xf32>
        %get3A_802 = arith.index_cast %add3A_772 : i32 to index
        %get3A_803 = arith.constant 16 : index
        %get3A_804 = tpu.vector_load %arg14[%get3A_802, %get3A_803] {strides = array<i32>} : memref<200x64xf32, #tpu.memory_space<vmem>>, vector<1x16xf32>,
        %get3A_805 = vector.shape_cast %get3A_804 : vector<1x16xf32> to vector<16xf32>
        %add3A_806 = arith.addf %get3A_801, %get3A_805 : vector<16xf32>
        %swap3A_807 = arith.index_cast %add3A_772 : i32 to index
        %swap3A_808 = arith.constant 16 : index
        %swap3A_809 = tpu.vector_load %arg13[%swap3A_807, %swap3A_808] {strides = array<i32>} : memref<200x64xf32, #tpu.memory_space<vmem>>, vector<1x16xf32>,
        %swap3A_810 = vector.shape_cast %swap3A_809 : vector<1x16xf32> to vector<16xf32>
        %swap3A_811 = vector.shape_cast %add3A_806 : vector<16xf32> to vector<1x16xf32>
        tpu.vector_store %arg13[%swap3A_807, %swap3A_808], %swap3A_811 {strides = array<i32>} : memref<200x64xf32, #tpu.memory_space<vmem>>, vector<1x16xf32>,
        %add3A_812 = arith.constant 32 : i32
        %add3A_813 = arith.addi %mul3A_779, %add3A_812 : i32
        %get3A_814 = arith.index_cast %add3A_772 : i32 to index
        %get3A_815 = arith.index_cast %add3A_813 : i32 to index
        %get3A_816 = tpu.vector_load %arg11[%get3A_814, %get3A_815] {strides = array<i32>} : memref<208x128xf32, #tpu.memory_space<vmem>>, vector<1x16xf32>,
        %get3A_817 = vector.shape_cast %get3A_816 : vector<1x16xf32> to vector<16xf32>
        %get3A_818 = arith.index_cast %add3A_772 : i32 to index
        %get3A_819 = arith.constant 32 : index
        %get3A_820 = tpu.vector_load %arg14[%get3A_818, %get3A_819] {strides = array<i32>} : memref<200x64xf32, #tpu.memory_space<vmem>>, vector<1x16xf32>,
        %get3A_821 = vector.shape_cast %get3A_820 : vector<1x16xf32> to vector<16xf32>
        %add3A_822 = arith.addf %get3A_817, %get3A_821 : vector<16xf32>
        %swap3A_823 = arith.index_cast %add3A_772 : i32 to index
        %swap3A_824 = arith.constant 32 : index
        %swap3A_825 = tpu.vector_load %arg13[%swap3A_823, %swap3A_824] {strides = array<i32>} : memref<200x64xf32, #tpu.memory_space<vmem>>, vector<1x16xf32>,
        %swap3A_826 = vector.shape_cast %swap3A_825 : vector<1x16xf32> to vector<16xf32>
        %swap3A_827 = vector.shape_cast %add3A_822 : vector<16xf32> to vector<1x16xf32>
        tpu.vector_store %arg13[%swap3A_823, %swap3A_824], %swap3A_827 {strides = array<i32>} : memref<200x64xf32, #tpu.memory_space<vmem>>, vector<1x16xf32>,
        %add3A_828 = arith.constant 48 : i32
        %add3A_829 = arith.addi %mul3A_779, %add3A_828 : i32
        %get3A_830 = arith.index_cast %add3A_772 : i32 to index
        %get3A_831 = arith.index_cast %add3A_829 : i32 to index
        %get3A_832 = tpu.vector_load %arg11[%get3A_830, %get3A_831] {strides = array<i32>} : memref<208x128xf32, #tpu.memory_space<vmem>>, vector<1x16xf32>,
        %get3A_833 = vector.shape_cast %get3A_832 : vector<1x16xf32> to vector<16xf32>
        %get3A_834 = arith.index_cast %add3A_772 : i32 to index
        %get3A_835 = arith.constant 48 : index
        %get3A_836 = tpu.vector_load %arg14[%get3A_834, %get3A_835] {strides = array<i32>} : memref<200x64xf32, #tpu.memory_space<vmem>>, vector<1x16xf32>,
        %get3A_837 = vector.shape_cast %get3A_836 : vector<1x16xf32> to vector<16xf32>
        %add3A_838 = arith.addf %get3A_833, %get3A_837 : vector<16xf32>
        %swap3A_839 = arith.index_cast %add3A_772 : i32 to index
        %swap3A_840 = arith.constant 48 : index
        %swap3A_841 = tpu.vector_load %arg13[%swap3A_839, %swap3A_840] {strides = array<i32>} : memref<200x64xf32, #tpu.memory_space<vmem>>, vector<1x16xf32>,
        %swap3A_842 = vector.shape_cast %swap3A_841 : vector<1x16xf32> to vector<16xf32>
        %swap3A_843 = vector.shape_cast %add3A_838 : vector<16xf32> to vector<1x16xf32>
        tpu.vector_store %arg13[%swap3A_839, %swap3A_840], %swap3A_843 {strides = array<i32>} : memref<200x64xf32, #tpu.memory_space<vmem>>, vector<1x16xf32>,
        %mul3A_844 = arith.constant 2 : i32
        %mul3A_845 = arith.muli %mul3A_844, %scan3A_763 : i32
        %add3A_846 = arith.constant 1 : i32
        %add3A_847 = arith.addi %mul3A_845, %add3A_846 : i32
        %slice3A_848 = vector.extract_strided_slice %get3A_768 {offsets = [1], sizes = [1], strides = [1]} : vector<16xi32> to vector<1xi32>
        %squeeze3A_849 = vector.extract %slice3A_848[0] : i32 from vector<1xi32>
        %ge3A_850 = arith.constant 500736 : i32
        %ge3A_851 = arith.cmpi sge, %squeeze3A_849, %ge3A_850 : i32
        %convert_element_type3A_852 = arith.extui %ge3A_851 : i1 to i32
        %mul3A_853 = arith.constant 64 : i32
        %mul3A_854 = arith.muli %convert_element_type3A_852, %mul3A_853 : i32
        %add3A_855 = arith.constant 0 : i32
        %add3A_856 = arith.addi %mul3A_854, %add3A_855 : i32
        %get3A_857 = arith.index_cast %add3A_847 : i32 to index
        %get3A_858 = arith.index_cast %add3A_856 : i32 to index
        %get3A_859 = tpu.vector_load %arg11[%get3A_857, %get3A_858] {strides = array<i32>} : memref<208x128xf32, #tpu.memory_space<vmem>>, vector<1x16xf32>,
        %get3A_860 = vector.shape_cast %get3A_859 : vector<1x16xf32> to vector<16xf32>
        %get3A_861 = arith.index_cast %add3A_847 : i32 to index
        %get3A_862 = arith.constant 0 : index
        %get3A_863 = tpu.vector_load %arg14[%get3A_861, %get3A_862] {strides = array<i32>} : memref<200x64xf32, #tpu.memory_space<vmem>>, vector<1x16xf32>,
        %get3A_864 = vector.shape_cast %get3A_863 : vector<1x16xf32> to vector<16xf32>
        %add3A_865 = arith.addf %get3A_860, %get3A_864 : vector<16xf32>
        %swap3A_866 = arith.index_cast %add3A_847 : i32 to index
        %swap3A_867 = arith.constant 0 : index
        %swap3A_868 = tpu.vector_load %arg13[%swap3A_866, %swap3A_867] {strides = array<i32>} : memref<200x64xf32, #tpu.memory_space<vmem>>, vector<1x16xf32>,
        %swap3A_869 = vector.shape_cast %swap3A_868 : vector<1x16xf32> to vector<16xf32>
        %swap3A_870 = vector.shape_cast %add3A_865 : vector<16xf32> to vector<1x16xf32>
        tpu.vector_store %arg13[%swap3A_866, %swap3A_867], %swap3A_870 {strides = array<i32>} : memref<200x64xf32, #tpu.memory_space<vmem>>, vector<1x16xf32>,
        %add3A_871 = arith.constant 16 : i32
        %add3A_872 = arith.addi %mul3A_854, %add3A_871 : i32
        %get3A_873 = arith.index_cast %add3A_847 : i32 to index
        %get3A_874 = arith.index_cast %add3A_872 : i32 to index
        %get3A_875 = tpu.vector_load %arg11[%get3A_873, %get3A_874] {strides = array<i32>} : memref<208x128xf32, #tpu.memory_space<vmem>>, vector<1x16xf32>,
        %get3A_876 = vector.shape_cast %get3A_875 : vector<1x16xf32> to vector<16xf32>
        %get3A_877 = arith.index_cast %add3A_847 : i32 to index
        %get3A_878 = arith.constant 16 : index
        %get3A_879 = tpu.vector_load %arg14[%get3A_877, %get3A_878] {strides = array<i32>} : memref<200x64xf32, #tpu.memory_space<vmem>>, vector<1x16xf32>,
        %get3A_880 = vector.shape_cast %get3A_879 : vector<1x16xf32> to vector<16xf32>
        %add3A_881 = arith.addf %get3A_876, %get3A_880 : vector<16xf32>
        %swap3A_882 = arith.index_cast %add3A_847 : i32 to index
        %swap3A_883 = arith.constant 16 : index
        %swap3A_884 = tpu.vector_load %arg13[%swap3A_882, %swap3A_883] {strides = array<i32>} : memref<200x64xf32, #tpu.memory_space<vmem>>, vector<1x16xf32>,
        %swap3A_885 = vector.shape_cast %swap3A_884 : vector<1x16xf32> to vector<16xf32>
        %swap3A_886 = vector.shape_cast %add3A_881 : vector<16xf32> to vector<1x16xf32>
        tpu.vector_store %arg13[%swap3A_882, %swap3A_883], %swap3A_886 {strides = array<i32>} : memref<200x64xf32, #tpu.memory_space<vmem>>, vector<1x16xf32>,
        %add3A_887 = arith.constant 32 : i32
        %add3A_888 = arith.addi %mul3A_854, %add3A_887 : i32
        %get3A_889 = arith.index_cast %add3A_847 : i32 to index
        %get3A_890 = arith.index_cast %add3A_888 : i32 to index
        %get3A_891 = tpu.vector_load %arg11[%get3A_889, %get3A_890] {strides = array<i32>} : memref<208x128xf32, #tpu.memory_space<vmem>>, vector<1x16xf32>,
        %get3A_892 = vector.shape_cast %get3A_891 : vector<1x16xf32> to vector<16xf32>
        %get3A_893 = arith.index_cast %add3A_847 : i32 to index
        %get3A_894 = arith.constant 32 : index
        %get3A_895 = tpu.vector_load %arg14[%get3A_893, %get3A_894] {strides = array<i32>} : memref<200x64xf32, #tpu.memory_space<vmem>>, vector<1x16xf32>,
        %get3A_896 = vector.shape_cast %get3A_895 : vector<1x16xf32> to vector<16xf32>
        %add3A_897 = arith.addf %get3A_892, %get3A_896 : vector<16xf32>
        %swap3A_898 = arith.index_cast %add3A_847 : i32 to index
        %swap3A_899 = arith.constant 32 : index
        %swap3A_900 = tpu.vector_load %arg13[%swap3A_898, %swap3A_899] {strides = array<i32>} : memref<200x64xf32, #tpu.memory_space<vmem>>, vector<1x16xf32>,
        %swap3A_901 = vector.shape_cast %swap3A_900 : vector<1x16xf32> to vector<16xf32>
        %swap3A_902 = vector.shape_cast %add3A_897 : vector<16xf32> to vector<1x16xf32>
        tpu.vector_store %arg13[%swap3A_898, %swap3A_899], %swap3A_902 {strides = array<i32>} : memref<200x64xf32, #tpu.memory_space<vmem>>, vector<1x16xf32>,
        %add3A_903 = arith.constant 48 : i32
        %add3A_904 = arith.addi %mul3A_854, %add3A_903 : i32
        %get3A_905 = arith.index_cast %add3A_847 : i32 to index
        %get3A_906 = arith.index_cast %add3A_904 : i32 to index
        %get3A_907 = tpu.vector_load %arg11[%get3A_905, %get3A_906] {strides = array<i32>} : memref<208x128xf32, #tpu.memory_space<vmem>>, vector<1x16xf32>,
        %get3A_908 = vector.shape_cast %get3A_907 : vector<1x16xf32> to vector<16xf32>
        %get3A_909 = arith.index_cast %add3A_847 : i32 to index
        %get3A_910 = arith.constant 48 : index
        %get3A_911 = tpu.vector_load %arg14[%get3A_909, %get3A_910] {strides = array<i32>} : memref<200x64xf32, #tpu.memory_space<vmem>>, vector<1x16xf32>,
        %get3A_912 = vector.shape_cast %get3A_911 : vector<1x16xf32> to vector<16xf32>
        %add3A_913 = arith.addf %get3A_908, %get3A_912 : vector<16xf32>
        %swap3A_914 = arith.index_cast %add3A_847 : i32 to index
        %swap3A_915 = arith.constant 48 : index
        %swap3A_916 = tpu.vector_load %arg13[%swap3A_914, %swap3A_915] {strides = array<i32>} : memref<200x64xf32, #tpu.memory_space<vmem>>, vector<1x16xf32>,
        %swap3A_917 = vector.shape_cast %swap3A_916 : vector<1x16xf32> to vector<16xf32>
        %swap3A_918 = vector.shape_cast %add3A_913 : vector<16xf32> to vector<1x16xf32>
        tpu.vector_store %arg13[%swap3A_914, %swap3A_915], %swap3A_918 {strides = array<i32>} : memref<200x64xf32, #tpu.memory_space<vmem>>, vector<1x16xf32>,
        %scan3A_919 = arith.constant 2 : i32
        %scan3A_920 = arith.addi %scan3A_608, %scan3A_919 : i32
        %mul3A_921 = arith.constant 2 : i32
        %mul3A_922 = arith.muli %mul3A_921, %scan3A_920 : i32
        %get3A_923 = arith.index_cast %mul3A_922 : i32 to index
        %get3A_924 = tpu.vector_load %arg7[%get3A_923] {strides = array<i32>} : memref<224xi32, #tpu.memory_space<vmem>>, vector<16xi32>,
        %get3A_925 = vector.shape_cast %get3A_924 : vector<16xi32> to vector<16xi32>
        %mul3A_926 = arith.constant 2 : i32
        %mul3A_927 = arith.muli %mul3A_926, %scan3A_920 : i32
        %add3A_928 = arith.constant 0 : i32
        %add3A_929 = arith.addi %mul3A_927, %add3A_928 : i32
        %slice3A_930 = vector.extract_strided_slice %get3A_925 {offsets = [0], sizes = [1], strides = [1]} : vector<16xi32> to vector<1xi32>
        %squeeze3A_931 = vector.extract %slice3A_930[0] : i32 from vector<1xi32>
        %ge3A_932 = arith.constant 500736 : i32
        %ge3A_933 = arith.cmpi sge, %squeeze3A_931, %ge3A_932 : i32
        %convert_element_type3A_934 = arith.extui %ge3A_933 : i1 to i32
        %mul3A_935 = arith.constant 64 : i32
        %mul3A_936 = arith.muli %convert_element_type3A_934, %mul3A_935 : i32
        %add3A_937 = arith.constant 0 : i32
        %add3A_938 = arith.addi %mul3A_936, %add3A_937 : i32
        %get3A_939 = arith.index_cast %add3A_929 : i32 to index
        %get3A_940 = arith.index_cast %add3A_938 : i32 to index
        %get3A_941 = tpu.vector_load %arg11[%get3A_939, %get3A_940] {strides = array<i32>} : memref<208x128xf32, #tpu.memory_space<vmem>>, vector<1x16xf32>,
        %get3A_942 = vector.shape_cast %get3A_941 : vector<1x16xf32> to vector<16xf32>
        %get3A_943 = arith.index_cast %add3A_929 : i32 to index
        %get3A_944 = arith.constant 0 : index
        %get3A_945 = tpu.vector_load %arg14[%get3A_943, %get3A_944] {strides = array<i32>} : memref<200x64xf32, #tpu.memory_space<vmem>>, vector<1x16xf32>,
        %get3A_946 = vector.shape_cast %get3A_945 : vector<1x16xf32> to vector<16xf32>
        %add3A_947 = arith.addf %get3A_942, %get3A_946 : vector<16xf32>
        %swap3A_948 = arith.index_cast %add3A_929 : i32 to index
        %swap3A_949 = arith.constant 0 : index
        %swap3A_950 = tpu.vector_load %arg13[%swap3A_948, %swap3A_949] {strides = array<i32>} : memref<200x64xf32, #tpu.memory_space<vmem>>, vector<1x16xf32>,
        %swap3A_951 = vector.shape_cast %swap3A_950 : vector<1x16xf32> to vector<16xf32>
        %swap3A_952 = vector.shape_cast %add3A_947 : vector<16xf32> to vector<1x16xf32>
        tpu.vector_store %arg13[%swap3A_948, %swap3A_949], %swap3A_952 {strides = array<i32>} : memref<200x64xf32, #tpu.memory_space<vmem>>, vector<1x16xf32>,
        %add3A_953 = arith.constant 16 : i32
        %add3A_954 = arith.addi %mul3A_936, %add3A_953 : i32
        %get3A_955 = arith.index_cast %add3A_929 : i32 to index
        %get3A_956 = arith.index_cast %add3A_954 : i32 to index
        %get3A_957 = tpu.vector_load %arg11[%get3A_955, %get3A_956] {strides = array<i32>} : memref<208x128xf32, #tpu.memory_space<vmem>>, vector<1x16xf32>,
        %get3A_958 = vector.shape_cast %get3A_957 : vector<1x16xf32> to vector<16xf32>
        %get3A_959 = arith.index_cast %add3A_929 : i32 to index
        %get3A_960 = arith.constant 16 : index
        %get3A_961 = tpu.vector_load %arg14[%get3A_959, %get3A_960] {strides = array<i32>} : memref<200x64xf32, #tpu.memory_space<vmem>>, vector<1x16xf32>,
        %get3A_962 = vector.shape_cast %get3A_961 : vector<1x16xf32> to vector<16xf32>
        %add3A_963 = arith.addf %get3A_958, %get3A_962 : vector<16xf32>
        %swap3A_964 = arith.index_cast %add3A_929 : i32 to index
        %swap3A_965 = arith.constant 16 : index
        %swap3A_966 = tpu.vector_load %arg13[%swap3A_964, %swap3A_965] {strides = array<i32>} : memref<200x64xf32, #tpu.memory_space<vmem>>, vector<1x16xf32>,
        %swap3A_967 = vector.shape_cast %swap3A_966 : vector<1x16xf32> to vector<16xf32>
        %swap3A_968 = vector.shape_cast %add3A_963 : vector<16xf32> to vector<1x16xf32>
        tpu.vector_store %arg13[%swap3A_964, %swap3A_965], %swap3A_968 {strides = array<i32>} : memref<200x64xf32, #tpu.memory_space<vmem>>, vector<1x16xf32>,
        %add3A_969 = arith.constant 32 : i32
        %add3A_970 = arith.addi %mul3A_936, %add3A_969 : i32
        %get3A_971 = arith.index_cast %add3A_929 : i32 to index
        %get3A_972 = arith.index_cast %add3A_970 : i32 to index
        %get3A_973 = tpu.vector_load %arg11[%get3A_971, %get3A_972] {strides = array<i32>} : memref<208x128xf32, #tpu.memory_space<vmem>>, vector<1x16xf32>,
        %get3A_974 = vector.shape_cast %get3A_973 : vector<1x16xf32> to vector<16xf32>
        %get3A_975 = arith.index_cast %add3A_929 : i32 to index
        %get3A_976 = arith.constant 32 : index
        %get3A_977 = tpu.vector_load %arg14[%get3A_975, %get3A_976] {strides = array<i32>} : memref<200x64xf32, #tpu.memory_space<vmem>>, vector<1x16xf32>,
        %get3A_978 = vector.shape_cast %get3A_977 : vector<1x16xf32> to vector<16xf32>
        %add3A_979 = arith.addf %get3A_974, %get3A_978 : vector<16xf32>
        %swap3A_980 = arith.index_cast %add3A_929 : i32 to index
        %swap3A_981 = arith.constant 32 : index
        %swap3A_982 = tpu.vector_load %arg13[%swap3A_980, %swap3A_981] {strides = array<i32>} : memref<200x64xf32, #tpu.memory_space<vmem>>, vector<1x16xf32>,
        %swap3A_983 = vector.shape_cast %swap3A_982 : vector<1x16xf32> to vector<16xf32>
        %swap3A_984 = vector.shape_cast %add3A_979 : vector<16xf32> to vector<1x16xf32>
        tpu.vector_store %arg13[%swap3A_980, %swap3A_981], %swap3A_984 {strides = array<i32>} : memref<200x64xf32, #tpu.memory_space<vmem>>, vector<1x16xf32>,
        %add3A_985 = arith.constant 48 : i32
        %add3A_986 = arith.addi %mul3A_936, %add3A_985 : i32
        %get3A_987 = arith.index_cast %add3A_929 : i32 to index
        %get3A_988 = arith.index_cast %add3A_986 : i32 to index
        %get3A_989 = tpu.vector_load %arg11[%get3A_987, %get3A_988] {strides = array<i32>} : memref<208x128xf32, #tpu.memory_space<vmem>>, vector<1x16xf32>,
        %get3A_990 = vector.shape_cast %get3A_989 : vector<1x16xf32> to vector<16xf32>
        %get3A_991 = arith.index_cast %add3A_929 : i32 to index
        %get3A_992 = arith.constant 48 : index
        %get3A_993 = tpu.vector_load %arg14[%get3A_991, %get3A_992] {strides = array<i32>} : memref<200x64xf32, #tpu.memory_space<vmem>>, vector<1x16xf32>,
        %get3A_994 = vector.shape_cast %get3A_993 : vector<1x16xf32> to vector<16xf32>
        %add3A_995 = arith.addf %get3A_990, %get3A_994 : vector<16xf32>
        %swap3A_996 = arith.index_cast %add3A_929 : i32 to index
        %swap3A_997 = arith.constant 48 : index
        %swap3A_998 = tpu.vector_load %arg13[%swap3A_996, %swap3A_997] {strides = array<i32>} : memref<200x64xf32, #tpu.memory_space<vmem>>, vector<1x16xf32>,
        %swap3A_999 = vector.shape_cast %swap3A_998 : vector<1x16xf32> to vector<16xf32>
        %swap3A_1000 = vector.shape_cast %add3A_995 : vector<16xf32> to vector<1x16xf32>
        tpu.vector_store %arg13[%swap3A_996, %swap3A_997], %swap3A_1000 {strides = array<i32>} : memref<200x64xf32, #tpu.memory_space<vmem>>, vector<1x16xf32>,
        %mul3A_1001 = arith.constant 2 : i32
        %mul3A_1002 = arith.muli %mul3A_1001, %scan3A_920 : i32
        %add3A_1003 = arith.constant 1 : i32
        %add3A_1004 = arith.addi %mul3A_1002, %add3A_1003 : i32
        %slice3A_1005 = vector.extract_strided_slice %get3A_925 {offsets = [1], sizes = [1], strides = [1]} : vector<16xi32> to vector<1xi32>
        %squeeze3A_1006 = vector.extract %slice3A_1005[0] : i32 from vector<1xi32>
        %ge3A_1007 = arith.constant 500736 : i32
        %ge3A_1008 = arith.cmpi sge, %squeeze3A_1006, %ge3A_1007 : i32
        %convert_element_type3A_1009 = arith.extui %ge3A_1008 : i1 to i32
        %mul3A_1010 = arith.constant 64 : i32
        %mul3A_1011 = arith.muli %convert_element_type3A_1009, %mul3A_1010 : i32
        %add3A_1012 = arith.constant 0 : i32
        %add3A_1013 = arith.addi %mul3A_1011, %add3A_1012 : i32
        %get3A_1014 = arith.index_cast %add3A_1004 : i32 to index
        %get3A_1015 = arith.index_cast %add3A_1013 : i32 to index
        %get3A_1016 = tpu.vector_load %arg11[%get3A_1014, %get3A_1015] {strides = array<i32>} : memref<208x128xf32, #tpu.memory_space<vmem>>, vector<1x16xf32>,
        %get3A_1017 = vector.shape_cast %get3A_1016 : vector<1x16xf32> to vector<16xf32>
        %get3A_1018 = arith.index_cast %add3A_1004 : i32 to index
        %get3A_1019 = arith.constant 0 : index
        %get3A_1020 = tpu.vector_load %arg14[%get3A_1018, %get3A_1019] {strides = array<i32>} : memref<200x64xf32, #tpu.memory_space<vmem>>, vector<1x16xf32>,
        %get3A_1021 = vector.shape_cast %get3A_1020 : vector<1x16xf32> to vector<16xf32>
        %add3A_1022 = arith.addf %get3A_1017, %get3A_1021 : vector<16xf32>
        %swap3A_1023 = arith.index_cast %add3A_1004 : i32 to index
        %swap3A_1024 = arith.constant 0 : index
        %swap3A_1025 = tpu.vector_load %arg13[%swap3A_1023, %swap3A_1024] {strides = array<i32>} : memref<200x64xf32, #tpu.memory_space<vmem>>, vector<1x16xf32>,
        %swap3A_1026 = vector.shape_cast %swap3A_1025 : vector<1x16xf32> to vector<16xf32>
        %swap3A_1027 = vector.shape_cast %add3A_1022 : vector<16xf32> to vector<1x16xf32>
        tpu.vector_store %arg13[%swap3A_1023, %swap3A_1024], %swap3A_1027 {strides = array<i32>} : memref<200x64xf32, #tpu.memory_space<vmem>>, vector<1x16xf32>,
        %add3A_1028 = arith.constant 16 : i32
        %add3A_1029 = arith.addi %mul3A_1011, %add3A_1028 : i32
        %get3A_1030 = arith.index_cast %add3A_1004 : i32 to index
        %get3A_1031 = arith.index_cast %add3A_1029 : i32 to index
        %get3A_1032 = tpu.vector_load %arg11[%get3A_1030, %get3A_1031] {strides = array<i32>} : memref<208x128xf32, #tpu.memory_space<vmem>>, vector<1x16xf32>,
        %get3A_1033 = vector.shape_cast %get3A_1032 : vector<1x16xf32> to vector<16xf32>
        %get3A_1034 = arith.index_cast %add3A_1004 : i32 to index
        %get3A_1035 = arith.constant 16 : index
        %get3A_1036 = tpu.vector_load %arg14[%get3A_1034, %get3A_1035] {strides = array<i32>} : memref<200x64xf32, #tpu.memory_space<vmem>>, vector<1x16xf32>,
        %get3A_1037 = vector.shape_cast %get3A_1036 : vector<1x16xf32> to vector<16xf32>
        %add3A_1038 = arith.addf %get3A_1033, %get3A_1037 : vector<16xf32>
        %swap3A_1039 = arith.index_cast %add3A_1004 : i32 to index
        %swap3A_1040 = arith.constant 16 : index
        %swap3A_1041 = tpu.vector_load %arg13[%swap3A_1039, %swap3A_1040] {strides = array<i32>} : memref<200x64xf32, #tpu.memory_space<vmem>>, vector<1x16xf32>,
        %swap3A_1042 = vector.shape_cast %swap3A_1041 : vector<1x16xf32> to vector<16xf32>
        %swap3A_1043 = vector.shape_cast %add3A_1038 : vector<16xf32> to vector<1x16xf32>
        tpu.vector_store %arg13[%swap3A_1039, %swap3A_1040], %swap3A_1043 {strides = array<i32>} : memref<200x64xf32, #tpu.memory_space<vmem>>, vector<1x16xf32>,
        %add3A_1044 = arith.constant 32 : i32
        %add3A_1045 = arith.addi %mul3A_1011, %add3A_1044 : i32
        %get3A_1046 = arith.index_cast %add3A_1004 : i32 to index
        %get3A_1047 = arith.index_cast %add3A_1045 : i32 to index
        %get3A_1048 = tpu.vector_load %arg11[%get3A_1046, %get3A_1047] {strides = array<i32>} : memref<208x128xf32, #tpu.memory_space<vmem>>, vector<1x16xf32>,
        %get3A_1049 = vector.shape_cast %get3A_1048 : vector<1x16xf32> to vector<16xf32>
        %get3A_1050 = arith.index_cast %add3A_1004 : i32 to index
        %get3A_1051 = arith.constant 32 : index
        %get3A_1052 = tpu.vector_load %arg14[%get3A_1050, %get3A_1051] {strides = array<i32>} : memref<200x64xf32, #tpu.memory_space<vmem>>, vector<1x16xf32>,
        %get3A_1053 = vector.shape_cast %get3A_1052 : vector<1x16xf32> to vector<16xf32>
        %add3A_1054 = arith.addf %get3A_1049, %get3A_1053 : vector<16xf32>
        %swap3A_1055 = arith.index_cast %add3A_1004 : i32 to index
        %swap3A_1056 = arith.constant 32 : index
        %swap3A_1057 = tpu.vector_load %arg13[%swap3A_1055, %swap3A_1056] {strides = array<i32>} : memref<200x64xf32, #tpu.memory_space<vmem>>, vector<1x16xf32>,
        %swap3A_1058 = vector.shape_cast %swap3A_1057 : vector<1x16xf32> to vector<16xf32>
        %swap3A_1059 = vector.shape_cast %add3A_1054 : vector<16xf32> to vector<1x16xf32>
        tpu.vector_store %arg13[%swap3A_1055, %swap3A_1056], %swap3A_1059 {strides = array<i32>} : memref<200x64xf32, #tpu.memory_space<vmem>>, vector<1x16xf32>,
        %add3A_1060 = arith.constant 48 : i32
        %add3A_1061 = arith.addi %mul3A_1011, %add3A_1060 : i32
        %get3A_1062 = arith.index_cast %add3A_1004 : i32 to index
        %get3A_1063 = arith.index_cast %add3A_1061 : i32 to index
        %get3A_1064 = tpu.vector_load %arg11[%get3A_1062, %get3A_1063] {strides = array<i32>} : memref<208x128xf32, #tpu.memory_space<vmem>>, vector<1x16xf32>,
        %get3A_1065 = vector.shape_cast %get3A_1064 : vector<1x16xf32> to vector<16xf32>
        %get3A_1066 = arith.index_cast %add3A_1004 : i32 to index
        %get3A_1067 = arith.constant 48 : index
        %get3A_1068 = tpu.vector_load %arg14[%get3A_1066, %get3A_1067] {strides = array<i32>} : memref<200x64xf32, #tpu.memory_space<vmem>>, vector<1x16xf32>,
        %get3A_1069 = vector.shape_cast %get3A_1068 : vector<1x16xf32> to vector<16xf32>
        %add3A_1070 = arith.addf %get3A_1065, %get3A_1069 : vector<16xf32>
        %swap3A_1071 = arith.index_cast %add3A_1004 : i32 to index
        %swap3A_1072 = arith.constant 48 : index
        %swap3A_1073 = tpu.vector_load %arg13[%swap3A_1071, %swap3A_1072] {strides = array<i32>} : memref<200x64xf32, #tpu.memory_space<vmem>>, vector<1x16xf32>,
        %swap3A_1074 = vector.shape_cast %swap3A_1073 : vector<1x16xf32> to vector<16xf32>
        %swap3A_1075 = vector.shape_cast %add3A_1070 : vector<16xf32> to vector<1x16xf32>
        tpu.vector_store %arg13[%swap3A_1071, %swap3A_1072], %swap3A_1075 {strides = array<i32>} : memref<200x64xf32, #tpu.memory_space<vmem>>, vector<1x16xf32>,
        %scan3A_1076 = arith.constant 3 : i32
        %scan3A_1077 = arith.addi %scan3A_608, %scan3A_1076 : i32
        %mul3A_1078 = arith.constant 2 : i32
        %mul3A_1079 = arith.muli %mul3A_1078, %scan3A_1077 : i32
        %get3A_1080 = arith.index_cast %mul3A_1079 : i32 to index
        %get3A_1081 = tpu.vector_load %arg7[%get3A_1080] {strides = array<i32>} : memref<224xi32, #tpu.memory_space<vmem>>, vector<16xi32>,
        %get3A_1082 = vector.shape_cast %get3A_1081 : vector<16xi32> to vector<16xi32>
        %mul3A_1083 = arith.constant 2 : i32
        %mul3A_1084 = arith.muli %mul3A_1083, %scan3A_1077 : i32
        %add3A_1085 = arith.constant 0 : i32
        %add3A_1086 = arith.addi %mul3A_1084, %add3A_1085 : i32
        %slice3A_1087 = vector.extract_strided_slice %get3A_1082 {offsets = [0], sizes = [1], strides = [1]} : vector<16xi32> to vector<1xi32>
        %squeeze3A_1088 = vector.extract %slice3A_1087[0] : i32 from vector<1xi32>
        %ge3A_1089 = arith.constant 500736 : i32
        %ge3A_1090 = arith.cmpi sge, %squeeze3A_1088, %ge3A_1089 : i32
        %convert_element_type3A_1091 = arith.extui %ge3A_1090 : i1 to i32
        %mul3A_1092 = arith.constant 64 : i32
        %mul3A_1093 = arith.muli %convert_element_type3A_1091, %mul3A_1092 : i32
        %add3A_1094 = arith.constant 0 : i32
        %add3A_1095 = arith.addi %mul3A_1093, %add3A_1094 : i32
        %get3A_1096 = arith.index_cast %add3A_1086 : i32 to index
        %get3A_1097 = arith.index_cast %add3A_1095 : i32 to index
        %get3A_1098 = tpu.vector_load %arg11[%get3A_1096, %get3A_1097] {strides = array<i32>} : memref<208x128xf32, #tpu.memory_space<vmem>>, vector<1x16xf32>,
        %get3A_1099 = vector.shape_cast %get3A_1098 : vector<1x16xf32> to vector<16xf32>
        %get3A_1100 = arith.index_cast %add3A_1086 : i32 to index
        %get3A_1101 = arith.constant 0 : index
        %get3A_1102 = tpu.vector_load %arg14[%get3A_1100, %get3A_1101] {strides = array<i32>} : memref<200x64xf32, #tpu.memory_space<vmem>>, vector<1x16xf32>,
        %get3A_1103 = vector.shape_cast %get3A_1102 : vector<1x16xf32> to vector<16xf32>
        %add3A_1104 = arith.addf %get3A_1099, %get3A_1103 : vector<16xf32>
        %swap3A_1105 = arith.index_cast %add3A_1086 : i32 to index
        %swap3A_1106 = arith.constant 0 : index
        %swap3A_1107 = tpu.vector_load %arg13[%swap3A_1105, %swap3A_1106] {strides = array<i32>} : memref<200x64xf32, #tpu.memory_space<vmem>>, vector<1x16xf32>,
        %swap3A_1108 = vector.shape_cast %swap3A_1107 : vector<1x16xf32> to vector<16xf32>
        %swap3A_1109 = vector.shape_cast %add3A_1104 : vector<16xf32> to vector<1x16xf32>
        tpu.vector_store %arg13[%swap3A_1105, %swap3A_1106], %swap3A_1109 {strides = array<i32>} : memref<200x64xf32, #tpu.memory_space<vmem>>, vector<1x16xf32>,
        %add3A_1110 = arith.constant 16 : i32
        %add3A_1111 = arith.addi %mul3A_1093, %add3A_1110 : i32
        %get3A_1112 = arith.index_cast %add3A_1086 : i32 to index
        %get3A_1113 = arith.index_cast %add3A_1111 : i32 to index
        %get3A_1114 = tpu.vector_load %arg11[%get3A_1112, %get3A_1113] {strides = array<i32>} : memref<208x128xf32, #tpu.memory_space<vmem>>, vector<1x16xf32>,
        %get3A_1115 = vector.shape_cast %get3A_1114 : vector<1x16xf32> to vector<16xf32>
        %get3A_1116 = arith.index_cast %add3A_1086 : i32 to index
        %get3A_1117 = arith.constant 16 : index
        %get3A_1118 = tpu.vector_load %arg14[%get3A_1116, %get3A_1117] {strides = array<i32>} : memref<200x64xf32, #tpu.memory_space<vmem>>, vector<1x16xf32>,
        %get3A_1119 = vector.shape_cast %get3A_1118 : vector<1x16xf32> to vector<16xf32>
        %add3A_1120 = arith.addf %get3A_1115, %get3A_1119 : vector<16xf32>
        %swap3A_1121 = arith.index_cast %add3A_1086 : i32 to index
        %swap3A_1122 = arith.constant 16 : index
        %swap3A_1123 = tpu.vector_load %arg13[%swap3A_1121, %swap3A_1122] {strides = array<i32>} : memref<200x64xf32, #tpu.memory_space<vmem>>, vector<1x16xf32>,
        %swap3A_1124 = vector.shape_cast %swap3A_1123 : vector<1x16xf32> to vector<16xf32>
        %swap3A_1125 = vector.shape_cast %add3A_1120 : vector<16xf32> to vector<1x16xf32>
        tpu.vector_store %arg13[%swap3A_1121, %swap3A_1122], %swap3A_1125 {strides = array<i32>} : memref<200x64xf32, #tpu.memory_space<vmem>>, vector<1x16xf32>,
        %add3A_1126 = arith.constant 32 : i32
        %add3A_1127 = arith.addi %mul3A_1093, %add3A_1126 : i32
        %get3A_1128 = arith.index_cast %add3A_1086 : i32 to index
        %get3A_1129 = arith.index_cast %add3A_1127 : i32 to index
        %get3A_1130 = tpu.vector_load %arg11[%get3A_1128, %get3A_1129] {strides = array<i32>} : memref<208x128xf32, #tpu.memory_space<vmem>>, vector<1x16xf32>,
        %get3A_1131 = vector.shape_cast %get3A_1130 : vector<1x16xf32> to vector<16xf32>
        %get3A_1132 = arith.index_cast %add3A_1086 : i32 to index
        %get3A_1133 = arith.constant 32 : index
        %get3A_1134 = tpu.vector_load %arg14[%get3A_1132, %get3A_1133] {strides = array<i32>} : memref<200x64xf32, #tpu.memory_space<vmem>>, vector<1x16xf32>,
        %get3A_1135 = vector.shape_cast %get3A_1134 : vector<1x16xf32> to vector<16xf32>
        %add3A_1136 = arith.addf %get3A_1131, %get3A_1135 : vector<16xf32>
        %swap3A_1137 = arith.index_cast %add3A_1086 : i32 to index
        %swap3A_1138 = arith.constant 32 : index
        %swap3A_1139 = tpu.vector_load %arg13[%swap3A_1137, %swap3A_1138] {strides = array<i32>} : memref<200x64xf32, #tpu.memory_space<vmem>>, vector<1x16xf32>,
        %swap3A_1140 = vector.shape_cast %swap3A_1139 : vector<1x16xf32> to vector<16xf32>
        %swap3A_1141 = vector.shape_cast %add3A_1136 : vector<16xf32> to vector<1x16xf32>
        tpu.vector_store %arg13[%swap3A_1137, %swap3A_1138], %swap3A_1141 {strides = array<i32>} : memref<200x64xf32, #tpu.memory_space<vmem>>, vector<1x16xf32>,
        %add3A_1142 = arith.constant 48 : i32
        %add3A_1143 = arith.addi %mul3A_1093, %add3A_1142 : i32
        %get3A_1144 = arith.index_cast %add3A_1086 : i32 to index
        %get3A_1145 = arith.index_cast %add3A_1143 : i32 to index
        %get3A_1146 = tpu.vector_load %arg11[%get3A_1144, %get3A_1145] {strides = array<i32>} : memref<208x128xf32, #tpu.memory_space<vmem>>, vector<1x16xf32>,
        %get3A_1147 = vector.shape_cast %get3A_1146 : vector<1x16xf32> to vector<16xf32>
        %get3A_1148 = arith.index_cast %add3A_1086 : i32 to index
        %get3A_1149 = arith.constant 48 : index
        %get3A_1150 = tpu.vector_load %arg14[%get3A_1148, %get3A_1149] {strides = array<i32>} : memref<200x64xf32, #tpu.memory_space<vmem>>, vector<1x16xf32>,
        %get3A_1151 = vector.shape_cast %get3A_1150 : vector<1x16xf32> to vector<16xf32>
        %add3A_1152 = arith.addf %get3A_1147, %get3A_1151 : vector<16xf32>
        %swap3A_1153 = arith.index_cast %add3A_1086 : i32 to index
        %swap3A_1154 = arith.constant 48 : index
        %swap3A_1155 = tpu.vector_load %arg13[%swap3A_1153, %swap3A_1154] {strides = array<i32>} : memref<200x64xf32, #tpu.memory_space<vmem>>, vector<1x16xf32>,
        %swap3A_1156 = vector.shape_cast %swap3A_1155 : vector<1x16xf32> to vector<16xf32>
        %swap3A_1157 = vector.shape_cast %add3A_1152 : vector<16xf32> to vector<1x16xf32>
        tpu.vector_store %arg13[%swap3A_1153, %swap3A_1154], %swap3A_1157 {strides = array<i32>} : memref<200x64xf32, #tpu.memory_space<vmem>>, vector<1x16xf32>,
        %mul3A_1158 = arith.constant 2 : i32
        %mul3A_1159 = arith.muli %mul3A_1158, %scan3A_1077 : i32
        %add3A_1160 = arith.constant 1 : i32
        %add3A_1161 = arith.addi %mul3A_1159, %add3A_1160 : i32
        %slice3A_1162 = vector.extract_strided_slice %get3A_1082 {offsets = [1], sizes = [1], strides = [1]} : vector<16xi32> to vector<1xi32>
        %squeeze3A_1163 = vector.extract %slice3A_1162[0] : i32 from vector<1xi32>
        %ge3A_1164 = arith.constant 500736 : i32
        %ge3A_1165 = arith.cmpi sge, %squeeze3A_1163, %ge3A_1164 : i32
        %convert_element_type3A_1166 = arith.extui %ge3A_1165 : i1 to i32
        %mul3A_1167 = arith.constant 64 : i32
        %mul3A_1168 = arith.muli %convert_element_type3A_1166, %mul3A_1167 : i32
        %add3A_1169 = arith.constant 0 : i32
        %add3A_1170 = arith.addi %mul3A_1168, %add3A_1169 : i32
        %get3A_1171 = arith.index_cast %add3A_1161 : i32 to index
        %get3A_1172 = arith.index_cast %add3A_1170 : i32 to index
        %get3A_1173 = tpu.vector_load %arg11[%get3A_1171, %get3A_1172] {strides = array<i32>} : memref<208x128xf32, #tpu.memory_space<vmem>>, vector<1x16xf32>,
        %get3A_1174 = vector.shape_cast %get3A_1173 : vector<1x16xf32> to vector<16xf32>
        %get3A_1175 = arith.index_cast %add3A_1161 : i32 to index
        %get3A_1176 = arith.constant 0 : index
        %get3A_1177 = tpu.vector_load %arg14[%get3A_1175, %get3A_1176] {strides = array<i32>} : memref<200x64xf32, #tpu.memory_space<vmem>>, vector<1x16xf32>,
        %get3A_1178 = vector.shape_cast %get3A_1177 : vector<1x16xf32> to vector<16xf32>
        %add3A_1179 = arith.addf %get3A_1174, %get3A_1178 : vector<16xf32>
        %swap3A_1180 = arith.index_cast %add3A_1161 : i32 to index
        %swap3A_1181 = arith.constant 0 : index
        %swap3A_1182 = tpu.vector_load %arg13[%swap3A_1180, %swap3A_1181] {strides = array<i32>} : memref<200x64xf32, #tpu.memory_space<vmem>>, vector<1x16xf32>,
        %swap3A_1183 = vector.shape_cast %swap3A_1182 : vector<1x16xf32> to vector<16xf32>
        %swap3A_1184 = vector.shape_cast %add3A_1179 : vector<16xf32> to vector<1x16xf32>
        tpu.vector_store %arg13[%swap3A_1180, %swap3A_1181], %swap3A_1184 {strides = array<i32>} : memref<200x64xf32, #tpu.memory_space<vmem>>, vector<1x16xf32>,
        %add3A_1185 = arith.constant 16 : i32
        %add3A_1186 = arith.addi %mul3A_1168, %add3A_1185 : i32
        %get3A_1187 = arith.index_cast %add3A_1161 : i32 to index
        %get3A_1188 = arith.index_cast %add3A_1186 : i32 to index
        %get3A_1189 = tpu.vector_load %arg11[%get3A_1187, %get3A_1188] {strides = array<i32>} : memref<208x128xf32, #tpu.memory_space<vmem>>, vector<1x16xf32>,
        %get3A_1190 = vector.shape_cast %get3A_1189 : vector<1x16xf32> to vector<16xf32>
        %get3A_1191 = arith.index_cast %add3A_1161 : i32 to index
        %get3A_1192 = arith.constant 16 : index
        %get3A_1193 = tpu.vector_load %arg14[%get3A_1191, %get3A_1192] {strides = array<i32>} : memref<200x64xf32, #tpu.memory_space<vmem>>, vector<1x16xf32>,
        %get3A_1194 = vector.shape_cast %get3A_1193 : vector<1x16xf32> to vector<16xf32>
        %add3A_1195 = arith.addf %get3A_1190, %get3A_1194 : vector<16xf32>
        %swap3A_1196 = arith.index_cast %add3A_1161 : i32 to index
        %swap3A_1197 = arith.constant 16 : index
        %swap3A_1198 = tpu.vector_load %arg13[%swap3A_1196, %swap3A_1197] {strides = array<i32>} : memref<200x64xf32, #tpu.memory_space<vmem>>, vector<1x16xf32>,
        %swap3A_1199 = vector.shape_cast %swap3A_1198 : vector<1x16xf32> to vector<16xf32>
        %swap3A_1200 = vector.shape_cast %add3A_1195 : vector<16xf32> to vector<1x16xf32>
        tpu.vector_store %arg13[%swap3A_1196, %swap3A_1197], %swap3A_1200 {strides = array<i32>} : memref<200x64xf32, #tpu.memory_space<vmem>>, vector<1x16xf32>,
        %add3A_1201 = arith.constant 32 : i32
        %add3A_1202 = arith.addi %mul3A_1168, %add3A_1201 : i32
        %get3A_1203 = arith.index_cast %add3A_1161 : i32 to index
        %get3A_1204 = arith.index_cast %add3A_1202 : i32 to index
        %get3A_1205 = tpu.vector_load %arg11[%get3A_1203, %get3A_1204] {strides = array<i32>} : memref<208x128xf32, #tpu.memory_space<vmem>>, vector<1x16xf32>,
        %get3A_1206 = vector.shape_cast %get3A_1205 : vector<1x16xf32> to vector<16xf32>
        %get3A_1207 = arith.index_cast %add3A_1161 : i32 to index
        %get3A_1208 = arith.constant 32 : index
        %get3A_1209 = tpu.vector_load %arg14[%get3A_1207, %get3A_1208] {strides = array<i32>} : memref<200x64xf32, #tpu.memory_space<vmem>>, vector<1x16xf32>,
        %get3A_1210 = vector.shape_cast %get3A_1209 : vector<1x16xf32> to vector<16xf32>
        %add3A_1211 = arith.addf %get3A_1206, %get3A_1210 : vector<16xf32>
        %swap3A_1212 = arith.index_cast %add3A_1161 : i32 to index
        %swap3A_1213 = arith.constant 32 : index
        %swap3A_1214 = tpu.vector_load %arg13[%swap3A_1212, %swap3A_1213] {strides = array<i32>} : memref<200x64xf32, #tpu.memory_space<vmem>>, vector<1x16xf32>,
        %swap3A_1215 = vector.shape_cast %swap3A_1214 : vector<1x16xf32> to vector<16xf32>
        %swap3A_1216 = vector.shape_cast %add3A_1211 : vector<16xf32> to vector<1x16xf32>
        tpu.vector_store %arg13[%swap3A_1212, %swap3A_1213], %swap3A_1216 {strides = array<i32>} : memref<200x64xf32, #tpu.memory_space<vmem>>, vector<1x16xf32>,
        %add3A_1217 = arith.constant 48 : i32
        %add3A_1218 = arith.addi %mul3A_1168, %add3A_1217 : i32
        %get3A_1219 = arith.index_cast %add3A_1161 : i32 to index
        %get3A_1220 = arith.index_cast %add3A_1218 : i32 to index
        %get3A_1221 = tpu.vector_load %arg11[%get3A_1219, %get3A_1220] {strides = array<i32>} : memref<208x128xf32, #tpu.memory_space<vmem>>, vector<1x16xf32>,
        %get3A_1222 = vector.shape_cast %get3A_1221 : vector<1x16xf32> to vector<16xf32>
        %get3A_1223 = arith.index_cast %add3A_1161 : i32 to index
        %get3A_1224 = arith.constant 48 : index
        %get3A_1225 = tpu.vector_load %arg14[%get3A_1223, %get3A_1224] {strides = array<i32>} : memref<200x64xf32, #tpu.memory_space<vmem>>, vector<1x16xf32>,
        %get3A_1226 = vector.shape_cast %get3A_1225 : vector<1x16xf32> to vector<16xf32>
        %add3A_1227 = arith.addf %get3A_1222, %get3A_1226 : vector<16xf32>
        %swap3A_1228 = arith.index_cast %add3A_1161 : i32 to index
        %swap3A_1229 = arith.constant 48 : index
        %swap3A_1230 = tpu.vector_load %arg13[%swap3A_1228, %swap3A_1229] {strides = array<i32>} : memref<200x64xf32, #tpu.memory_space<vmem>>, vector<1x16xf32>,
        %swap3A_1231 = vector.shape_cast %swap3A_1230 : vector<1x16xf32> to vector<16xf32>
        %swap3A_1232 = vector.shape_cast %add3A_1227 : vector<16xf32> to vector<1x16xf32>
        tpu.vector_store %arg13[%swap3A_1228, %swap3A_1229], %swap3A_1232 {strides = array<i32>} : memref<200x64xf32, #tpu.memory_space<vmem>>, vector<1x16xf32>,
      }
      %scan3A_598 = arith.constant 100 : i32
      %add3A_599 = arith.addi %mul3A_2, %add3A_292 : i32
      %dma_start3A_600 = arith.constant 0 : i32
      %dma_start3A_601 = arith.constant 0 : i32
      %dma_start3A_602 = tpu.memref_slice %arg5[%add3A_599, %dma_start3A_600, %dma_start3A_601] : memref<4096x200x64xf32, #tpu.memory_space<hbm>> -> memref<1x200x64xf32, #tpu.memory_space<hbm>>
      %dma_start3A_603 = tpu.memref_squeeze %dma_start3A_602 : memref<1x200x64xf32, #tpu.memory_space<hbm>> -> memref<200x64xf32, #tpu.memory_space<hbm>>
      %dma_start3A_604 = arith.constant 0 : i32
      %dma_start3A_605 = arith.constant 0 : i32
      %dma_start3A_606 = tpu.memref_slice %arg5[%add3A_599, %dma_start3A_604, %dma_start3A_605] : memref<4096x200x64xf32, #tpu.memory_space<hbm>> -> memref<1x200x64xf32, #tpu.memory_space<hbm>>
      %dma_start3A_607 = tpu.memref_squeeze %dma_start3A_606 : memref<1x200x64xf32, #tpu.memory_space<hbm>> -> memref<200x64xf32, #tpu.memory_space<hbm>>
      tpu.enqueue_dma source(%arg13 : memref<200x64xf32, #tpu.memory_space<vmem>>) target(%dma_start3A_607 : memref<200x64xf32, #tpu.memory_space<hbm>>) target_semaphore(%arg18 : memref<!tpu.dma_semaphore, #tpu.memory_space<semaphore_mem>>)
    }
    %scan3A_266 = arith.constant 64 : i32
    %add3A_267 = arith.constant 126 : i32
    %add3A_268 = arith.addi %mul3A_2, %add3A_267 : i32
    %dma_wait3A = arith.constant 0 : i32
    %dma_wait3A_269 = arith.constant 0 : i32
    %dma_wait3A_270 = tpu.memref_slice %arg5[%add3A_268, %dma_wait3A, %dma_wait3A_269] : memref<4096x200x64xf32, #tpu.memory_space<hbm>> -> memref<1x200x64xf32, #tpu.memory_space<hbm>>
    %dma_wait3A_271 = tpu.memref_squeeze %dma_wait3A_270 : memref<1x200x64xf32, #tpu.memory_space<hbm>> -> memref<200x64xf32, #tpu.memory_space<hbm>>
    %dma_wait3A_272 = arith.constant 0 : i32
    %dma_wait3A_273 = arith.constant 0 : i32
    %dma_wait3A_274 = tpu.memref_slice %arg5[%add3A_268, %dma_wait3A_272, %dma_wait3A_273] : memref<4096x200x64xf32, #tpu.memory_space<hbm>> -> memref<1x200x64xf32, #tpu.memory_space<hbm>>
    %dma_wait3A_275 = tpu.memref_squeeze %dma_wait3A_274 : memref<1x200x64xf32, #tpu.memory_space<hbm>> -> memref<200x64xf32, #tpu.memory_space<hbm>>
    tpu.wait_dma2 semaphore(%arg17 : memref<!tpu.dma_semaphore, #tpu.memory_space<semaphore_mem>>) src(%arg12 : memref<200x64xf32, #tpu.memory_space<vmem>>) dst(%dma_wait3A_275 : memref<200x64xf32, #tpu.memory_space<hbm>>)
    %add3A_276 = arith.constant 127 : i32
    %add3A_277 = arith.addi %mul3A_2, %add3A_276 : i32
    %dma_wait3A_278 = arith.constant 0 : i32
    %dma_wait3A_279 = arith.constant 0 : i32
    %dma_wait3A_280 = tpu.memref_slice %arg5[%add3A_277, %dma_wait3A_278, %dma_wait3A_279] : memref<4096x200x64xf32, #tpu.memory_space<hbm>> -> memref<1x200x64xf32, #tpu.memory_space<hbm>>
    %dma_wait3A_281 = tpu.memref_squeeze %dma_wait3A_280 : memref<1x200x64xf32, #tpu.memory_space<hbm>> -> memref<200x64xf32, #tpu.memory_space<hbm>>
    %dma_wait3A_282 = arith.constant 0 : i32
    %dma_wait3A_283 = arith.constant 0 : i32
    %dma_wait3A_284 = tpu.memref_slice %arg5[%add3A_277, %dma_wait3A_282, %dma_wait3A_283] : memref<4096x200x64xf32, #tpu.memory_space<hbm>> -> memref<1x200x64xf32, #tpu.memory_space<hbm>>
    %dma_wait3A_285 = tpu.memref_squeeze %dma_wait3A_284 : memref<1x200x64xf32, #tpu.memory_space<hbm>> -> memref<200x64xf32, #tpu.memory_space<hbm>>
    tpu.wait_dma2 semaphore(%arg18 : memref<!tpu.dma_semaphore, #tpu.memory_space<semaphore_mem>>) src(%arg13 : memref<200x64xf32, #tpu.memory_space<vmem>>) dst(%dma_wait3A_285 : memref<200x64xf32, #tpu.memory_space<hbm>>)
    return
  }
}

</mosaic_0001>

<sc_bundles>
// kernel: _emb_lookup.3.cloned.1.call-start
scs
__scs_entry_jumppad:
0x0: {  	(pc) =	sbr.rel $0x88, $3  }
0x1: {  	(tag) =	ssettag $0x0;
	lr =	simm.s32 $0x1  }
0x2: {  	[smem:$0x3F9E] =	sst lr;
	_ =	strace $0xD0000000  }
0x3: {  	_ = 	snop  }
0x4: {  	_ = 	snop  }
0x5: {  	_ = 	snop  }
0x6: {  	_ = 	snop  }
0x7: {  	_ = 	snop  }
__scs_overlays_trampoline_lowered:
0x8: {  	[smem:$0x3FAD] =	sst s0  }
0x9: {  	[smem:$0x3FAE] =	sst s1  }
0xa: {  	[smem:$0x3FAF] =	sst s2  }
0xb: {  	[smem:$0x3FB0] =	sst s3  }
0xc: {  	[smem:$0x3FB1] =	sst s4  }
0xd: {  	[smem:$0x3FB2] =	sst s5  }
0xe: {  	[smem:$0x3FB3] =	sst s6  }
0xf: {  	[smem:$0x3FB4] =	sst s7  }
0x10: {  	[smem:$0x3FB5] =	sst s8  }
0x11: {  	[smem:$0x3FB6] =	sst s9;
	s0 =	simm.s32 @!p0 $0x0  }
0x12: {  	s1 =	sld [smem:$0x3F9C];
	s0 =	simm.s32 @p0 $0x1  }
0x13: {  	[smem:$0x3FB7] =	sst s0;
	s0 =	simm.s32 @!p1 $0x0  }
0x14: {  	s2 =	sld [smem:$0x3F9B];
	s0 =	simm.s32 @p1 $0x1  }
0x15: {  	[smem:$0x3FB8] =	sst s0;
	s0 =	simm.s32 @!p2 $0x0  }
0x16: {  	s3 =	sld [smem:$0x3FDB];
	s0 =	simm.s32 @p2 $0x1  }
0x17: {  	s4 =	simm.s32 $0x1BF5;
	[smem:$0x3FBA] =	sst s0  }
0x18: {  	s0 =	sld [smem:$0x3F9D];
	_ =	swait.ge [sflag:s4], $0x0  }
0x19: {  	s7 =	sld [smem:$0x3F9E]  }
0x1a: {  	s8 =	sadd.s32 $0xFFFFE003, lr  }
0x1b: {  	s9 =	sadd.s32 $0xFFFFFEF7, lr;
	s5 =	simm.s32 $0xFFFFFFFF;
	p2 =	slt.u32 s8, $0xFFFFF086  }
0x1c: {  	p1 =	slt.u32 s9, $0xF7A;
	s5 =	simm.s32 @!p2 $0x0  }
0x1d: {  	s5 =	simm.s32 @p1 $0x1;
	p0 =	seq.s32 s7, s2  }
0x1e: {  	s7 =	smul.u32 @!p0 $0xF7A, s2;
	p2 =	seq.s32 @!p0 s5, $0x0  }
0x1f: {  	s9 =	smul.u32 $0xF7A, s1;
	s8 =	simm.s32 @!p0 $0x1BF5;
	p2 =	por !p2, p0  }
0x20: {  	[sflag:s8] =	ssyncset.s32 @!p0 $0xFFFFF086;
	s6 =	sadd.s32 @!p0 s3, s7;
	s7 =	simm.s32 @!p0 $0x108  }
0x21: {  	s3 =	sadd.s32 s3, s9;
	s6 =	sadd.s32 @!p0 $0x88, s6;
	s7 =	simm.s32 @p2 $0x1082  }
0x22: {  	[simem:s7], [sflag:s8] =	dma.local @!p0 [hbm:s6], $0xF7A  }
0x23: {  	s9 =	sor.u32 $0xD0000000, s2;
	s6 =	simm.s32 $0x108;
	_ =	swait.ge @!p0 [sflag:s8], $0x0  }
0x24: {  	s3 =	sadd.s32 $0x88, s3;
	s6 =	simm.s32 @!p1 $0x1082;
	[sflag:s4] =	ssyncset.s32 $0xFFFFF086  }
0x25: {  	[simem:s6], [sflag:s4] =	dma.local [hbm:s3], $0xF7A  }
0x26: {  	[smem:$0x3F9E] =	sst s1;
	(tag) =	ssettag s2;
	_ =	strace s9  }
0x27: {  	s1 =	sld [smem:$0x3FAE]  }
0x28: {  	s2 =	sld [smem:$0x3FAF]  }
0x29: {  	s4 =	sld [smem:$0x3FB1]  }
0x2a: {  	p0 =	seq.s32 s5, $0x0;
	s5 =	sld [smem:$0x3FB2]  }
0x2b: {  	s6 =	sld [smem:$0x3FB3]  }
0x2c: {  	s7 =	sld [smem:$0x3FB4]  }
0x2d: {  	s3 =	simm.s32 $0x108;
	s8 =	sld [smem:$0x3FB5]  }
0x2e: {  	s3 =	simm.s32 @!p0 $0x1082;
	s9 =	sld [smem:$0x3FB6]  }
0x2f: {  	lr =	sadd.s32 s0, s3;
	s0 =	sld [smem:$0x3FAD]  }
0x30: {  	s3 =	sld [smem:$0x3FB0]  }
0x31: {  	[smem:$0x3FB9] =	sst s10  }
0x32: {  	s10 =	sld [smem:$0x3FB7];
	_ =	sdelay $0x3  }
0x33: {  	p0 =	seq.s32 s10, $0x1;
	s10 =	sld [smem:$0x3FB9];
	_ =	sdelay $0x3  }
0x34: {  	[smem:$0x3FB9] =	sst s10  }
0x35: {  	s10 =	sld [smem:$0x3FB8];
	_ =	sdelay $0x3  }
0x36: {  	p1 =	seq.s32 s10, $0x1;
	s10 =	sld [smem:$0x3FB9];
	_ =	sdelay $0x3  }
0x37: {  	[smem:$0x3FB9] =	sst s10  }
0x38: {  	s10 =	sld [smem:$0x3FBA]  }
0x39: {  	_ = 	snop;
	(pc) =	sbr.ind lr, $3  }
0x3a: {  	_ = 	snop  }
0x3b: {  	_ = 	snop  }
0x3c: {  	p2 =	seq.s32 s10, $0x1;
	s10 =	sld [smem:$0x3FB9]  }
0x3d: {  	_ =	shalt  }
0x3e: {  	_ =	shalt  }
0x3f: {  	_ =	shalt  }
0x40: {  	_ =	shalt  }
0x41: {  	_ =	shalt  }
0x42: {  	_ =	shalt  }
0x43: {  	_ =	shalt  }
0x44: {  	_ =	shalt  }
0x45: {  	_ =	shalt  }
0x46: {  	_ =	shalt  }
0x47: {  	_ =	shalt  }
0x48: {  	_ =	shalt  }
0x49: {  	_ =	shalt  }
0x4a: {  	_ =	shalt  }
0x4b: {  	_ =	shalt  }
0x4c: {  	_ =	shalt  }
0x4d: {  	_ =	shalt  }
0x4e: {  	_ =	shalt  }
0x4f: {  	_ =	shalt  }
0x50: {  	_ =	shalt  }
0x51: {  	_ =	shalt  }
0x52: {  	_ =	shalt  }
0x53: {  	_ =	shalt  }
0x54: {  	_ =	shalt  }
0x55: {  	_ =	shalt  }
0x56: {  	_ =	shalt  }
0x57: {  	_ =	shalt  }
0x58: {  	_ =	shalt  }
0x59: {  	_ =	shalt  }
0x5a: {  	_ =	shalt  }
0x5b: {  	_ =	shalt  }
0x5c: {  	_ =	shalt  }
0x5d: {  	_ =	shalt  }
0x5e: {  	_ =	shalt  }
0x5f: {  	_ =	shalt  }
0x60: {  	_ =	shalt  }
0x61: {  	_ =	shalt  }
0x62: {  	_ =	shalt  }
0x63: {  	_ =	shalt  }
0x64: {  	_ =	shalt  }
0x65: {  	_ =	shalt  }
0x66: {  	_ =	shalt  }
0x67: {  	_ =	shalt  }
0x68: {  	_ =	shalt  }
0x69: {  	_ =	shalt  }
0x6a: {  	_ =	shalt  }
0x6b: {  	_ =	shalt  }
0x6c: {  	_ =	shalt  }
0x6d: {  	_ =	shalt  }
0x6e: {  	_ =	shalt  }
0x6f: {  	_ =	shalt  }
0x70: {  	_ =	shalt  }
0x71: {  	_ =	shalt  }
0x72: {  	_ =	shalt  }
0x73: {  	_ =	shalt  }
0x74: {  	_ =	shalt  }
0x75: {  	_ =	shalt  }
0x76: {  	_ =	shalt  }
0x77: {  	_ =	shalt  }
0x78: {  	_ =	shalt  }
0x79: {  	_ =	shalt  }
0x7a: {  	_ =	shalt  }
0x7b: {  	_ =	shalt  }
0x7c: {  	_ =	shalt  }
0x7d: {  	_ =	shalt  }
0x7e: {  	_ =	shalt  }
0x7f: {  	_ =	shalt  }
0x80: {  	_ =	shalt  }
0x81: {  	_ =	shalt  }
0x82: {  	_ =	shalt  }
0x83: {  	_ =	shalt  }
0x84: {  	_ =	shalt  }
0x85: {  	_ =	shalt  }
0x86: {  	_ =	shalt  }
0x87: {  	_ =	shalt  }
.Lfunc_end0:
.L_simem_size_0:
called_computation_lowered:
.L_overlay_start_0:
0x88: {  	s2 =	sld [smem:$0x3FD9]  }
0x89: {  	s3 =	sld [smem:$0x3FFE];
	_ =	sdelay $0x1  }
0x8a: {  	s1 =	srdreg.scid  }
0x8b: {  	s0 =	sand.u32 $0x1, s1  }
0x8c: {  	s17 =	sshll.u32 s0, $0xA;
	s2 =	sadd.s32 s3, s2  }
0x8d: {  	s2 =	sadd.s32 s2, s17  }
0x8e: {  	[smem:$0x3FC5] =	sst s2  }
0x8f: {  	_ = 	snop  }
0x90: {  	s2 =	sld [smem:$0x3FC9]  }
0x91: {  	s18 =	sld [smem:$0x3FC8]  }
0x92: {  	s4 =	sld [smem:$0x3FD0];
	(tm) =	ssettm $0x1  }
0x93: {  	s5 =	sld [smem:$0x3FFB];
	_ =	sdelay $0x3  }
0x94: {  	_ =	strace s5  }
0x95: {  	s5 =	sld [smem:$0x3FFC];
	_ =	sdelay $0x3  }
0x96: {  	_ =	strace s5  }
0x97: {  	s5 =	sld [smem:$0x3FFD];
	_ =	sdelay $0x3  }
0x98: {  	_ =	strace s5  }
0x99: {  	_ =	strace $0x8FFFFFFF  }
0x9a: {  	s19 =	sld [smem:$0x3FDB];
	_ =	sdelay $0x1  }
0x9b: {  	s6 =	simm.s32 $_scs_section_size  }
0x9c: {  	s7 =	simm.s32 $_size__tile_overlayer_lowered;
	s8 =	simm.s32 $_tile_overlayer_lowered  }
0x9d: {  	s22 =	simm.s32 $0x1BFF;
	s21 =	sshll.u32 s8, $0x1;
	s5 =	sadd.s32 s6, s19  }
0x9e: {  	s9 =	simm.s32 $0x0;
	s20 =	sshll.u32 s7, $0x1;
	s7 =	sadd.s32 s21, s5  }
0x9f: {  	[timem:s9], [sflag:s22] =	dma.local [hbm:s7], s20  }
0xa0: {  	_ =	swait.ge [sflag:s22], s20  }
0xa1: {  	s6 =	ssub.s32 $0x0, s20;
	[sflag:s22] =	ssyncset.done $0x0  }
0xa2: {  	[sflag:s22] =	ssyncadd.s32 s6;
	_ =	sdelay $0x1  }
0xa3: {  	s23 =	simm.s32 $0x1B8B  }
0xa4: {  	_ =	swait.ge [sflag:s23], $0x1  }
0xa5: {  	[sflag:s23] =	ssyncset.done $0x0  }
0xa6: {  	s25 =	simm.s32 $0x1B8E;
	s24 =	sld [smem:$0x3FFE];
	[sflag:s23] =	ssyncadd.s32 $0xFFFFFFFF  }
0xa7: {  	s26 =	simm.s32 $execute0_lowered;
	[smem:$0x3FD2] =	sst s25  }
0xa8: {  	s7 =	sshll.u32 s26, $0x1;
	_ =	strace $0x80000046;
	[dreg:$0x1] =	wrdreg $0xFFFFFFFF  }
0xa9: {  	s28 =	simm.s32 $_size_execute0_lowered;
	s5 =	sadd.s32 s5, s7;
	[dreg:$0x0] =	wrdreg $0x0  }
0xaa: {  	s7 =	sshll.u32 s28, $0x1;
	[dreg:$0x2] =	wrdreg s5  }
0xab: {  	[dreg:$0x3] =	wrdreg s7  }
0xac: {  	[dreg:$0x4] =	wrdreg $0xC0  }
0xad: {  	_ =	task [dreg:s9], $0x5FFFF  }
0xae: {  	[dreg:$0x1] =	wrdreg $0xFFFFFFFF  }
0xaf: {  	[dreg:$0x0] =	wrdreg $0x60  }
0xb0: {  	[dreg:$0x2] =	wrdreg s2  }
0xb1: {  	[dreg:$0x3] =	wrdreg s18  }
0xb2: {  	[dreg:$0x4] =	wrdreg s4  }
0xb3: {  	[dreg:$0x5] =	wrdreg s24  }
0xb4: {  	[dreg:$0x6] =	wrdreg $0x9  }
0xb5: {  	_ =	task.clear_ibuf [dreg:s9], $0x7FFFF;
	_ =	strace $0x90000046  }
0xb6: {  	s29 =	simm.s32 $0x9;
	_ =	strace $0x80000048  }
0xb7: {  	_ =	swait.ge [sflag:s29], $0x1  }
0xb8: {  	[sflag:s29] =	ssyncadd.s32 $0xFFFFFFFF  }
0xb9: {  	_ =	strace $0x90000048  }
0xba: {  	_ =	sfence  }
0xbb: {  	s30 =	sld [smem:$0x0];
	_ =	sdelay $0x2  }
0xbc: {  	s31 =	sshll.u32 s1, $0xD;
	s1 =	sshrl.u32 s1, $0x2  }
0xbd: {  	s3 =	sand.u32 $0x4000, s31;
	s1 =	sadd.s32 s1, s30  }
0xbe: {  	s0 =	sor.u32 s3, s0;
	s1 =	sshll.u32 s1, $0x11  }
0xbf: {  	s0 =	sor.u32 s1, s0  }
0xc0: {  	s0 =	sadd.s32 $0x8F2B, s0  }
0xc1: {  	[sflag:s0] =	ssyncadd.remote.s32 $0x1  }
0xc2: {  	_ =	sfence.sel $0xFFFF  }
0xc3: {  	[dreg:$0x0] =	wrdreg $0xFFFFFFFF;
	(pc) =	sbr.abs _section_cstart, $3  }
0xc4: {  	[dreg:$0x1] =	wrdreg $0xFFFFFFFF  }
0xc5: {  	_ =	task.clear_ibuf [dreg:s9], $0x2FFFF;
	_ =	strace $0x9FFFFFFF  }
0xc6: {  	(tm) =	ssettm $0x7FFFFFFF  }
0xc7: {  	_ =	shalt  }
tec
execute0_lowered:
.L_overlay_start_1:
0x0: {  	(tag) =	ssettag $0x1  }
0x1: {  	s1 =	rddreg [dreg:$0x0]  }
0x2: {  	s2 =	rddreg [dreg:$0x1];
	s0 =	srdreg.scid  }
0x3: {  	s4 =	stileid.u32;
	s3 =	rddreg [dreg:$0x3]  }
0x4: {  	s5 =	simm.s32 $0x0;
	s13 =	simm.s32 $0x5;
	s14 =	simm.s32 $0xD0  }
0x5: {  	s15 =	simm.s32 $0x200;
	s16 =	simm.s32 $0x400;
	s17 =	simm.s32 $0x100  }
0x6: {  	s18 =	simm.s32 $0x300;
	s19 =	simm.s32 $0x6C00;
	s20 =	simm.s32 $0x1  }
0x7: {  	s21 =	simm.s32 $0xD400;
	s22 =	simm.s32 $0x2;
	s23 =	simm.s32 $0x4  }
0x8: {  	s24 =	simm.s32 $0x13800;
	s25 =	simm.s32 $0x3;
	s26 =	simm.s32 $0x0  }
0x9: {  	s0 =	sand.u32 $0x1, s0;
	s4 =	sshll.u32 s4, $0x1;
	[smem:$0x7FF] =	sst s5  }
0xa: {  	s6 =	sadd.s32 $0x400, s3;
	s4 =	sor.u32 s0, s4;
	s0 =	ssub.s32 $0x2, s0  }
0xb: {  	s8 =	smul.u32 $0xC80, s4;
	s31 =	sshrl.u32 s0, $0x1;
	s7 =	sshll.u32 s4, $0x7  }
0xc: {  	_ =	strace $0x80000047;
	s0 =	ssub.s32 s0, s31;
	s9 =	sor.u32 $0x2, s7  }
0xd: {  	s11 =	sor.u32 $0x1, s7;
	s8 =	sadd.s32 s1, s8;
	s10 =	smax.u32 s0, $0x1  }
.LBB2_1:
0xe: {  	s0 =	rddreg [dreg:$0x2];
	s3 =	simm.s32 $0x19C00  }
0xf: {  	[tilespmem:s3], [sflag:$0x5] =	stream.linear.gather [hbm4b:s0+s5], $0x6400, $0x38;
	v63 =	vld [tilespmem:$0x0]  }
0x10: {  	_ =	swait.ge [sflag:s13], $0x6400  }
0x11: {  	[sflag:s13] =	ssyncset.done $0x0  }
0x12: {  	[sflag:s13] =	ssyncadd.s32 $0xFFFF9C00  }
0x13: {  	[tilespmem:s5], [sflag:$0x5] =	stream.linear.gather [hbm4b:s8+s5], $0xC8, $0x38;
	v63 =	vld [tilespmem:$0x0]  }
0x14: {  	_ =	swait.ge [sflag:s13], $0xC8  }
0x15: {  	[sflag:s13] =	ssyncset.done $0x0  }
0x16: {  	[sflag:s13] =	ssyncadd.s32 $0xFFFFFF38  }
0x17: {  	v0 =	vld [tilespmem:$0x0]  }
0x18: {  	v1 =	vld [tilespmem:$0x10]  }
0x19: {  	v2 =	vld [tilespmem:$0x20]  }
0x1a: {  	v3 =	vld [tilespmem:$0x30]  }
0x1b: {  	v5 =	vld [tilespmem:$0x40]  }
0x1c: {  	v28 =	vld [tilespmem:$0x50]  }
0x1d: {  	v7 =	vld [tilespmem:$0x60]  }
0x1e: {  	v8 =	vld [tilespmem:$0x70]  }
0x1f: {  	v9 =	vld [tilespmem:$0x80]  }
0x20: {  	v10 =	vld [tilespmem:$0x90];
	vm0 =	vgt.s32 v0, $0x7A3FF;
	v4 =	vadd.s32 $0xFFF85C00, v0;
	vm1 =	vgt.s32 v1, $0x7A3FF  }
0x21: {  	v11 =	vld [tilespmem:$0xA0];
	v6 =	vadd.s32 $0xFFF85C00, v1;
	vm5 =	vgt.s32 v2, $0x7A3FF;
	v29 =	vadd.s32 $0xFFF85C00, v2  }
0x22: {  	v12 =	vld [tilespmem:$0xB0];
	vm6 =	vgt.s32 v3, $0x7A3FF;
	v30 =	vadd.s32 $0xFFF85C00, v3;
	vm7 =	vgt.s32 v5, $0x7A3FF  }
0x23: {  	v13 =	vld [tilespmem:$0xC0];
	v31 =	vadd.s32 $0xFFF85C00, v5;
	vm8 =	vgt.s32 v28, $0x7A3FF;
	v32 =	vadd.s32 $0xFFF85C00, v28  }
0x24: {  	vm9 =	vgt.s32 v7, $0x7A3FF;
	v33 =	vadd.s32 $0xFFF85C00, v7;
	vm10 =	vgt.s32 v8, $0x7A3FF  }
0x25: {  	v34 =	vadd.s32 $0xFFF85C00, v8;
	vm11 =	vgt.s32 v9, $0x7A3FF;
	v35 =	vadd.s32 $0xFFF85C00, v9  }
0x26: {  	vm12 =	vgt.s32 v10, $0x7A3FF;
	v36 =	vadd.s32 $0xFFF85C00, v10;
	vm13 =	vgt.s32 v11, $0x7A3FF  }
0x27: {  	v37 =	vadd.s32 $0xFFF85C00, v11;
	vm14 =	vgt.s32 v12, $0x7A3FF;
	v38 =	vadd.s32 $0xFFF85C00, v12  }
0x28: {  	vm15 =	vgt.s32 v13, $0x7A3FF;
	v39 =	vadd.s32 $0xFFF85C00, v13;
	v0 =	vsel vm0, v4, v0  }
0x29: {  	v1 =	vsel vm1, v6, v1;
	v2 =	vsel vm5, v29, v2;
	v3 =	vsel vm6, v30, v3  }
0x2a: {  	v5 =	vsel vm7, v31, v5;
	v4 =	vsel vm8, v32, v28;
	v6 =	vsel vm9, v33, v7  }
0x2b: {  	v7 =	vsel vm10, v34, v8;
	v8 =	vsel vm11, v35, v9;
	v9 =	vsel vm12, v36, v10  }
0x2c: {  	v10 =	vsel vm13, v37, v11;
	v11 =	vsel vm14, v38, v12;
	vm0 =	vgt.s32 v0, $0x0  }
0x2d: {  	v12 =	vsel vm15, v39, v13;
	vm4 =	vgt.s32 v1, $0x0;
	v0 =	vnsel vm0, $0x0, v0  }
0x2e: {  	vm5 =	vgt.s32 v2, $0x0;
	v1 =	vnsel vm4, $0x0, v1;
	v0 =	vmin.u32 v0, $0x7A3FF  }
0x2f: {  	vm6 =	vgt.s32 v3, $0x0;
	v41 =	vnsel vm5, $0x0, v2;
	v40 =	vmin.u32 v1, $0x7A3FF;
	[tilespmem:$0x200] =	vst v0  }
0x30: {  	vm7 =	vgt.s32 v5, $0x0;
	v43 =	vnsel vm6, $0x0, v3;
	v42 =	vmin.u32 v41, $0x7A3FF;
	[tilespmem:$0x210] =	vst v40  }
0x31: {  	vm8 =	vgt.s32 v4, $0x0;
	v45 =	vnsel vm7, $0x0, v5;
	v44 =	vmin.u32 v43, $0x7A3FF;
	[tilespmem:$0x220] =	vst v42  }
0x32: {  	vm9 =	vgt.s32 v6, $0x0;
	v47 =	vnsel vm8, $0x0, v4;
	v46 =	vmin.u32 v45, $0x7A3FF;
	[tilespmem:$0x230] =	vst v44  }
0x33: {  	vm10 =	vgt.s32 v7, $0x0;
	v49 =	vnsel vm9, $0x0, v6;
	v48 =	vmin.u32 v47, $0x7A3FF;
	[tilespmem:$0x240] =	vst v46  }
0x34: {  	vm11 =	vgt.s32 v8, $0x0;
	v51 =	vnsel vm10, $0x0, v7;
	v50 =	vmin.u32 v49, $0x7A3FF;
	[tilespmem:$0x250] =	vst v48  }
0x35: {  	vm12 =	vgt.s32 v9, $0x0;
	v53 =	vnsel vm11, $0x0, v8;
	v52 =	vmin.u32 v51, $0x7A3FF;
	[tilespmem:$0x260] =	vst v50  }
0x36: {  	vm13 =	vgt.s32 v10, $0x0;
	v55 =	vnsel vm12, $0x0, v9;
	v54 =	vmin.u32 v53, $0x7A3FF;
	[tilespmem:$0x270] =	vst v52  }
0x37: {  	vm14 =	vgt.s32 v11, $0x0;
	v57 =	vnsel vm13, $0x0, v10;
	v56 =	vmin.u32 v55, $0x7A3FF;
	[tilespmem:$0x280] =	vst v54  }
0x38: {  	vm15 =	vgt.s32 v12, $0x0;
	v59 =	vnsel vm14, $0x0, v11;
	v58 =	vmin.u32 v57, $0x7A3FF;
	[tilespmem:$0x290] =	vst v56  }
0x39: {  	v61 =	vnsel vm15, $0x0, v12;
	v60 =	vmin.u32 v59, $0x7A3FF;
	[tilespmem:$0x2A0] =	vst v58  }
0x3a: {  	v62 =	vmin.u32 v61, $0x7A3FF;
	[tilespmem:$0x2B0] =	vst v60  }
0x3b: {  	s28 =	simm.s32 $0x0;
	[tilespmem:$0x2C0] =	vst v62  }
0x3c: {  	[tilespmem:s16], [sflag:$0x1] =	stream.indirect.gather [hbm4b:s2+s14], $0x80, s15, s14, $0xb8;
	v63 =	vld [tilespmem:$0x0]  }
.LBB2_2:
0x3d: {  	s30 =	sshll.u32 s28, $0x1  }
0x3e: {  	s29 =	sor.u32 s11, s30  }
0x3f: {  	s0 =	smul.u32 $0x19, s29;
	_ =	sdelay $0x1  }
0x40: {  	s0 =	sadd.s32 s1, s0  }
0x41: {  	[tilespmem:s17], [sflag:$0x5] =	stream.linear.gather [hbm4b:s0+s5], $0xC8, $0x38;
	v63 =	vld [tilespmem:$0x0]  }
0x42: {  	_ =	swait.ge [sflag:s13], $0xC8  }
0x43: {  	[sflag:s13] =	ssyncset.done $0x0  }
0x44: {  	[sflag:s13] =	ssyncadd.s32 $0xFFFFFF38  }
0x45: {  	v0 =	vld [tilespmem:$0x100]  }
0x46: {  	v1 =	vld [tilespmem:$0x110]  }
0x47: {  	v2 =	vld [tilespmem:$0x120]  }
0x48: {  	v3 =	vld [tilespmem:$0x130]  }
0x49: {  	v5 =	vld [tilespmem:$0x140]  }
0x4a: {  	v28 =	vld [tilespmem:$0x150]  }
0x4b: {  	v7 =	vld [tilespmem:$0x160]  }
0x4c: {  	v8 =	vld [tilespmem:$0x170]  }
0x4d: {  	v9 =	vld [tilespmem:$0x180]  }
0x4e: {  	v10 =	vld [tilespmem:$0x190];
	vm0 =	vgt.s32 v0, $0x7A3FF;
	v4 =	vadd.s32 $0xFFF85C00, v0;
	vm1 =	vgt.s32 v1, $0x7A3FF  }
0x4f: {  	v11 =	vld [tilespmem:$0x1A0];
	v6 =	vadd.s32 $0xFFF85C00, v1;
	vm5 =	vgt.s32 v2, $0x7A3FF;
	v29 =	vadd.s32 $0xFFF85C00, v2  }
0x50: {  	v12 =	vld [tilespmem:$0x1B0];
	vm6 =	vgt.s32 v3, $0x7A3FF;
	v30 =	vadd.s32 $0xFFF85C00, v3;
	vm7 =	vgt.s32 v5, $0x7A3FF  }
0x51: {  	v13 =	vld [tilespmem:$0x1C0];
	v31 =	vadd.s32 $0xFFF85C00, v5;
	vm8 =	vgt.s32 v28, $0x7A3FF;
	v32 =	vadd.s32 $0xFFF85C00, v28  }
0x52: {  	vm9 =	vgt.s32 v7, $0x7A3FF;
	v33 =	vadd.s32 $0xFFF85C00, v7;
	vm10 =	vgt.s32 v8, $0x7A3FF  }
0x53: {  	v34 =	vadd.s32 $0xFFF85C00, v8;
	vm11 =	vgt.s32 v9, $0x7A3FF;
	v35 =	vadd.s32 $0xFFF85C00, v9  }
0x54: {  	vm12 =	vgt.s32 v10, $0x7A3FF;
	v36 =	vadd.s32 $0xFFF85C00, v10;
	vm13 =	vgt.s32 v11, $0x7A3FF  }
0x55: {  	v37 =	vadd.s32 $0xFFF85C00, v11;
	vm14 =	vgt.s32 v12, $0x7A3FF;
	v38 =	vadd.s32 $0xFFF85C00, v12  }
0x56: {  	vm15 =	vgt.s32 v13, $0x7A3FF;
	v39 =	vadd.s32 $0xFFF85C00, v13;
	v0 =	vsel vm0, v4, v0  }
0x57: {  	v1 =	vsel vm1, v6, v1;
	v2 =	vsel vm5, v29, v2;
	v3 =	vsel vm6, v30, v3  }
0x58: {  	v5 =	vsel vm7, v31, v5;
	v4 =	vsel vm8, v32, v28;
	v6 =	vsel vm9, v33, v7  }
0x59: {  	v7 =	vsel vm10, v34, v8;
	v8 =	vsel vm11, v35, v9;
	v9 =	vsel vm12, v36, v10  }
0x5a: {  	v10 =	vsel vm13, v37, v11;
	v11 =	vsel vm14, v38, v12;
	vm0 =	vgt.s32 v0, $0x0  }
0x5b: {  	v12 =	vsel vm15, v39, v13;
	vm4 =	vgt.s32 v1, $0x0;
	v0 =	vnsel vm0, $0x0, v0  }
0x5c: {  	vm5 =	vgt.s32 v2, $0x0;
	v1 =	vnsel vm4, $0x0, v1;
	v0 =	vmin.u32 v0, $0x7A3FF  }
0x5d: {  	vm6 =	vgt.s32 v3, $0x0;
	v41 =	vnsel vm5, $0x0, v2;
	v40 =	vmin.u32 v1, $0x7A3FF;
	[tilespmem:$0x300] =	vst v0  }
0x5e: {  	vm7 =	vgt.s32 v5, $0x0;
	v43 =	vnsel vm6, $0x0, v3;
	v42 =	vmin.u32 v41, $0x7A3FF;
	[tilespmem:$0x310] =	vst v40  }
0x5f: {  	vm8 =	vgt.s32 v4, $0x0;
	v45 =	vnsel vm7, $0x0, v5;
	v44 =	vmin.u32 v43, $0x7A3FF;
	[tilespmem:$0x320] =	vst v42  }
0x60: {  	vm9 =	vgt.s32 v6, $0x0;
	v47 =	vnsel vm8, $0x0, v4;
	v46 =	vmin.u32 v45, $0x7A3FF;
	[tilespmem:$0x330] =	vst v44  }
0x61: {  	vm10 =	vgt.s32 v7, $0x0;
	v49 =	vnsel vm9, $0x0, v6;
	v48 =	vmin.u32 v47, $0x7A3FF;
	[tilespmem:$0x340] =	vst v46  }
0x62: {  	vm11 =	vgt.s32 v8, $0x0;
	v51 =	vnsel vm10, $0x0, v7;
	v50 =	vmin.u32 v49, $0x7A3FF;
	[tilespmem:$0x350] =	vst v48  }
0x63: {  	vm12 =	vgt.s32 v9, $0x0;
	v53 =	vnsel vm11, $0x0, v8;
	v52 =	vmin.u32 v51, $0x7A3FF;
	[tilespmem:$0x360] =	vst v50  }
0x64: {  	vm13 =	vgt.s32 v10, $0x0;
	v55 =	vnsel vm12, $0x0, v9;
	v54 =	vmin.u32 v53, $0x7A3FF;
	[tilespmem:$0x370] =	vst v52  }
0x65: {  	vm14 =	vgt.s32 v11, $0x0;
	v57 =	vnsel vm13, $0x0, v10;
	v56 =	vmin.u32 v55, $0x7A3FF;
	[tilespmem:$0x380] =	vst v54  }
0x66: {  	vm15 =	vgt.s32 v12, $0x0;
	v59 =	vnsel vm14, $0x0, v11;
	v58 =	vmin.u32 v57, $0x7A3FF;
	[tilespmem:$0x390] =	vst v56  }
0x67: {  	v61 =	vnsel vm15, $0x0, v12;
	v60 =	vmin.u32 v59, $0x7A3FF;
	[tilespmem:$0x3A0] =	vst v58  }
0x68: {  	v62 =	vmin.u32 v61, $0x7A3FF;
	[tilespmem:$0x3B0] =	vst v60  }
0x69: {  	[tilespmem:$0x3C0] =	vst v62  }
0x6a: {  	[tilespmem:s19], [sflag:$0x2] =	stream.indirect.gather [hbm4b:s2+s14], $0x80, s18, s14, $0xb8;
	v63 =	vld [tilespmem:$0x0]  }
0x6b: {  	_ =	swait.ge [sflag:s20], $0x6800  }
0x6c: {  	p0 =	seq.s32 s28, $0x0;
	[sflag:s20] =	ssyncset.done $0x0  }
0x6d: {  	s0 =	simm.s32 @!p0 $0x3;
	[sflag:s20] =	ssyncadd.s32 $0xFFFF9800  }
0x6e: {  	_ =	swait.ge @!p0 [sflag:s0], $0x6400  }
0x6f: {  	s31 =	simm.s32 $0xFFFFFFFC;
	[sflag:s0] =	ssyncset.done @!p0 $0x0  }
0x70: {  	s3 =	simm.s32 $0x0;
	[sflag:s0] =	ssyncadd.s32 @!p0 $0xFFFF9C00;
	s0 =	simm.s32 $0x4  }
.LBB2_3:
0x71: {  	v0 =	vld [tilespmem:s0+$0xFFFFFFFC];
	_ =	sdelay $0x4  }
0x72: {  	(v2sf) =	vpush v0, $0x0;
	_ =	sdelay $0xe  }
0x73: {  	s4 =	spop (v2sf)  }
0x74: {  	s12 =	simm.s32 $0x40;
	p1 =	sgt.s32 s4, $0x7A3FF  }
0x75: {  	s4 =	sshra.s32 s3, $0x2;
	s12 =	simm.s32 @!p1 $0x0  }
0x76: {  	v2 =	vld [tilespmem:s4+$0x19C00];
	s12 =	sadd.s32 s4, s12  }
0x77: {  	v1 =	vld [tilespmem:s12+$0x400];
	_ =	sdelay $0x4  }
0x78: {  	v1 =	vadd.f32 v2, v1;
	_ =	sdelay $0x1  }
0x79: {  	v25 =	vld [tilespmem:s4+$0x19C10];
	[tilespmem:s4+$0xD400] =	vst v1  }
0x7a: {  	v1 =	vld [tilespmem:s12+$0x410];
	_ =	sdelay $0x4  }
0x7b: {  	(v2sf) =	vpush v0, $0x1;
	v1 =	vadd.f32 v25, v1;
	_ =	sdelay $0x1  }
0x7c: {  	v27 =	vld [tilespmem:s4+$0x19C20];
	[tilespmem:s4+$0xD410] =	vst v1  }
0x7d: {  	v26 =	vld [tilespmem:s12+$0x420];
	_ =	sdelay $0x4  }
0x7e: {  	v0 =	vadd.f32 v27, v26;
	_ =	sdelay $0x1  }
0x7f: {  	v28 =	vld [tilespmem:s4+$0x19C30];
	[tilespmem:s4+$0xD420] =	vst v0  }
0x80: {  	v0 =	vld [tilespmem:s12+$0x430];
	_ =	sdelay $0x3  }
0x81: {  	s12 =	spop (v2sf)  }
0x82: {  	p1 =	sgt.s32 s12, $0x7A3FF;
	s12 =	simm.s32 $0x40;
	v0 =	vadd.f32 v28, v0  }
0x83: {  	s12 =	simm.s32 @!p1 $0x0  }
0x84: {  	v29 =	vld [tilespmem:s4+$0x19C80];
	s12 =	sadd.s32 s4, s12;
	[tilespmem:s4+$0xD430] =	vst v0  }
0x85: {  	v0 =	vld [tilespmem:s12+$0x480];
	_ =	sdelay $0x4  }
0x86: {  	v0 =	vadd.f32 v29, v0;
	_ =	sdelay $0x1  }
0x87: {  	v30 =	vld [tilespmem:s4+$0x19C90];
	[tilespmem:s4+$0xD480] =	vst v0  }
0x88: {  	v0 =	vld [tilespmem:s12+$0x490];
	_ =	sdelay $0x4  }
0x89: {  	v0 =	vadd.f32 v30, v0;
	_ =	sdelay $0x1  }
0x8a: {  	v31 =	vld [tilespmem:s4+$0x19CA0];
	[tilespmem:s4+$0xD490] =	vst v0  }
0x8b: {  	v0 =	vld [tilespmem:s12+$0x4A0];
	_ =	sdelay $0x4  }
0x8c: {  	v0 =	vadd.f32 v31, v0;
	_ =	sdelay $0x1  }
0x8d: {  	v32 =	vld [tilespmem:s4+$0x19CB0];
	[tilespmem:s4+$0xD4A0] =	vst v0  }
0x8e: {  	v0 =	vld [tilespmem:s12+$0x4B0];
	_ =	sdelay $0x4  }
0x8f: {  	v0 =	vadd.f32 v32, v0;
	_ =	sdelay $0x1  }
0x90: {  	[tilespmem:s4+$0xD4B0] =	vst v0  }
0x91: {  	v0 =	vld [tilespmem:s0+$0xFFFFFFFE];
	_ =	sdelay $0x4  }
0x92: {  	(v2sf) =	vpush v0, $0x0;
	_ =	sdelay $0xe  }
0x93: {  	s12 =	spop (v2sf)  }
0x94: {  	p1 =	sgt.s32 s12, $0x7A3FF;
	s12 =	simm.s32 $0x40  }
0x95: {  	s12 =	simm.s32 @!p1 $0x0  }
0x96: {  	v34 =	vld [tilespmem:s4+$0x19D00];
	s12 =	sadd.s32 s4, s12  }
0x97: {  	v33 =	vld [tilespmem:s12+$0x500];
	_ =	sdelay $0x4  }
0x98: {  	v1 =	vadd.f32 v34, v33;
	_ =	sdelay $0x1  }
0x99: {  	v35 =	vld [tilespmem:s4+$0x19D10];
	[tilespmem:s4+$0xD500] =	vst v1  }
0x9a: {  	v1 =	vld [tilespmem:s12+$0x510];
	_ =	sdelay $0x4  }
0x9b: {  	(v2sf) =	vpush v0, $0x1;
	v1 =	vadd.f32 v35, v1;
	_ =	sdelay $0x1  }
0x9c: {  	v37 =	vld [tilespmem:s4+$0x19D20];
	[tilespmem:s4+$0xD510] =	vst v1  }
0x9d: {  	v36 =	vld [tilespmem:s12+$0x520];
	_ =	sdelay $0x4  }
0x9e: {  	v0 =	vadd.f32 v37, v36;
	_ =	sdelay $0x1  }
0x9f: {  	v38 =	vld [tilespmem:s4+$0x19D30];
	[tilespmem:s4+$0xD520] =	vst v0  }
0xa0: {  	v0 =	vld [tilespmem:s12+$0x530];
	_ =	sdelay $0x3  }
0xa1: {  	s12 =	spop (v2sf)  }
0xa2: {  	p1 =	sgt.s32 s12, $0x7A3FF;
	s12 =	simm.s32 $0x40;
	v0 =	vadd.f32 v38, v0  }
0xa3: {  	s12 =	simm.s32 @!p1 $0x0  }
0xa4: {  	v39 =	vld [tilespmem:s4+$0x19D80];
	s12 =	sadd.s32 s4, s12;
	[tilespmem:s4+$0xD530] =	vst v0  }
0xa5: {  	v0 =	vld [tilespmem:s12+$0x580];
	_ =	sdelay $0x4  }
0xa6: {  	v0 =	vadd.f32 v39, v0;
	_ =	sdelay $0x1  }
0xa7: {  	v40 =	vld [tilespmem:s4+$0x19D90];
	[tilespmem:s4+$0xD580] =	vst v0  }
0xa8: {  	v0 =	vld [tilespmem:s12+$0x590];
	_ =	sdelay $0x4  }
0xa9: {  	v0 =	vadd.f32 v40, v0;
	_ =	sdelay $0x1  }
0xaa: {  	v41 =	vld [tilespmem:s4+$0x19DA0];
	[tilespmem:s4+$0xD590] =	vst v0  }
0xab: {  	v0 =	vld [tilespmem:s12+$0x5A0];
	_ =	sdelay $0x4  }
0xac: {  	v0 =	vadd.f32 v41, v0;
	_ =	sdelay $0x1  }
0xad: {  	v42 =	vld [tilespmem:s4+$0x19DB0];
	[tilespmem:s4+$0xD5A0] =	vst v0  }
0xae: {  	v0 =	vld [tilespmem:s12+$0x5B0];
	_ =	sdelay $0x4  }
0xaf: {  	v0 =	vadd.f32 v42, v0;
	_ =	sdelay $0x1  }
0xb0: {  	[tilespmem:s4+$0xD5B0] =	vst v0  }
0xb1: {  	v0 =	vld [tilespmem:s0+$0x0];
	_ =	sdelay $0x4  }
0xb2: {  	(v2sf) =	vpush v0, $0x0;
	_ =	sdelay $0xe  }
0xb3: {  	s12 =	spop (v2sf)  }
0xb4: {  	p1 =	sgt.s32 s12, $0x7A3FF;
	s12 =	simm.s32 $0x40  }
0xb5: {  	s12 =	simm.s32 @!p1 $0x0  }
0xb6: {  	v44 =	vld [tilespmem:s4+$0x19E00];
	s12 =	sadd.s32 s4, s12  }
0xb7: {  	v43 =	vld [tilespmem:s12+$0x600];
	_ =	sdelay $0x4  }
0xb8: {  	v1 =	vadd.f32 v44, v43;
	_ =	sdelay $0x1  }
0xb9: {  	v45 =	vld [tilespmem:s4+$0x19E10];
	[tilespmem:s4+$0xD600] =	vst v1  }
0xba: {  	v1 =	vld [tilespmem:s12+$0x610];
	_ =	sdelay $0x4  }
0xbb: {  	(v2sf) =	vpush v0, $0x1;
	v1 =	vadd.f32 v45, v1;
	_ =	sdelay $0x1  }
0xbc: {  	v47 =	vld [tilespmem:s4+$0x19E20];
	[tilespmem:s4+$0xD610] =	vst v1  }
0xbd: {  	v46 =	vld [tilespmem:s12+$0x620];
	_ =	sdelay $0x4  }
0xbe: {  	v0 =	vadd.f32 v47, v46;
	_ =	sdelay $0x1  }
0xbf: {  	v48 =	vld [tilespmem:s4+$0x19E30];
	[tilespmem:s4+$0xD620] =	vst v0  }
0xc0: {  	v0 =	vld [tilespmem:s12+$0x630];
	_ =	sdelay $0x3  }
0xc1: {  	s12 =	spop (v2sf)  }
0xc2: {  	p1 =	sgt.s32 s12, $0x7A3FF;
	s12 =	simm.s32 $0x40;
	v0 =	vadd.f32 v48, v0  }
0xc3: {  	s12 =	simm.s32 @!p1 $0x0  }
0xc4: {  	v49 =	vld [tilespmem:s4+$0x19E80];
	s12 =	sadd.s32 s4, s12;
	[tilespmem:s4+$0xD630] =	vst v0  }
0xc5: {  	v0 =	vld [tilespmem:s12+$0x680];
	_ =	sdelay $0x4  }
0xc6: {  	v0 =	vadd.f32 v49, v0;
	_ =	sdelay $0x1  }
0xc7: {  	v50 =	vld [tilespmem:s4+$0x19E90];
	[tilespmem:s4+$0xD680] =	vst v0  }
0xc8: {  	v0 =	vld [tilespmem:s12+$0x690];
	_ =	sdelay $0x4  }
0xc9: {  	v0 =	vadd.f32 v50, v0;
	_ =	sdelay $0x1  }
0xca: {  	v51 =	vld [tilespmem:s4+$0x19EA0];
	[tilespmem:s4+$0xD690] =	vst v0  }
0xcb: {  	v0 =	vld [tilespmem:s12+$0x6A0];
	_ =	sdelay $0x4  }
0xcc: {  	v0 =	vadd.f32 v51, v0;
	_ =	sdelay $0x1  }
0xcd: {  	v52 =	vld [tilespmem:s4+$0x19EB0];
	[tilespmem:s4+$0xD6A0] =	vst v0  }
0xce: {  	v0 =	vld [tilespmem:s12+$0x6B0];
	_ =	sdelay $0x4  }
0xcf: {  	v0 =	vadd.f32 v52, v0;
	_ =	sdelay $0x1  }
0xd0: {  	[tilespmem:s4+$0xD6B0] =	vst v0  }
0xd1: {  	v0 =	vld [tilespmem:s0+$0x2];
	_ =	sdelay $0x4  }
0xd2: {  	(v2sf) =	vpush v0, $0x0;
	_ =	sdelay $0xe  }
0xd3: {  	s12 =	spop (v2sf)  }
0xd4: {  	p1 =	sgt.s32 s12, $0x7A3FF;
	s12 =	simm.s32 $0x40  }
0xd5: {  	s12 =	simm.s32 @!p1 $0x0  }
0xd6: {  	v54 =	vld [tilespmem:s4+$0x19F00];
	s12 =	sadd.s32 s4, s12  }
0xd7: {  	v53 =	vld [tilespmem:s12+$0x700];
	_ =	sdelay $0x4  }
0xd8: {  	v1 =	vadd.f32 v54, v53;
	_ =	sdelay $0x1  }
0xd9: {  	v55 =	vld [tilespmem:s4+$0x19F10];
	[tilespmem:s4+$0xD700] =	vst v1  }
0xda: {  	v1 =	vld [tilespmem:s12+$0x710];
	_ =	sdelay $0x4  }
0xdb: {  	(v2sf) =	vpush v0, $0x1;
	v1 =	vadd.f32 v55, v1;
	_ =	sdelay $0x1  }
0xdc: {  	v57 =	vld [tilespmem:s4+$0x19F20];
	[tilespmem:s4+$0xD710] =	vst v1  }
0xdd: {  	v56 =	vld [tilespmem:s12+$0x720];
	_ =	sdelay $0x4  }
0xde: {  	v0 =	vadd.f32 v57, v56;
	_ =	sdelay $0x1  }
0xdf: {  	v58 =	vld [tilespmem:s4+$0x19F30];
	[tilespmem:s4+$0xD720] =	vst v0  }
0xe0: {  	v0 =	vld [tilespmem:s12+$0x730];
	_ =	sdelay $0x3  }
0xe1: {  	s12 =	spop (v2sf)  }
0xe2: {  	p1 =	sgt.s32 s12, $0x7A3FF;
	s12 =	simm.s32 $0x40;
	v0 =	vadd.f32 v58, v0  }
0xe3: {  	s12 =	simm.s32 @!p1 $0x0  }
0xe4: {  	v59 =	vld [tilespmem:s4+$0x19F80];
	s12 =	sadd.s32 s4, s12;
	[tilespmem:s4+$0xD730] =	vst v0  }
0xe5: {  	v0 =	vld [tilespmem:s12+$0x780];
	_ =	sdelay $0x4  }
0xe6: {  	v0 =	vadd.f32 v59, v0;
	_ =	sdelay $0x1  }
0xe7: {  	v60 =	vld [tilespmem:s4+$0x19F90];
	[tilespmem:s4+$0xD780] =	vst v0  }
0xe8: {  	v0 =	vld [tilespmem:s12+$0x790];
	_ =	sdelay $0x4  }
0xe9: {  	v0 =	vadd.f32 v60, v0;
	_ =	sdelay $0x1  }
0xea: {  	v61 =	vld [tilespmem:s4+$0x19FA0];
	[tilespmem:s4+$0xD790] =	vst v0  }
0xeb: {  	v0 =	vld [tilespmem:s12+$0x7A0];
	_ =	sdelay $0x4  }
0xec: {  	v0 =	vadd.f32 v61, v0;
	_ =	sdelay $0x1  }
0xed: {  	v62 =	vld [tilespmem:s4+$0x19FB0];
	[tilespmem:s4+$0xD7A0] =	vst v0  }
0xee: {  	v0 =	vld [tilespmem:s12+$0x7B0]  }
0xef: {  	s31 =	sadd.s32 $0x4, s31  }
0xf0: {  	p1 =	slt.u32 s31, $0x60  }
.Ltmp0:
0xf1: {  	_ = 	snop;
	(pc) =	sbr.rel @p1 .LBB2_3-.Ltmp0, $3  }
0xf2: {  	_ = 	snop  }
0xf3: {  	v0 =	vadd.f32 v62, v0;
	_ =	sdelay $0x1  }
0xf4: {  	s3 =	sadd.s32 $0x1000, s3;
	s0 =	sadd.s32 $0x8, s0;
	[tilespmem:s4+$0xD7B0] =	vst v0  }
0xf5: {  	p1 =	sne.s32 s28, $0x3F  }
.Ltmp1:
0xf6: {  	s0 =	sadd.s32 s7, s30;
	(pc) =	sbr.rel @p1 .LBB2_6-.Ltmp1, $3  }
0xf7: {  	s0 =	smul.u32 $0xC80, s0;
	_ =	sdelay $0x1  }
0xf8: {  	s0 =	sadd.s32 s6, s0  }
0xf9: {  	[hbm4b:s0+s5] =	stream.linear.scatter [tilespmem:s21], [sflag:$0x3], $0x6400, $0x38;
	v63 =	vld [tilespmem:$0x0]  }
.Ltmp2:
0xfa: {  	(pc) =	sbr.rel .LBB2_7-.Ltmp2, $4  }
0xfb: {  	_ = 	snop  }
0xfc: {  	_ =	swait.ge [sflag:s22], $0x6800  }
0xfd: {  	[sflag:s22] =	ssyncset.done $0x0  }
0xfe: {  	[sflag:s22] =	ssyncadd.s32 $0xFFFF9800  }
.LBB2_6:
0xff: {  	s0 =	sadd.s32 s30, s9  }
0x100: {  	s0 =	smul.u32 $0x19, s0;
	_ =	sdelay $0x1  }
0x101: {  	s0 =	sadd.s32 s1, s0  }
0x102: {  	[tilespmem:s5], [sflag:$0x5] =	stream.linear.gather [hbm4b:s0+s5], $0xC8, $0x38;
	v63 =	vld [tilespmem:$0x0]  }
0x103: {  	_ =	swait.ge [sflag:s13], $0xC8  }
0x104: {  	[sflag:s13] =	ssyncset.done $0x0  }
0x105: {  	[sflag:s13] =	ssyncadd.s32 $0xFFFFFF38  }
0x106: {  	v0 =	vld [tilespmem:$0x0]  }
0x107: {  	v1 =	vld [tilespmem:$0x10]  }
0x108: {  	v2 =	vld [tilespmem:$0x20]  }
0x109: {  	v3 =	vld [tilespmem:$0x30]  }
0x10a: {  	v5 =	vld [tilespmem:$0x40]  }
0x10b: {  	v28 =	vld [tilespmem:$0x50]  }
0x10c: {  	v7 =	vld [tilespmem:$0x60]  }
0x10d: {  	v8 =	vld [tilespmem:$0x70]  }
0x10e: {  	v9 =	vld [tilespmem:$0x80]  }
0x10f: {  	v10 =	vld [tilespmem:$0x90];
	vm0 =	vgt.s32 v0, $0x7A3FF;
	v4 =	vadd.s32 $0xFFF85C00, v0;
	vm1 =	vgt.s32 v1, $0x7A3FF  }
0x110: {  	v11 =	vld [tilespmem:$0xA0];
	v6 =	vadd.s32 $0xFFF85C00, v1;
	vm5 =	vgt.s32 v2, $0x7A3FF;
	v29 =	vadd.s32 $0xFFF85C00, v2  }
0x111: {  	v12 =	vld [tilespmem:$0xB0];
	vm6 =	vgt.s32 v3, $0x7A3FF;
	v30 =	vadd.s32 $0xFFF85C00, v3;
	vm7 =	vgt.s32 v5, $0x7A3FF  }
0x112: {  	v13 =	vld [tilespmem:$0xC0];
	v31 =	vadd.s32 $0xFFF85C00, v5;
	vm8 =	vgt.s32 v28, $0x7A3FF;
	v32 =	vadd.s32 $0xFFF85C00, v28  }
0x113: {  	vm9 =	vgt.s32 v7, $0x7A3FF;
	v33 =	vadd.s32 $0xFFF85C00, v7;
	vm10 =	vgt.s32 v8, $0x7A3FF  }
0x114: {  	v34 =	vadd.s32 $0xFFF85C00, v8;
	vm11 =	vgt.s32 v9, $0x7A3FF;
	v35 =	vadd.s32 $0xFFF85C00, v9  }
0x115: {  	vm12 =	vgt.s32 v10, $0x7A3FF;
	v36 =	vadd.s32 $0xFFF85C00, v10;
	vm13 =	vgt.s32 v11, $0x7A3FF  }
0x116: {  	v37 =	vadd.s32 $0xFFF85C00, v11;
	vm14 =	vgt.s32 v12, $0x7A3FF;
	v38 =	vadd.s32 $0xFFF85C00, v12  }
0x117: {  	vm15 =	vgt.s32 v13, $0x7A3FF;
	v39 =	vadd.s32 $0xFFF85C00, v13;
	v0 =	vsel vm0, v4, v0  }
0x118: {  	v1 =	vsel vm1, v6, v1;
	v2 =	vsel vm5, v29, v2;
	v3 =	vsel vm6, v30, v3  }
0x119: {  	v5 =	vsel vm7, v31, v5;
	v4 =	vsel vm8, v32, v28;
	v6 =	vsel vm9, v33, v7  }
0x11a: {  	v7 =	vsel vm10, v34, v8;
	v8 =	vsel vm11, v35, v9;
	v9 =	vsel vm12, v36, v10  }
0x11b: {  	v10 =	vsel vm13, v37, v11;
	v11 =	vsel vm14, v38, v12;
	vm0 =	vgt.s32 v0, $0x0  }
0x11c: {  	v12 =	vsel vm15, v39, v13;
	vm4 =	vgt.s32 v1, $0x0;
	v0 =	vnsel vm0, $0x0, v0  }
0x11d: {  	vm5 =	vgt.s32 v2, $0x0;
	v1 =	vnsel vm4, $0x0, v1;
	v0 =	vmin.u32 v0, $0x7A3FF  }
0x11e: {  	vm6 =	vgt.s32 v3, $0x0;
	v41 =	vnsel vm5, $0x0, v2;
	v40 =	vmin.u32 v1, $0x7A3FF;
	[tilespmem:$0x200] =	vst v0  }
0x11f: {  	vm7 =	vgt.s32 v5, $0x0;
	v43 =	vnsel vm6, $0x0, v3;
	v42 =	vmin.u32 v41, $0x7A3FF;
	[tilespmem:$0x210] =	vst v40  }
0x120: {  	vm8 =	vgt.s32 v4, $0x0;
	v45 =	vnsel vm7, $0x0, v5;
	v44 =	vmin.u32 v43, $0x7A3FF;
	[tilespmem:$0x220] =	vst v42  }
0x121: {  	vm9 =	vgt.s32 v6, $0x0;
	v47 =	vnsel vm8, $0x0, v4;
	v46 =	vmin.u32 v45, $0x7A3FF;
	[tilespmem:$0x230] =	vst v44  }
0x122: {  	vm10 =	vgt.s32 v7, $0x0;
	v49 =	vnsel vm9, $0x0, v6;
	v48 =	vmin.u32 v47, $0x7A3FF;
	[tilespmem:$0x240] =	vst v46  }
0x123: {  	vm11 =	vgt.s32 v8, $0x0;
	v51 =	vnsel vm10, $0x0, v7;
	v50 =	vmin.u32 v49, $0x7A3FF;
	[tilespmem:$0x250] =	vst v48  }
0x124: {  	vm12 =	vgt.s32 v9, $0x0;
	v53 =	vnsel vm11, $0x0, v8;
	v52 =	vmin.u32 v51, $0x7A3FF;
	[tilespmem:$0x260] =	vst v50  }
0x125: {  	vm13 =	vgt.s32 v10, $0x0;
	v55 =	vnsel vm12, $0x0, v9;
	v54 =	vmin.u32 v53, $0x7A3FF;
	[tilespmem:$0x270] =	vst v52  }
0x126: {  	vm14 =	vgt.s32 v11, $0x0;
	v57 =	vnsel vm13, $0x0, v10;
	v56 =	vmin.u32 v55, $0x7A3FF;
	[tilespmem:$0x280] =	vst v54  }
0x127: {  	vm15 =	vgt.s32 v12, $0x0;
	v59 =	vnsel vm14, $0x0, v11;
	v58 =	vmin.u32 v57, $0x7A3FF;
	[tilespmem:$0x290] =	vst v56  }
0x128: {  	v61 =	vnsel vm15, $0x0, v12;
	v60 =	vmin.u32 v59, $0x7A3FF;
	[tilespmem:$0x2A0] =	vst v58  }
0x129: {  	v62 =	vmin.u32 v61, $0x7A3FF;
	[tilespmem:$0x2B0] =	vst v60  }
.Ltmp3:
0x12a: {  	[tilespmem:$0x2C0] =	vst v62;
	(pc) =	sbr.rel @p0 .LBB2_8-.Ltmp3, $4  }
0x12b: {  	[tilespmem:s16], [sflag:$0x1] =	stream.indirect.gather [hbm4b:s2+s14], $0x80, s15, s14, $0xb8;
	v63 =	vld [tilespmem:$0x0]  }
0x12c: {  	_ =	swait.ge [sflag:s22], $0x6800  }
0x12d: {  	[sflag:s22] =	ssyncset.done $0x0  }
0x12e: {  	[sflag:s22] =	ssyncadd.s32 $0xFFFF9800  }
.LBB2_7:
0x12f: {  	_ =	swait.ge [sflag:s23], $0x6400  }
0x130: {  	[sflag:s23] =	ssyncset.done $0x0  }
0x131: {  	[sflag:s23] =	ssyncadd.s32 $0xFFFF9C00  }
.LBB2_8:
0x132: {  	s28 =	sadd.s32 $0x1, s28  }
0x133: {  	s30 =	simm.s32 $0xFFFFFFFC;
	s3 =	simm.s32 $0x0;
	s0 =	simm.s32 $0x104  }
.LBB2_9:
0x134: {  	v0 =	vld [tilespmem:s0+$0xFFFFFFFC];
	_ =	sdelay $0x4  }
0x135: {  	(v2sf) =	vpush v0, $0x0;
	_ =	sdelay $0xe  }
0x136: {  	s4 =	spop (v2sf)  }
0x137: {  	s12 =	simm.s32 $0x40;
	p0 =	sgt.s32 s4, $0x7A3FF  }
0x138: {  	s4 =	sshra.s32 s3, $0x2;
	s12 =	simm.s32 @!p0 $0x0  }
0x139: {  	v2 =	vld [tilespmem:s4+$0x19C00];
	s12 =	sadd.s32 s4, s12  }
0x13a: {  	v1 =	vld [tilespmem:s12+$0x6C00];
	_ =	sdelay $0x4  }
0x13b: {  	v1 =	vadd.f32 v2, v1;
	_ =	sdelay $0x1  }
0x13c: {  	v25 =	vld [tilespmem:s4+$0x19C10];
	[tilespmem:s4+$0x13800] =	vst v1  }
0x13d: {  	v1 =	vld [tilespmem:s12+$0x6C10];
	_ =	sdelay $0x4  }
0x13e: {  	(v2sf) =	vpush v0, $0x1;
	v1 =	vadd.f32 v25, v1;
	_ =	sdelay $0x1  }
0x13f: {  	v27 =	vld [tilespmem:s4+$0x19C20];
	[tilespmem:s4+$0x13810] =	vst v1  }
0x140: {  	v26 =	vld [tilespmem:s12+$0x6C20];
	_ =	sdelay $0x4  }
0x141: {  	v0 =	vadd.f32 v27, v26;
	_ =	sdelay $0x1  }
0x142: {  	v28 =	vld [tilespmem:s4+$0x19C30];
	[tilespmem:s4+$0x13820] =	vst v0  }
0x143: {  	v0 =	vld [tilespmem:s12+$0x6C30];
	_ =	sdelay $0x3  }
0x144: {  	s31 =	spop (v2sf)  }
0x145: {  	p0 =	sgt.s32 s31, $0x7A3FF;
	s12 =	simm.s32 $0x40;
	v0 =	vadd.f32 v28, v0  }
0x146: {  	s12 =	simm.s32 @!p0 $0x0  }
0x147: {  	v29 =	vld [tilespmem:s4+$0x19C80];
	s12 =	sadd.s32 s4, s12;
	[tilespmem:s4+$0x13830] =	vst v0  }
0x148: {  	v0 =	vld [tilespmem:s12+$0x6C80];
	_ =	sdelay $0x4  }
0x149: {  	v0 =	vadd.f32 v29, v0;
	_ =	sdelay $0x1  }
0x14a: {  	v30 =	vld [tilespmem:s4+$0x19C90];
	[tilespmem:s4+$0x13880] =	vst v0  }
0x14b: {  	v0 =	vld [tilespmem:s12+$0x6C90];
	_ =	sdelay $0x4  }
0x14c: {  	v0 =	vadd.f32 v30, v0;
	_ =	sdelay $0x1  }
0x14d: {  	v31 =	vld [tilespmem:s4+$0x19CA0];
	[tilespmem:s4+$0x13890] =	vst v0  }
0x14e: {  	v0 =	vld [tilespmem:s12+$0x6CA0];
	_ =	sdelay $0x4  }
0x14f: {  	v0 =	vadd.f32 v31, v0;
	_ =	sdelay $0x1  }
0x150: {  	v32 =	vld [tilespmem:s4+$0x19CB0];
	[tilespmem:s4+$0x138A0] =	vst v0  }
0x151: {  	v0 =	vld [tilespmem:s12+$0x6CB0];
	_ =	sdelay $0x4  }
0x152: {  	v0 =	vadd.f32 v32, v0;
	_ =	sdelay $0x1  }
0x153: {  	[tilespmem:s4+$0x138B0] =	vst v0  }
0x154: {  	v0 =	vld [tilespmem:s0+$0xFFFFFFFE];
	_ =	sdelay $0x4  }
0x155: {  	(v2sf) =	vpush v0, $0x0;
	_ =	sdelay $0xe  }
0x156: {  	s31 =	spop (v2sf)  }
0x157: {  	s12 =	simm.s32 $0x40;
	p0 =	sgt.s32 s31, $0x7A3FF  }
0x158: {  	s12 =	simm.s32 @!p0 $0x0  }
0x159: {  	v34 =	vld [tilespmem:s4+$0x19D00];
	s12 =	sadd.s32 s4, s12  }
0x15a: {  	v33 =	vld [tilespmem:s12+$0x6D00];
	_ =	sdelay $0x4  }
0x15b: {  	v1 =	vadd.f32 v34, v33;
	_ =	sdelay $0x1  }
0x15c: {  	v35 =	vld [tilespmem:s4+$0x19D10];
	[tilespmem:s4+$0x13900] =	vst v1  }
0x15d: {  	v1 =	vld [tilespmem:s12+$0x6D10];
	_ =	sdelay $0x4  }
0x15e: {  	(v2sf) =	vpush v0, $0x1;
	v1 =	vadd.f32 v35, v1;
	_ =	sdelay $0x1  }
0x15f: {  	v37 =	vld [tilespmem:s4+$0x19D20];
	[tilespmem:s4+$0x13910] =	vst v1  }
0x160: {  	v36 =	vld [tilespmem:s12+$0x6D20];
	_ =	sdelay $0x4  }
0x161: {  	v0 =	vadd.f32 v37, v36;
	_ =	sdelay $0x1  }
0x162: {  	v38 =	vld [tilespmem:s4+$0x19D30];
	[tilespmem:s4+$0x13920] =	vst v0  }
0x163: {  	v0 =	vld [tilespmem:s12+$0x6D30];
	_ =	sdelay $0x3  }
0x164: {  	s31 =	spop (v2sf)  }
0x165: {  	p0 =	sgt.s32 s31, $0x7A3FF;
	s12 =	simm.s32 $0x40;
	v0 =	vadd.f32 v38, v0  }
0x166: {  	s12 =	simm.s32 @!p0 $0x0  }
0x167: {  	v39 =	vld [tilespmem:s4+$0x19D80];
	s12 =	sadd.s32 s4, s12;
	[tilespmem:s4+$0x13930] =	vst v0  }
0x168: {  	v0 =	vld [tilespmem:s12+$0x6D80];
	_ =	sdelay $0x4  }
0x169: {  	v0 =	vadd.f32 v39, v0;
	_ =	sdelay $0x1  }
0x16a: {  	v40 =	vld [tilespmem:s4+$0x19D90];
	[tilespmem:s4+$0x13980] =	vst v0  }
0x16b: {  	v0 =	vld [tilespmem:s12+$0x6D90];
	_ =	sdelay $0x4  }
0x16c: {  	v0 =	vadd.f32 v40, v0;
	_ =	sdelay $0x1  }
0x16d: {  	v41 =	vld [tilespmem:s4+$0x19DA0];
	[tilespmem:s4+$0x13990] =	vst v0  }
0x16e: {  	v0 =	vld [tilespmem:s12+$0x6DA0];
	_ =	sdelay $0x4  }
0x16f: {  	v0 =	vadd.f32 v41, v0;
	_ =	sdelay $0x1  }
0x170: {  	v42 =	vld [tilespmem:s4+$0x19DB0];
	[tilespmem:s4+$0x139A0] =	vst v0  }
0x171: {  	v0 =	vld [tilespmem:s12+$0x6DB0];
	_ =	sdelay $0x4  }
0x172: {  	v0 =	vadd.f32 v42, v0;
	_ =	sdelay $0x1  }
0x173: {  	[tilespmem:s4+$0x139B0] =	vst v0  }
0x174: {  	v0 =	vld [tilespmem:s0+$0x0];
	_ =	sdelay $0x4  }
0x175: {  	(v2sf) =	vpush v0, $0x0;
	_ =	sdelay $0xe  }
0x176: {  	s31 =	spop (v2sf)  }
0x177: {  	s12 =	simm.s32 $0x40;
	p0 =	sgt.s32 s31, $0x7A3FF  }
0x178: {  	s12 =	simm.s32 @!p0 $0x0  }
0x179: {  	v44 =	vld [tilespmem:s4+$0x19E00];
	s12 =	sadd.s32 s4, s12  }
0x17a: {  	v43 =	vld [tilespmem:s12+$0x6E00];
	_ =	sdelay $0x4  }
0x17b: {  	v1 =	vadd.f32 v44, v43;
	_ =	sdelay $0x1  }
0x17c: {  	v45 =	vld [tilespmem:s4+$0x19E10];
	[tilespmem:s4+$0x13A00] =	vst v1  }
0x17d: {  	v1 =	vld [tilespmem:s12+$0x6E10];
	_ =	sdelay $0x4  }
0x17e: {  	(v2sf) =	vpush v0, $0x1;
	v1 =	vadd.f32 v45, v1;
	_ =	sdelay $0x1  }
0x17f: {  	v47 =	vld [tilespmem:s4+$0x19E20];
	[tilespmem:s4+$0x13A10] =	vst v1  }
0x180: {  	v46 =	vld [tilespmem:s12+$0x6E20];
	_ =	sdelay $0x4  }
0x181: {  	v0 =	vadd.f32 v47, v46;
	_ =	sdelay $0x1  }
0x182: {  	v48 =	vld [tilespmem:s4+$0x19E30];
	[tilespmem:s4+$0x13A20] =	vst v0  }
0x183: {  	v0 =	vld [tilespmem:s12+$0x6E30];
	_ =	sdelay $0x3  }
0x184: {  	s31 =	spop (v2sf)  }
0x185: {  	p0 =	sgt.s32 s31, $0x7A3FF;
	s12 =	simm.s32 $0x40;
	v0 =	vadd.f32 v48, v0  }
0x186: {  	s12 =	simm.s32 @!p0 $0x0  }
0x187: {  	v49 =	vld [tilespmem:s4+$0x19E80];
	s12 =	sadd.s32 s4, s12;
	[tilespmem:s4+$0x13A30] =	vst v0  }
0x188: {  	v0 =	vld [tilespmem:s12+$0x6E80];
	_ =	sdelay $0x4  }
0x189: {  	v0 =	vadd.f32 v49, v0;
	_ =	sdelay $0x1  }
0x18a: {  	v50 =	vld [tilespmem:s4+$0x19E90];
	[tilespmem:s4+$0x13A80] =	vst v0  }
0x18b: {  	v0 =	vld [tilespmem:s12+$0x6E90];
	_ =	sdelay $0x4  }
0x18c: {  	v0 =	vadd.f32 v50, v0;
	_ =	sdelay $0x1  }
0x18d: {  	v51 =	vld [tilespmem:s4+$0x19EA0];
	[tilespmem:s4+$0x13A90] =	vst v0  }
0x18e: {  	v0 =	vld [tilespmem:s12+$0x6EA0];
	_ =	sdelay $0x4  }
0x18f: {  	v0 =	vadd.f32 v51, v0;
	_ =	sdelay $0x1  }
0x190: {  	v52 =	vld [tilespmem:s4+$0x19EB0];
	[tilespmem:s4+$0x13AA0] =	vst v0  }
0x191: {  	v0 =	vld [tilespmem:s12+$0x6EB0];
	_ =	sdelay $0x4  }
0x192: {  	v0 =	vadd.f32 v52, v0;
	_ =	sdelay $0x1  }
0x193: {  	[tilespmem:s4+$0x13AB0] =	vst v0  }
0x194: {  	v0 =	vld [tilespmem:s0+$0x2];
	_ =	sdelay $0x4  }
0x195: {  	(v2sf) =	vpush v0, $0x0;
	_ =	sdelay $0xe  }
0x196: {  	s31 =	spop (v2sf)  }
0x197: {  	s12 =	simm.s32 $0x40;
	p0 =	sgt.s32 s31, $0x7A3FF  }
0x198: {  	s12 =	simm.s32 @!p0 $0x0  }
0x199: {  	v54 =	vld [tilespmem:s4+$0x19F00];
	s12 =	sadd.s32 s4, s12  }
0x19a: {  	v53 =	vld [tilespmem:s12+$0x6F00];
	_ =	sdelay $0x4  }
0x19b: {  	v1 =	vadd.f32 v54, v53;
	_ =	sdelay $0x1  }
0x19c: {  	v55 =	vld [tilespmem:s4+$0x19F10];
	[tilespmem:s4+$0x13B00] =	vst v1  }
0x19d: {  	v1 =	vld [tilespmem:s12+$0x6F10];
	_ =	sdelay $0x4  }
0x19e: {  	(v2sf) =	vpush v0, $0x1;
	v1 =	vadd.f32 v55, v1;
	_ =	sdelay $0x1  }
0x19f: {  	v57 =	vld [tilespmem:s4+$0x19F20];
	[tilespmem:s4+$0x13B10] =	vst v1  }
0x1a0: {  	v56 =	vld [tilespmem:s12+$0x6F20];
	_ =	sdelay $0x4  }
0x1a1: {  	v0 =	vadd.f32 v57, v56;
	_ =	sdelay $0x1  }
0x1a2: {  	v58 =	vld [tilespmem:s4+$0x19F30];
	[tilespmem:s4+$0x13B20] =	vst v0  }
0x1a3: {  	v0 =	vld [tilespmem:s12+$0x6F30];
	_ =	sdelay $0x3  }
0x1a4: {  	s31 =	spop (v2sf)  }
0x1a5: {  	p0 =	sgt.s32 s31, $0x7A3FF;
	s12 =	simm.s32 $0x40;
	v0 =	vadd.f32 v58, v0  }
0x1a6: {  	s12 =	simm.s32 @!p0 $0x0  }
0x1a7: {  	v59 =	vld [tilespmem:s4+$0x19F80];
	s12 =	sadd.s32 s4, s12;
	[tilespmem:s4+$0x13B30] =	vst v0  }
0x1a8: {  	v0 =	vld [tilespmem:s12+$0x6F80];
	_ =	sdelay $0x4  }
0x1a9: {  	v0 =	vadd.f32 v59, v0;
	_ =	sdelay $0x1  }
0x1aa: {  	v60 =	vld [tilespmem:s4+$0x19F90];
	[tilespmem:s4+$0x13B80] =	vst v0  }
0x1ab: {  	v0 =	vld [tilespmem:s12+$0x6F90];
	_ =	sdelay $0x4  }
0x1ac: {  	v0 =	vadd.f32 v60, v0;
	_ =	sdelay $0x1  }
0x1ad: {  	v61 =	vld [tilespmem:s4+$0x19FA0];
	[tilespmem:s4+$0x13B90] =	vst v0  }
0x1ae: {  	v0 =	vld [tilespmem:s12+$0x6FA0];
	_ =	sdelay $0x4  }
0x1af: {  	v0 =	vadd.f32 v61, v0;
	_ =	sdelay $0x1  }
0x1b0: {  	v62 =	vld [tilespmem:s4+$0x19FB0];
	[tilespmem:s4+$0x13BA0] =	vst v0  }
0x1b1: {  	v0 =	vld [tilespmem:s12+$0x6FB0]  }
0x1b2: {  	s30 =	sadd.s32 $0x4, s30  }
0x1b3: {  	p0 =	slt.u32 s30, $0x60  }
.Ltmp4:
0x1b4: {  	_ = 	snop;
	(pc) =	sbr.rel @p0 .LBB2_9-.Ltmp4, $3  }
0x1b5: {  	_ = 	snop  }
0x1b6: {  	v0 =	vadd.f32 v62, v0;
	_ =	sdelay $0x1  }
0x1b7: {  	s3 =	sadd.s32 $0x1000, s3;
	s0 =	sadd.s32 $0x8, s0;
	[tilespmem:s4+$0x13BB0] =	vst v0  }
0x1b8: {  	p0 =	sne.s32 s28, $0x40  }
.Ltmp5:
0x1b9: {  	_ = 	snop;
	(pc) =	sbr.rel @p0 .LBB2_2-.Ltmp5, $3  }
0x1ba: {  	s0 =	smul.u32 $0xC80, s29;
	_ =	sdelay $0x1  }
0x1bb: {  	s0 =	sadd.s32 s6, s0  }
0x1bc: {  	[hbm4b:s0+s5] =	stream.linear.scatter [tilespmem:s24], [sflag:$0x4], $0x6400, $0x38;
	v63 =	vld [tilespmem:$0x0]  }
0x1bd: {  	s26 =	sadd.s32 $0x1, s26  }
0x1be: {  	_ =	swait.ge [sflag:s25], $0x6400;
	p0 =	sne.s32 s26, s10  }
.Ltmp6:
0x1bf: {  	[sflag:s25] =	ssyncset.done $0x0;
	(pc) =	sbr.rel @p0 .LBB2_1-.Ltmp6, $4  }
0x1c0: {  	[sflag:s25] =	ssyncadd.s32 $0xFFFF9C00  }
0x1c1: {  	_ =	swait.ge [sflag:s23], $0x6400  }
0x1c2: {  	[sflag:s23] =	ssyncset.done $0x0  }
0x1c3: {  	[sflag:s23] =	ssyncadd.s32 $0xFFFF9C00  }
0x1c4: {  	_ =	sfence.sel $0x180000  }
0x1c5: {  	[bflag:$0x0] =	sbarrier.arrive $0xFFFF  }
0x1c6: {  	_ =	strace $0x90000047  }
0x1c7: {  	s0 =	stileid.u32;
	[bflag:$0x2] =	sbarrier.arrive $0xFFFF  }
0x1c8: {  	p0 =	sne.s32 s0, $0x0;
	s0 =	rddreg [dreg:$0x4]  }
0x1c9: {  	s0 =	sadd.s32 @!p0 $0x100000, s0  }
0x1ca: {  	[sflag:s0] =	ssyncadd.tile.s32 @!p0 $0x1;
	_ =	shalt  }
.Lfunc_end2:
_tile_overlayer_lowered:
.L_overlay_start_2:
0x1cb: {  	(tag) =	ssettag $0x2  }
0x1cc: {  	s0 =	rddreg [dreg:$0x0];
	s2 =	stileid.u32  }
0x1cd: {  	s1 =	rddreg [dreg:$0x1];
	p0 =	sne.s32 s2, $0x0  }
0x1ce: {  	s3 =	rddreg [dreg:$0x2];
	[bflag:$0x3] =	sbarrier.arrive $0xFFFF;
	s2 =	simm.s32 @!p0 $0x1C05  }
0x1cf: {  	[timem:s3], [sflag:s2] =	dma.local @!p0 [hbm:s0], s1  }
0x1d0: {  	s0 =	simm.s32 @!p0 $0x5  }
0x1d1: {  	_ =	swait.ge @!p0 [sflag:s0], s1  }
0x1d2: {  	s1 =	ssub.s32 @!p0 $0x0, s1;
	[sflag:s0] =	ssyncset.done @!p0 $0x0  }
0x1d3: {  	[sflag:s0] =	ssyncadd.s32 @!p0 s1  }
0x1d4: {  	[bflag:$0x3] =	sbarrier.arrive $0xFFFF  }
0x1d5: {  	_ =	shalt  }

</sc_bundles>
